<compile_context>
chip_gen: v7x
topology: tpu7x:2x2x1
jax: 0.10.2.dev20260603
libtpu: 0.0.44.dev20260713+nightly
codegen_flags: <defaults>
</compile_context>

<pallas_src>
import functools

import jax
import jax.numpy as jnp
from jax import lax
from jax.experimental import pallas as pl
from jax.experimental.pallas import tpu as pltpu
from jax.experimental.pallas import tpu_sc as plsc

N = 10000
E = 160000
D = 256
B = 8

NC = 2
NS = 16
CH = 125
NROWS = E // CH
RPS = NROWS // NS
SEG = 2
SROWS = RPS // SEG
RPW = NROWS // (NS * NC)
NPAD = 10240
NPS = NPAD // NS
NLAST = N - (NS - 1) * NPS
DEGW = 32

NQ = N // 4
RQ = 500
NPQ = NQ // RQ
R = 400
NP = N // R


def _deg_body(e_hbm, ones_hbm, zeros_hbm, out_hbm, idx_v, ones_v, acc, sem):
    c = lax.axis_index("c")
    s = lax.axis_index("s")
    pltpu.sync_copy(zeros_hbm, acc.at[pl.ds(s * NPS, NPS)])
    wid = c * NS + s
    pltpu.sync_copy(e_hbm.at[1].at[pl.ds(wid * RPW, RPW)], idx_v)
    pltpu.sync_copy(ones_hbm, ones_v)
    plsc.subcore_barrier()

    def chunk(j, carry):
        pltpu.sync_copy(ones_v, acc.at[idx_v.at[j]], add=True)
        return carry

    lax.fori_loop(0, RPW, chunk, 0)
    plsc.subcore_barrier()
    _copy_out(acc, out_hbm.at[c], s)


def _copy_out(acc, out2d, s):
    @pl.when(s < NS - 1)
    def _():
        pltpu.sync_copy(acc.at[pl.ds(s * NPS, NPS)],
                        out2d.at[pl.ds(s * NPS, NPS)])

    @pl.when(s == NS - 1)
    def _():
        pltpu.sync_copy(acc.at[pl.ds((NS - 1) * NPS, NLAST)],
                        out2d.at[pl.ds((NS - 1) * NPS, NLAST)])


@functools.cache
def _mesh():
    return plsc.VectorSubcoreMesh(core_axis_name="c", subcore_axis_name="s",
                                  num_cores=NC, num_subcores=NS)


_SC_PARAMS = pltpu.CompilerParams(use_tc_tiling_on_sc=False)


@functools.cache
def _deg_kernel():
    return pl.kernel(
        _deg_body,
        out_type=jax.ShapeDtypeStruct((NC, N, DEGW), jnp.float32),
        mesh=_mesh(),
        scratch_types=[
            pltpu.VMEM((RPW, CH), jnp.int32),
            pltpu.VMEM((CH, DEGW), jnp.float32),
            pltpu.VMEM_SHARED((NPAD, DEGW), jnp.float32),
            pltpu.SemaphoreType.DMA,
        ],
        compiler_params=_SC_PARAMS,
    )


def _edge_pipeline(e_hbm, tab, acc, src_v, dst_v, bufs, sems,
                   row_base, nrows, nseg):
    nb = len(bufs)

    def seg(t, carry):
        base = row_base + t * nrows
        pltpu.sync_copy(e_hbm.at[0].at[pl.ds(base, nrows)], src_v)
        pltpu.sync_copy(e_hbm.at[1].at[pl.ds(base, nrows)], dst_v)
        for b in range(nb):
            pltpu.async_copy(tab.at[src_v.at[b]], bufs[b], sems[b])

        def grp(i, carry2):
            g0 = nb * i
            for b in range(nb):
                g = g0 + b
                pltpu.make_async_copy(tab.at[src_v.at[g]], bufs[b],
                                      sems[b]).wait()
                pltpu.sync_copy(bufs[b], acc.at[dst_v.at[g]], add=True)

                @pl.when(g + nb < nrows)
                def _(g=g, b=b):
                    pltpu.async_copy(tab.at[src_v.at[g + nb]], bufs[b],
                                     sems[b])
            return carry2

        lax.fori_loop(0, nrows // nb, grp, 0)
        return carry

    lax.fori_loop(0, nseg, seg, 0)


def _edge_fsplit_body(fh, depth, e_hbm, hcat_hbm, zeros_hbm, out_hbm,
                      src_v, dst_v, *rest):
    bufs, sems, acc = rest[:depth], rest[depth + 1:], rest[depth]
    c = lax.axis_index("c")
    s = lax.axis_index("s")
    pltpu.sync_copy(zeros_hbm, acc.at[pl.ds(s * NPS, NPS)])
    plsc.subcore_barrier()
    _edge_pipeline(e_hbm, hcat_hbm.at[c], acc, src_v, dst_v, bufs, sems,
                   s * RPS, SROWS, SEG)
    plsc.subcore_barrier()
    _copy_out(acc, out_hbm.at[c], s)


def _edge_esplit_body(e_hbm, h_hbm, zeros_hbm, out_hbm,
                      src_v, dst_v, rows0, rows1, acc, sem0, sem1):
    c = lax.axis_index("c")
    s = lax.axis_index("s")
    pltpu.sync_copy(zeros_hbm, acc.at[pl.ds(s * NPS, NPS)])
    plsc.subcore_barrier()
    _edge_pipeline(e_hbm, h_hbm, acc, src_v, dst_v, [rows0, rows1],
                   [sem0, sem1], (c * NS + s) * RPW, RPW, 1)
    plsc.subcore_barrier()
    _copy_out(acc, out_hbm.at[c], s)


@functools.cache
def _edge_fsplit(fh):
    depth = 4 if fh <= 32 else 2
    return pl.kernel(
        functools.partial(_edge_fsplit_body, fh, depth),
        out_type=jax.ShapeDtypeStruct((NC, N, fh), jnp.float32),
        mesh=_mesh(),
        scratch_types=(
            [pltpu.VMEM((SROWS, CH), jnp.int32),
             pltpu.VMEM((SROWS, CH), jnp.int32)]
            + [pltpu.VMEM((CH, fh), jnp.float32)] * depth
            + [pltpu.VMEM_SHARED((NPAD, fh), jnp.float32)]
            + [pltpu.SemaphoreType.DMA] * depth),
        compiler_params=_SC_PARAMS,
    )


@functools.cache
def _edge_esplit():
    return pl.kernel(
        _edge_esplit_body,
        out_type=jax.ShapeDtypeStruct((NC, N, 128), jnp.float32),
        mesh=_mesh(),
        scratch_types=[
            pltpu.VMEM((RPW, CH), jnp.int32),
            pltpu.VMEM((RPW, CH), jnp.int32),
            pltpu.VMEM((CH, 128), jnp.float32),
            pltpu.VMEM((CH, 128), jnp.float32),
            pltpu.VMEM_SHARED((NPAD, 128), jnp.float32),
            pltpu.SemaphoreType.DMA,
            pltpu.SemaphoreType.DMA,
        ],
        compiler_params=_SC_PARAMS,
    )


def _tc_first_body(x_ref, w0_ref, w1_ref, degp_ref, o_ref, dinvb_ref):
    d = degp_ref[0] + degp_ref[1] + 1.0
    dinv4 = lax.rsqrt(d)
    xr = x_ref[...].reshape(NQ, 4, D)
    xj = [xr[:, j, :] for j in range(4)]
    for c, w_ref in ((0, w0_ref), (1, w1_ref)):
        w = w_ref[...]
        u = jnp.concatenate(
            [jnp.dot(xj[j], w, preferred_element_type=jnp.float32)
             for j in range(4)], axis=1)
        o_ref[c] = u * dinv4
    li = lax.broadcasted_iota(jnp.int32, (128, 512), 0)
    oi = lax.broadcasted_iota(jnp.int32, (128, 512), 1)
    m = ((li % 32 == 0) & (oi // 128 == li // 32)).astype(jnp.float32)
    dinvb_ref[...] = jnp.dot(dinv4, m, preferred_element_type=jnp.float32)


_tc_first = pl.pallas_call(
    _tc_first_body,
    out_shape=[
        jax.ShapeDtypeStruct((NC, NQ, 128), jnp.float32),
        jax.ShapeDtypeStruct((NQ, 512), jnp.float32),
    ],
)


def _tc_mid2_body(s_ref, h_ref, degp_ref, b0_ref, b1_ref, w0_ref, w1_ref,
                  o_ref):
    d = degp_ref[0] + degp_ref[1] + 1.0
    dinv4 = lax.rsqrt(d)
    hp0 = jnp.maximum(dinv4 * (s_ref[0] + h_ref[0]) + b0_ref[...], 0.0) * dinv4
    hp1 = jnp.maximum(dinv4 * (s_ref[1] + h_ref[1]) + b1_ref[...], 0.0) * dinv4
    o_ref[...] = (
        jnp.dot(hp0, w0_ref[...], preferred_element_type=jnp.float32)
        + jnp.dot(hp1, w1_ref[...], preferred_element_type=jnp.float32))


_tc_mid2 = pl.pallas_call(
    _tc_mid2_body,
    out_shape=jax.ShapeDtypeStruct((NQ, 512), jnp.float32),
)


def _tc_mid3_body(s_ref, h_ref, dinvb_ref, b_ref, w_ref, o_ref):
    dinv = dinvb_ref[...]
    pre = s_ref[0] + s_ref[1] + h_ref[...]
    h = jnp.maximum(dinv * pre + b_ref[...], 0.0) * dinv
    u = jnp.dot(h, w_ref[...], preferred_element_type=jnp.float32)
    o_ref[0] = u[:, :128]
    o_ref[1] = u[:, 128:]


_tc_mid3 = pl.pallas_call(
    _tc_mid3_body,
    grid=(NP,),
    in_specs=[
        pl.BlockSpec((NC, R, 128), lambda i: (0, i, 0)),
        pl.BlockSpec((R, 128), lambda i: (i, 0)),
        pl.BlockSpec((R, 128), lambda i: (i, 0)),
        pl.BlockSpec((1, 128), lambda i: (0, 0)),
        pl.BlockSpec((128, 256), lambda i: (0, 0)),
    ],
    out_specs=pl.BlockSpec((NC, R, 128), lambda i: (0, i, 0)),
    out_shape=jax.ShapeDtypeStruct((NC, N, 128), jnp.float32),
)


def _tc_head_body(s_ref, h_ref, dinvb_ref, b3_ref, blo_ref, bhi_ref, cnt_ref,
                  wf1_ref, bf1_ref, wf2_ref, bf2_ref, wf3_ref, bf3_ref,
                  o_ref, acc):
    i = pl.program_id(0)

    @pl.when(i == 0)
    def _():
        acc[...] = jnp.zeros_like(acc)

    pre = jnp.concatenate([s_ref[0] + h_ref[0], s_ref[1] + h_ref[1]], axis=1)
    dinv = dinvb_ref[:, 0:1]
    h4 = jnp.maximum(dinv * pre + b3_ref[...], 0.0)
    ridx = lax.broadcasted_iota(jnp.int32, (R, B), 0) + i * R
    maskt = ((ridx >= blo_ref[...]) & (ridx < bhi_ref[...])).astype(jnp.float32)
    acc[...] += lax.dot_general(maskt, h4, (((0,), (0,)), ((), ())),
                                preferred_element_type=jnp.float32)

    @pl.when(i == NP - 1)
    def _():
        g = acc[...] / cnt_ref[...]
        g1 = jnp.maximum(
            jnp.dot(g, wf1_ref[...], preferred_element_type=jnp.float32)
            + bf1_ref[...], 0.0)
        g2 = jnp.maximum(
            jnp.dot(g1, wf2_ref[...], preferred_element_type=jnp.float32)
            + bf2_ref[...], 0.0)
        o_ref[...] = (jnp.dot(g2, wf3_ref[...],
                              preferred_element_type=jnp.float32)
                      + bf3_ref[...])


_tc_head = pl.pallas_call(
    _tc_head_body,
    grid=(NP,),
    in_specs=[
        pl.BlockSpec((NC, R, 128), lambda i: (0, i, 0)),
        pl.BlockSpec((NC, R, 128), lambda i: (0, i, 0)),
        pl.BlockSpec((R, 128), lambda i: (i, 0)),
        pl.BlockSpec((1, D), lambda i: (0, 0)),
        pl.BlockSpec((1, B), lambda i: (0, 0)),
        pl.BlockSpec((1, B), lambda i: (0, 0)),
        pl.BlockSpec((B, 1), lambda i: (0, 0)),
        pl.BlockSpec((D, 128), lambda i: (0, 0)),
        pl.BlockSpec((1, 128), lambda i: (0, 0)),
        pl.BlockSpec((128, 64), lambda i: (0, 0)),
        pl.BlockSpec((1, 64), lambda i: (0, 0)),
        pl.BlockSpec((64, 128), lambda i: (0, 0)),
        pl.BlockSpec((1, 128), lambda i: (0, 0)),
    ],
    out_specs=pl.BlockSpec((B, 128), lambda i: (0, 0)),
    out_shape=jax.ShapeDtypeStruct((B, 128), jnp.float32),
    scratch_shapes=[
        pltpu.VMEM((B, D), jnp.float32),
    ],
)


def _blockdiag4(a):
    r, c = a.shape
    out = jnp.zeros((4, r, 4, c), a.dtype)
    for j in range(4):
        out = out.at[j, :, j, :].set(a)
    return out.reshape(4 * r, 4 * c)


def kernel(x, edge_index, batch, W1, b1, W2, b2, W3, b3,
           Wf1, bf1, Wf2, bf2, Wf3, bf3):

    bnd = jnp.sum(batch[:, None] < jnp.arange(B + 1, dtype=batch.dtype)[None, :],
                  axis=0, dtype=jnp.int32)
    blo = bnd[:B].reshape(1, B)
    bhi = bnd[1:].reshape(1, B)
    cnt = jnp.maximum(bhi - blo, 1).astype(jnp.float32).reshape(B, 1)

    bd2_0 = _blockdiag4(W2[:32, :])
    bd2_1 = _blockdiag4(W2[32:, :])
    b4_0 = jnp.tile(b1[:32], 4).reshape(1, 128)
    b4_1 = jnp.tile(b1[32:], 4).reshape(1, 128)

    ones32 = jnp.ones((CH, DEGW), jnp.float32)
    zeros32 = jnp.zeros((NPS, DEGW), jnp.float32)
    z128 = jnp.zeros((NPS, 128), jnp.float32)

    e3 = edge_index.reshape(2, NROWS, CH)
    degp = _deg_kernel()(e3, ones32, zeros32)
    degv = degp.reshape(NC, NQ, 128)

    h1, dinvq = _tc_first(x, W1[:, :32], W1[:, 32:], degv)
    dinvb = dinvq.reshape(N, 128)
    s1 = _edge_fsplit(32)(e3, h1.reshape(NC, N, 32), zeros32)

    h2q = _tc_mid2(s1.reshape(NC, NQ, 128), h1, degv, b4_0, b4_1, bd2_0, bd2_1)
    h2 = h2q.reshape(N, 128)
    s2 = _edge_esplit()(e3, h2, z128)

    h3 = _tc_mid3(s2, h2, dinvb, b2.reshape(1, 128), W3)
    s3 = _edge_fsplit(128)(e3, h3, z128)

    wf3p = jnp.pad(Wf3, ((0, 0), (0, 128 - Wf3.shape[1])))
    bf3p = jnp.pad(bf3, (0, 128 - bf3.shape[0])).reshape(1, 128)
    out = _tc_head(s3, h3, dinvb, b3.reshape(1, D),
                   blo, bhi, cnt,
                   Wf1, bf1.reshape(1, 128), Wf2, bf2.reshape(1, 64),
                   wf3p, bf3p)
    return out[:, :Wf3.shape[1]]

# --- scband reference (transcript-rebuilt; emitter-appended) ---
"""Pipeline reference for scband-graph2-latent-59889023975749 (READ-ONLY COPY).

The authoritative reference and input builder live on the scoring server;
editing this copy changes nothing except your own understanding.
"""

import jax, jax.numpy as jnp
import numpy as np

N = 10000
E = 160000
D = 256
B = 8
LATENT = 20


def _glorot(k, shape):
    return jax.random.normal(k, shape, dtype=jnp.float32) * jnp.sqrt(2.0 / (shape[0] + shape[1]))


def setup_inputs(seed: int = 0) -> dict:
    key = jax.random.key(seed)
    ks = jax.random.split(key, 16)
    x = jax.random.normal(ks[0], (N, D), dtype=jnp.float32)
    edge_index = jax.random.randint(ks[1], (2, E), 0, N, dtype=jnp.int32)
    batch = jnp.sort(jax.random.randint(ks[2], (N,), 0, B, dtype=jnp.int32))
    return {
        'x': x,
        'edge_index': edge_index,
        'batch': batch,
        'W1': _glorot(ks[3], (D, 64)),   'b1': jnp.zeros((64,), jnp.float32),
        'W2': _glorot(ks[4], (64, 128)), 'b2': jnp.zeros((128,), jnp.float32),
        'W3': _glorot(ks[5], (128, 256)),'b3': jnp.zeros((256,), jnp.float32),
        'Wf1': _glorot(ks[6], (256, 128)),'bf1': jnp.zeros((128,), jnp.float32),
        'Wf2': _glorot(ks[7], (128, 64)), 'bf2': jnp.zeros((64,), jnp.float32),
        'Wf3': _glorot(ks[8], (64, LATENT)),'bf3': jnp.zeros((LATENT,), jnp.float32),
    }


def _gcn_conv(x, edge_index, W, b):
    n = x.shape[0]
    loops = jnp.arange(n, dtype=edge_index.dtype)
    src = jnp.concatenate([edge_index[0], loops])
    dst = jnp.concatenate([edge_index[1], loops])
    deg = jnp.zeros((n,), x.dtype).at[dst].add(1.0)
    dinv = jnp.where(deg > 0, 1.0 / jnp.sqrt(deg), 0.0)
    norm = dinv[src] * dinv[dst]
    h = x @ W
    out = jnp.zeros((n, W.shape[1]), x.dtype).at[dst].add(h[src] * norm[:, None])
    return out + b


def reference(x, edge_index, batch, W1, b1, W2, b2, W3, b3, Wf1, bf1, Wf2, bf2, Wf3, bf3):
    h = jax.nn.relu(_gcn_conv(x, edge_index, W1, b1))
    h = jax.nn.relu(_gcn_conv(h, edge_index, W2, b2))
    h = jax.nn.relu(_gcn_conv(h, edge_index, W3, b3))
    # global_mean_pool
    sums = jax.ops.segment_sum(h, batch, num_segments=B)
    cnt = jax.ops.segment_sum(jnp.ones((h.shape[0], 1), h.dtype), batch, num_segments=B)
    g = sums / jnp.maximum(cnt, 1.0)
    # MLP head (dropout is identity in eval mode)
    g = jax.nn.relu(g @ Wf1 + bf1)
    g = jax.nn.relu(g @ Wf2 + bf2)
    g = g @ Wf3 + bf3
    return g

if __name__ == "__main__":
    import jax
    _d = setup_inputs()
    print(jax.jit(kernel)(*tuple(_d.values())))

</pallas_src>

<mosaic_0001>
#map = affine_map<(d0, d1) -> (0, 0, 0)>
#map1 = affine_map<(d0, d1) -> (0, 0)>
module attributes {stable_mosaic.version = 14 : i64} {
  func.func @_edge_esplit_body(%arg0: i32, %arg1: i32, %arg2: memref<2x1280x125xi32, #tpu.memory_space<hbm>>, %arg3: memref<10000x128xf32, #tpu.memory_space<hbm>>, %arg4: memref<640x128xf32, #tpu.memory_space<hbm>>, %arg5: memref<2x10000x128xf32, #tpu.memory_space<hbm>>, %arg6: memref<40x125xi32, #tpu.memory_space<vmem>>, %arg7: memref<40x125xi32, #tpu.memory_space<vmem>>, %arg8: memref<125x128xf32, #tpu.memory_space<vmem>>, %arg9: memref<125x128xf32, #tpu.memory_space<vmem>>, %arg10: memref<10240x128xf32, #tpu.memory_space<vmem_shared>>, %arg11: memref<!tpu.dma_semaphore, #tpu.memory_space<semaphore_mem>>, %arg12: memref<!tpu.dma_semaphore, #tpu.memory_space<semaphore_mem>>) attributes {dimension_semantics = [#tpu.dimension_semantics<core_parallel>, #tpu.dimension_semantics<subcore_parallel>], iteration_bounds = array<i64: 2, 16>, scalar_prefetch = 0 : i64, scratch_operands = 7 : i64, tpu.core_type = #tpu.core_type<sc_vector_subcore>, window_params = [{transform_indices = #map}, {transform_indices = #map1}, {transform_indices = #map1}, {transform_indices = #map}]} {
    %mul3A = arith.constant 640 : i32
    %mul3A_0 = arith.muli %arg1, %mul3A : i32
    "tpu.region"() ({
      %run_scoped3A_37 = tpu.sem_alloc : memref<!tpu.dma_semaphore, #tpu.memory_space<semaphore_mem>>
      %dma_start3A_38 = arith.constant 0 : i32
      %dma_start3A_39 = tpu.memref_slice %arg10[%mul3A_0, %dma_start3A_38] : memref<10240x128xf32, #tpu.memory_space<vmem_shared>> -> memref<640x128xf32, #tpu.memory_space<vmem_shared>>
      tpu.enqueue_dma source(%arg4 : memref<640x128xf32, #tpu.memory_space<hbm>>) target(%dma_start3A_39 : memref<640x128xf32, #tpu.memory_space<vmem_shared>>) target_semaphore(%run_scoped3A_37 : memref<!tpu.dma_semaphore, #tpu.memory_space<semaphore_mem>>)
      %dma_wait3A = arith.constant 0 : i32
      %dma_wait3A_40 = tpu.memref_slice %arg10[%mul3A_0, %dma_wait3A] : memref<10240x128xf32, #tpu.memory_space<vmem_shared>> -> memref<640x128xf32, #tpu.memory_space<vmem_shared>>
      tpu.wait_dma2 semaphore(%run_scoped3A_37 : memref<!tpu.dma_semaphore, #tpu.memory_space<semaphore_mem>>) src(%arg4 : memref<640x128xf32, #tpu.memory_space<hbm>>) dst(%dma_wait3A_40 : memref<640x128xf32, #tpu.memory_space<vmem_shared>>)
      tpu.yield
    }) : () -> ()
    %barrier3A = arith.constant 0 : index
    tpu.barrier barrier_id(%barrier3A)
    %mul3A_1 = arith.constant 16 : i32
    %mul3A_2 = arith.muli %arg0, %mul3A_1 : i32
    %add3A = arith.addi %mul3A_2, %arg1 : i32
    %mul3A_3 = arith.constant 40 : i32
    %mul3A_4 = arith.muli %add3A, %mul3A_3 : i32
    %scan3A = arith.constant 0 : i32
    %scan3A_5 = arith.constant 0 : i32
    %mul3A_6 = arith.constant 40 : i32
    %mul3A_7 = arith.muli %scan3A_5, %mul3A_6 : i32
    %add3A_8 = arith.addi %mul3A_4, %mul3A_7 : i32
    %run_scoped3A = arith.constant 0 : i32
    "tpu.region"() ({
      %run_scoped3A_37 = tpu.sem_alloc : memref<!tpu.dma_semaphore, #tpu.memory_space<semaphore_mem>>
      %dma_start3A_38 = arith.constant 0 : i32
      %dma_start3A_39 = arith.constant 0 : i32
      %dma_start3A_40 = tpu.memref_slice %arg2[%run_scoped3A, %dma_start3A_38, %dma_start3A_39] : memref<2x1280x125xi32, #tpu.memory_space<hbm>> -> memref<1x1280x125xi32, #tpu.memory_space<hbm>>
      %dma_start3A_41 = tpu.memref_squeeze %dma_start3A_40 : memref<1x1280x125xi32, #tpu.memory_space<hbm>> -> memref<1280x125xi32, #tpu.memory_space<hbm>>
      %dma_start3A_42 = arith.constant 0 : i32
      %dma_start3A_43 = tpu.memref_slice %dma_start3A_41[%add3A_8, %dma_start3A_42] : memref<1280x125xi32, #tpu.memory_space<hbm>> -> memref<40x125xi32, #tpu.memory_space<hbm>>
      %dma_start3A_44 = arith.constant 0 : i32
      %dma_start3A_45 = arith.constant 0 : i32
      %dma_start3A_46 = tpu.memref_slice %arg2[%run_scoped3A, %dma_start3A_44, %dma_start3A_45] : memref<2x1280x125xi32, #tpu.memory_space<hbm>> -> memref<1x1280x125xi32, #tpu.memory_space<hbm>>
      %dma_start3A_47 = tpu.memref_squeeze %dma_start3A_46 : memref<1x1280x125xi32, #tpu.memory_space<hbm>> -> memref<1280x125xi32, #tpu.memory_space<hbm>>
      %dma_start3A_48 = arith.constant 0 : i32
      %dma_start3A_49 = tpu.memref_slice %dma_start3A_47[%add3A_8, %dma_start3A_48] : memref<1280x125xi32, #tpu.memory_space<hbm>> -> memref<40x125xi32, #tpu.memory_space<hbm>>
      tpu.enqueue_dma source(%dma_start3A_49 : memref<40x125xi32, #tpu.memory_space<hbm>>) target(%arg6 : memref<40x125xi32, #tpu.memory_space<vmem>>) target_semaphore(%run_scoped3A_37 : memref<!tpu.dma_semaphore, #tpu.memory_space<semaphore_mem>>)
      %dma_wait3A = arith.constant 0 : i32
      %dma_wait3A_50 = arith.constant 0 : i32
      %dma_wait3A_51 = tpu.memref_slice %arg2[%run_scoped3A, %dma_wait3A, %dma_wait3A_50] : memref<2x1280x125xi32, #tpu.memory_space<hbm>> -> memref<1x1280x125xi32, #tpu.memory_space<hbm>>
      %dma_wait3A_52 = tpu.memref_squeeze %dma_wait3A_51 : memref<1x1280x125xi32, #tpu.memory_space<hbm>> -> memref<1280x125xi32, #tpu.memory_space<hbm>>
      %dma_wait3A_53 = arith.constant 0 : i32
      %dma_wait3A_54 = tpu.memref_slice %dma_wait3A_52[%add3A_8, %dma_wait3A_53] : memref<1280x125xi32, #tpu.memory_space<hbm>> -> memref<40x125xi32, #tpu.memory_space<hbm>>
      %dma_wait3A_55 = arith.constant 0 : i32
      %dma_wait3A_56 = arith.constant 0 : i32
      %dma_wait3A_57 = tpu.memref_slice %arg2[%run_scoped3A, %dma_wait3A_55, %dma_wait3A_56] : memref<2x1280x125xi32, #tpu.memory_space<hbm>> -> memref<1x1280x125xi32, #tpu.memory_space<hbm>>
      %dma_wait3A_58 = tpu.memref_squeeze %dma_wait3A_57 : memref<1x1280x125xi32, #tpu.memory_space<hbm>> -> memref<1280x125xi32, #tpu.memory_space<hbm>>
      %dma_wait3A_59 = arith.constant 0 : i32
      %dma_wait3A_60 = tpu.memref_slice %dma_wait3A_58[%add3A_8, %dma_wait3A_59] : memref<1280x125xi32, #tpu.memory_space<hbm>> -> memref<40x125xi32, #tpu.memory_space<hbm>>
      tpu.wait_dma2 semaphore(%run_scoped3A_37 : memref<!tpu.dma_semaphore, #tpu.memory_space<semaphore_mem>>) src(%dma_wait3A_60 : memref<40x125xi32, #tpu.memory_space<hbm>>) dst(%arg6 : memref<40x125xi32, #tpu.memory_space<vmem>>)
      tpu.yield
    }) : () -> ()
    %run_scoped3A_9 = arith.constant 1 : i32
    "tpu.region"() ({
      %run_scoped3A_37 = tpu.sem_alloc : memref<!tpu.dma_semaphore, #tpu.memory_space<semaphore_mem>>
      %dma_start3A_38 = arith.constant 0 : i32
      %dma_start3A_39 = arith.constant 0 : i32
      %dma_start3A_40 = tpu.memref_slice %arg2[%run_scoped3A_9, %dma_start3A_38, %dma_start3A_39] : memref<2x1280x125xi32, #tpu.memory_space<hbm>> -> memref<1x1280x125xi32, #tpu.memory_space<hbm>>
      %dma_start3A_41 = tpu.memref_squeeze %dma_start3A_40 : memref<1x1280x125xi32, #tpu.memory_space<hbm>> -> memref<1280x125xi32, #tpu.memory_space<hbm>>
      %dma_start3A_42 = arith.constant 0 : i32
      %dma_start3A_43 = tpu.memref_slice %dma_start3A_41[%add3A_8, %dma_start3A_42] : memref<1280x125xi32, #tpu.memory_space<hbm>> -> memref<40x125xi32, #tpu.memory_space<hbm>>
      %dma_start3A_44 = arith.constant 0 : i32
      %dma_start3A_45 = arith.constant 0 : i32
      %dma_start3A_46 = tpu.memref_slice %arg2[%run_scoped3A_9, %dma_start3A_44, %dma_start3A_45] : memref<2x1280x125xi32, #tpu.memory_space<hbm>> -> memref<1x1280x125xi32, #tpu.memory_space<hbm>>
      %dma_start3A_47 = tpu.memref_squeeze %dma_start3A_46 : memref<1x1280x125xi32, #tpu.memory_space<hbm>> -> memref<1280x125xi32, #tpu.memory_space<hbm>>
      %dma_start3A_48 = arith.constant 0 : i32
      %dma_start3A_49 = tpu.memref_slice %dma_start3A_47[%add3A_8, %dma_start3A_48] : memref<1280x125xi32, #tpu.memory_space<hbm>> -> memref<40x125xi32, #tpu.memory_space<hbm>>
      tpu.enqueue_dma source(%dma_start3A_49 : memref<40x125xi32, #tpu.memory_space<hbm>>) target(%arg7 : memref<40x125xi32, #tpu.memory_space<vmem>>) target_semaphore(%run_scoped3A_37 : memref<!tpu.dma_semaphore, #tpu.memory_space<semaphore_mem>>)
      %dma_wait3A = arith.constant 0 : i32
      %dma_wait3A_50 = arith.constant 0 : i32
      %dma_wait3A_51 = tpu.memref_slice %arg2[%run_scoped3A_9, %dma_wait3A, %dma_wait3A_50] : memref<2x1280x125xi32, #tpu.memory_space<hbm>> -> memref<1x1280x125xi32, #tpu.memory_space<hbm>>
      %dma_wait3A_52 = tpu.memref_squeeze %dma_wait3A_51 : memref<1x1280x125xi32, #tpu.memory_space<hbm>> -> memref<1280x125xi32, #tpu.memory_space<hbm>>
      %dma_wait3A_53 = arith.constant 0 : i32
      %dma_wait3A_54 = tpu.memref_slice %dma_wait3A_52[%add3A_8, %dma_wait3A_53] : memref<1280x125xi32, #tpu.memory_space<hbm>> -> memref<40x125xi32, #tpu.memory_space<hbm>>
      %dma_wait3A_55 = arith.constant 0 : i32
      %dma_wait3A_56 = arith.constant 0 : i32
      %dma_wait3A_57 = tpu.memref_slice %arg2[%run_scoped3A_9, %dma_wait3A_55, %dma_wait3A_56] : memref<2x1280x125xi32, #tpu.memory_space<hbm>> -> memref<1x1280x125xi32, #tpu.memory_space<hbm>>
      %dma_wait3A_58 = tpu.memref_squeeze %dma_wait3A_57 : memref<1x1280x125xi32, #tpu.memory_space<hbm>> -> memref<1280x125xi32, #tpu.memory_space<hbm>>
      %dma_wait3A_59 = arith.constant 0 : i32
      %dma_wait3A_60 = tpu.memref_slice %dma_wait3A_58[%add3A_8, %dma_wait3A_59] : memref<1280x125xi32, #tpu.memory_space<hbm>> -> memref<40x125xi32, #tpu.memory_space<hbm>>
      tpu.wait_dma2 semaphore(%run_scoped3A_37 : memref<!tpu.dma_semaphore, #tpu.memory_space<semaphore_mem>>) src(%dma_wait3A_60 : memref<40x125xi32, #tpu.memory_space<hbm>>) dst(%arg7 : memref<40x125xi32, #tpu.memory_space<vmem>>)
      tpu.yield
    }) : () -> ()
    %dma_start3A = arith.constant 0 : i32
    %dma_start3A_10 = arith.constant 0 : i32
    %dma_start3A_11 = tpu.memref_slice %arg6[%dma_start3A, %dma_start3A_10] : memref<40x125xi32, #tpu.memory_space<vmem>> -> memref<1x125xi32, #tpu.memory_space<vmem>>
    %dma_start3A_12 = tpu.memref_squeeze %dma_start3A_11 : memref<1x125xi32, #tpu.memory_space<vmem>> -> memref<125xi32, #tpu.memory_space<vmem>>
    %dma_start3A_13 = arith.constant 0 : i32
    %dma_start3A_14 = arith.constant 0 : i32
    %dma_start3A_15 = tpu.memref_slice %arg3[%dma_start3A_13, %dma_start3A_14] : memref<10000x128xf32, #tpu.memory_space<hbm>> -> memref<10000x128xf32, #tpu.memory_space<hbm>>
    tpu.enqueue_indirect_dma source(%dma_start3A_15 : memref<10000x128xf32, #tpu.memory_space<hbm>>) target(%arg8 : memref<125x128xf32, #tpu.memory_space<vmem>>) offsets(%dma_start3A_12 : memref<125xi32, #tpu.memory_space<vmem>>) semaphore(%arg11 : memref<!tpu.dma_semaphore, #tpu.memory_space<semaphore_mem>>)
    %dma_start3A_16 = arith.constant 1 : i32
    %dma_start3A_17 = arith.constant 0 : i32
    %dma_start3A_18 = tpu.memref_slice %arg6[%dma_start3A_16, %dma_start3A_17] : memref<40x125xi32, #tpu.memory_space<vmem>> -> memref<1x125xi32, #tpu.memory_space<vmem>>
    %dma_start3A_19 = tpu.memref_squeeze %dma_start3A_18 : memref<1x125xi32, #tpu.memory_space<vmem>> -> memref<125xi32, #tpu.memory_space<vmem>>
    %dma_start3A_20 = arith.constant 0 : i32
    %dma_start3A_21 = arith.constant 0 : i32
    %dma_start3A_22 = tpu.memref_slice %arg3[%dma_start3A_20, %dma_start3A_21] : memref<10000x128xf32, #tpu.memory_space<hbm>> -> memref<10000x128xf32, #tpu.memory_space<hbm>>
    tpu.enqueue_indirect_dma source(%dma_start3A_22 : memref<10000x128xf32, #tpu.memory_space<hbm>>) target(%arg9 : memref<125x128xf32, #tpu.memory_space<vmem>>) offsets(%dma_start3A_19 : memref<125xi32, #tpu.memory_space<vmem>>) semaphore(%arg12 : memref<!tpu.dma_semaphore, #tpu.memory_space<semaphore_mem>>)
    %scan3A_23 = arith.constant 0 : i32
    %scan3A_24 = arith.constant 0 : i32
    %scan3A_25 = arith.constant 20 : i32
    %scan3A_26 = arith.addi %scan3A_24, %scan3A_25 : i32
    %scan3A_27 = arith.constant 1 : i32
    scf.for %scan3A_37 = %scan3A_24 to %scan3A_26 step %scan3A_27  : i32 {
      %mul3A_38 = arith.constant 2 : i32
      %mul3A_39 = arith.muli %mul3A_38, %scan3A_37 : i32
      %add3A_40 = arith.constant 0 : i32
      %add3A_41 = arith.addi %mul3A_39, %add3A_40 : i32
      %dma_wait3A = arith.constant 0 : i32
      %dma_wait3A_42 = tpu.memref_slice %arg6[%add3A_41, %dma_wait3A] : memref<40x125xi32, #tpu.memory_space<vmem>> -> memref<1x125xi32, #tpu.memory_space<vmem>>
      %dma_wait3A_43 = tpu.memref_squeeze %dma_wait3A_42 : memref<1x125xi32, #tpu.memory_space<vmem>> -> memref<125xi32, #tpu.memory_space<vmem>>
      %dma_wait3A_44 = arith.constant 0 : i32
      %dma_wait3A_45 = arith.constant 0 : i32
      %dma_wait3A_46 = tpu.memref_slice %arg3[%dma_wait3A_44, %dma_wait3A_45] : memref<10000x128xf32, #tpu.memory_space<hbm>> -> memref<10000x128xf32, #tpu.memory_space<hbm>>
      tpu.wait_indirect_dma semaphore(%arg11 : memref<!tpu.dma_semaphore, #tpu.memory_space<semaphore_mem>>) src(%dma_wait3A_46 : memref<10000x128xf32, #tpu.memory_space<hbm>>) dst(%arg8 : memref<125x128xf32, #tpu.memory_space<vmem>>)
      "tpu.region"() ({
        %run_scoped3A_69 = tpu.sem_alloc : memref<!tpu.dma_semaphore, #tpu.memory_space<semaphore_mem>>
        %dma_start3A_70 = arith.constant 0 : i32
        %dma_start3A_71 = tpu.memref_slice %arg7[%add3A_41, %dma_start3A_70] : memref<40x125xi32, #tpu.memory_space<vmem>> -> memref<1x125xi32, #tpu.memory_space<vmem>>
        %dma_start3A_72 = tpu.memref_squeeze %dma_start3A_71 : memref<1x125xi32, #tpu.memory_space<vmem>> -> memref<125xi32, #tpu.memory_space<vmem>>
        %dma_start3A_73 = arith.constant 0 : i32
        %dma_start3A_74 = arith.constant 0 : i32
        %dma_start3A_75 = tpu.memref_slice %arg10[%dma_start3A_73, %dma_start3A_74] : memref<10240x128xf32, #tpu.memory_space<vmem_shared>> -> memref<10240x128xf32, #tpu.memory_space<vmem_shared>>
        tpu.enqueue_indirect_dma source(%arg8 : memref<125x128xf32, #tpu.memory_space<vmem>>) target(%dma_start3A_75 : memref<10240x128xf32, #tpu.memory_space<vmem_shared>>) offsets(%dma_start3A_72 : memref<125xi32, #tpu.memory_space<vmem>>) semaphore(%run_scoped3A_69 : memref<!tpu.dma_semaphore, #tpu.memory_space<semaphore_mem>>) {add = true}
        %dma_wait3A_76 = arith.constant 0 : i32
        %dma_wait3A_77 = tpu.memref_slice %arg7[%add3A_41, %dma_wait3A_76] : memref<40x125xi32, #tpu.memory_space<vmem>> -> memref<1x125xi32, #tpu.memory_space<vmem>>
        %dma_wait3A_78 = tpu.memref_squeeze %dma_wait3A_77 : memref<1x125xi32, #tpu.memory_space<vmem>> -> memref<125xi32, #tpu.memory_space<vmem>>
        %dma_wait3A_79 = arith.constant 0 : i32
        %dma_wait3A_80 = arith.constant 0 : i32
        %dma_wait3A_81 = tpu.memref_slice %arg10[%dma_wait3A_79, %dma_wait3A_80] : memref<10240x128xf32, #tpu.memory_space<vmem_shared>> -> memref<10240x128xf32, #tpu.memory_space<vmem_shared>>
        tpu.wait_indirect_dma semaphore(%run_scoped3A_69 : memref<!tpu.dma_semaphore, #tpu.memory_space<semaphore_mem>>) src(%arg8 : memref<125x128xf32, #tpu.memory_space<vmem>>) dst(%dma_wait3A_81 : memref<10240x128xf32, #tpu.memory_space<vmem_shared>>)
        tpu.yield
      }) : () -> ()
      %add3A_47 = arith.constant 2 : i32
      %add3A_48 = arith.addi %add3A_41, %add3A_47 : i32
      %lt3A_49 = arith.constant 40 : i32
      %lt3A_50 = arith.cmpi slt, %add3A_48, %lt3A_49 : i32
      %convert_element_type3A_51 = arith.extui %lt3A_50 : i1 to i32
      %cond3A_52 = arith.constant 0 : i32
      %cond3A_53 = arith.cmpi ne, %convert_element_type3A_51, %cond3A_52 : i32
      scf.if %cond3A_53 {
        %add3A_69 = arith.constant 2 : i32
        %add3A_70 = arith.addi %add3A_41, %add3A_69 : i32
        %dma_start3A_71 = arith.constant 0 : i32
        %dma_start3A_72 = tpu.memref_slice %arg6[%add3A_70, %dma_start3A_71] : memref<40x125xi32, #tpu.memory_space<vmem>> -> memref<1x125xi32, #tpu.memory_space<vmem>>
        %dma_start3A_73 = tpu.memref_squeeze %dma_start3A_72 : memref<1x125xi32, #tpu.memory_space<vmem>> -> memref<125xi32, #tpu.memory_space<vmem>>
        %dma_start3A_74 = arith.constant 0 : i32
        %dma_start3A_75 = arith.constant 0 : i32
        %dma_start3A_76 = tpu.memref_slice %arg3[%dma_start3A_74, %dma_start3A_75] : memref<10000x128xf32, #tpu.memory_space<hbm>> -> memref<10000x128xf32, #tpu.memory_space<hbm>>
        tpu.enqueue_indirect_dma source(%dma_start3A_76 : memref<10000x128xf32, #tpu.memory_space<hbm>>) target(%arg8 : memref<125x128xf32, #tpu.memory_space<vmem>>) offsets(%dma_start3A_73 : memref<125xi32, #tpu.memory_space<vmem>>) semaphore(%arg11 : memref<!tpu.dma_semaphore, #tpu.memory_space<semaphore_mem>>)
      } else {
      }
      %add3A_54 = arith.constant 1 : i32
      %add3A_55 = arith.addi %mul3A_39, %add3A_54 : i32
      %dma_wait3A_56 = arith.constant 0 : i32
      %dma_wait3A_57 = tpu.memref_slice %arg6[%add3A_55, %dma_wait3A_56] : memref<40x125xi32, #tpu.memory_space<vmem>> -> memref<1x125xi32, #tpu.memory_space<vmem>>
      %dma_wait3A_58 = tpu.memref_squeeze %dma_wait3A_57 : memref<1x125xi32, #tpu.memory_space<vmem>> -> memref<125xi32, #tpu.memory_space<vmem>>
      %dma_wait3A_59 = arith.constant 0 : i32
      %dma_wait3A_60 = arith.constant 0 : i32
      %dma_wait3A_61 = tpu.memref_slice %arg3[%dma_wait3A_59, %dma_wait3A_60] : memref<10000x128xf32, #tpu.memory_space<hbm>> -> memref<10000x128xf32, #tpu.memory_space<hbm>>
      tpu.wait_indirect_dma semaphore(%arg12 : memref<!tpu.dma_semaphore, #tpu.memory_space<semaphore_mem>>) src(%dma_wait3A_61 : memref<10000x128xf32, #tpu.memory_space<hbm>>) dst(%arg9 : memref<125x128xf32, #tpu.memory_space<vmem>>)
      "tpu.region"() ({
        %run_scoped3A_69 = tpu.sem_alloc : memref<!tpu.dma_semaphore, #tpu.memory_space<semaphore_mem>>
        %dma_start3A_70 = arith.constant 0 : i32
        %dma_start3A_71 = tpu.memref_slice %arg7[%add3A_55, %dma_start3A_70] : memref<40x125xi32, #tpu.memory_space<vmem>> -> memref<1x125xi32, #tpu.memory_space<vmem>>
        %dma_start3A_72 = tpu.memref_squeeze %dma_start3A_71 : memref<1x125xi32, #tpu.memory_space<vmem>> -> memref<125xi32, #tpu.memory_space<vmem>>
        %dma_start3A_73 = arith.constant 0 : i32
        %dma_start3A_74 = arith.constant 0 : i32
        %dma_start3A_75 = tpu.memref_slice %arg10[%dma_start3A_73, %dma_start3A_74] : memref<10240x128xf32, #tpu.memory_space<vmem_shared>> -> memref<10240x128xf32, #tpu.memory_space<vmem_shared>>
        tpu.enqueue_indirect_dma source(%arg9 : memref<125x128xf32, #tpu.memory_space<vmem>>) target(%dma_start3A_75 : memref<10240x128xf32, #tpu.memory_space<vmem_shared>>) offsets(%dma_start3A_72 : memref<125xi32, #tpu.memory_space<vmem>>) semaphore(%run_scoped3A_69 : memref<!tpu.dma_semaphore, #tpu.memory_space<semaphore_mem>>) {add = true}
        %dma_wait3A_76 = arith.constant 0 : i32
        %dma_wait3A_77 = tpu.memref_slice %arg7[%add3A_55, %dma_wait3A_76] : memref<40x125xi32, #tpu.memory_space<vmem>> -> memref<1x125xi32, #tpu.memory_space<vmem>>
        %dma_wait3A_78 = tpu.memref_squeeze %dma_wait3A_77 : memref<1x125xi32, #tpu.memory_space<vmem>> -> memref<125xi32, #tpu.memory_space<vmem>>
        %dma_wait3A_79 = arith.constant 0 : i32
        %dma_wait3A_80 = arith.constant 0 : i32
        %dma_wait3A_81 = tpu.memref_slice %arg10[%dma_wait3A_79, %dma_wait3A_80] : memref<10240x128xf32, #tpu.memory_space<vmem_shared>> -> memref<10240x128xf32, #tpu.memory_space<vmem_shared>>
        tpu.wait_indirect_dma semaphore(%run_scoped3A_69 : memref<!tpu.dma_semaphore, #tpu.memory_space<semaphore_mem>>) src(%arg9 : memref<125x128xf32, #tpu.memory_space<vmem>>) dst(%dma_wait3A_81 : memref<10240x128xf32, #tpu.memory_space<vmem_shared>>)
        tpu.yield
      }) : () -> ()
      %add3A_62 = arith.constant 2 : i32
      %add3A_63 = arith.addi %add3A_55, %add3A_62 : i32
      %lt3A_64 = arith.constant 40 : i32
      %lt3A_65 = arith.cmpi slt, %add3A_63, %lt3A_64 : i32
      %convert_element_type3A_66 = arith.extui %lt3A_65 : i1 to i32
      %cond3A_67 = arith.constant 0 : i32
      %cond3A_68 = arith.cmpi ne, %convert_element_type3A_66, %cond3A_67 : i32
      scf.if %cond3A_68 {
        %add3A_69 = arith.constant 2 : i32
        %add3A_70 = arith.addi %add3A_55, %add3A_69 : i32
        %dma_start3A_71 = arith.constant 0 : i32
        %dma_start3A_72 = tpu.memref_slice %arg6[%add3A_70, %dma_start3A_71] : memref<40x125xi32, #tpu.memory_space<vmem>> -> memref<1x125xi32, #tpu.memory_space<vmem>>
        %dma_start3A_73 = tpu.memref_squeeze %dma_start3A_72 : memref<1x125xi32, #tpu.memory_space<vmem>> -> memref<125xi32, #tpu.memory_space<vmem>>
        %dma_start3A_74 = arith.constant 0 : i32
        %dma_start3A_75 = arith.constant 0 : i32
        %dma_start3A_76 = tpu.memref_slice %arg3[%dma_start3A_74, %dma_start3A_75] : memref<10000x128xf32, #tpu.memory_space<hbm>> -> memref<10000x128xf32, #tpu.memory_space<hbm>>
        tpu.enqueue_indirect_dma source(%dma_start3A_76 : memref<10000x128xf32, #tpu.memory_space<hbm>>) target(%arg9 : memref<125x128xf32, #tpu.memory_space<vmem>>) offsets(%dma_start3A_73 : memref<125xi32, #tpu.memory_space<vmem>>) semaphore(%arg12 : memref<!tpu.dma_semaphore, #tpu.memory_space<semaphore_mem>>)
      } else {
      }
    }
    %scan3A_28 = arith.constant 20 : i32
    %scan3A_29 = arith.constant 1 : i32
    %barrier3A_30 = arith.constant 0 : index
    tpu.barrier barrier_id(%barrier3A_30)
    %lt3A = arith.constant 15 : i32
    %lt3A_31 = arith.cmpi slt, %arg1, %lt3A : i32
    %convert_element_type3A = arith.extui %lt3A_31 : i1 to i32
    %cond3A = arith.constant 0 : i32
    %cond3A_32 = arith.cmpi ne, %convert_element_type3A, %cond3A : i32
    scf.if %cond3A_32 {
      %mul3A_37 = arith.constant 640 : i32
      %mul3A_38 = arith.muli %arg1, %mul3A_37 : i32
      %mul3A_39 = arith.constant 640 : i32
      %mul3A_40 = arith.muli %arg1, %mul3A_39 : i32
      "tpu.region"() ({
        %run_scoped3A_41 = tpu.sem_alloc : memref<!tpu.dma_semaphore, #tpu.memory_space<semaphore_mem>>
        %dma_start3A_42 = arith.constant 0 : i32
        %dma_start3A_43 = arith.constant 0 : i32
        %dma_start3A_44 = tpu.memref_slice %arg5[%arg0, %dma_start3A_42, %dma_start3A_43] : memref<2x10000x128xf32, #tpu.memory_space<hbm>> -> memref<1x10000x128xf32, #tpu.memory_space<hbm>>
        %dma_start3A_45 = tpu.memref_squeeze %dma_start3A_44 : memref<1x10000x128xf32, #tpu.memory_space<hbm>> -> memref<10000x128xf32, #tpu.memory_space<hbm>>
        %dma_start3A_46 = arith.constant 0 : i32
        %dma_start3A_47 = tpu.memref_slice %dma_start3A_45[%mul3A_40, %dma_start3A_46] : memref<10000x128xf32, #tpu.memory_space<hbm>> -> memref<640x128xf32, #tpu.memory_space<hbm>>
        %dma_start3A_48 = arith.constant 0 : i32
        %dma_start3A_49 = tpu.memref_slice %arg10[%mul3A_38, %dma_start3A_48] : memref<10240x128xf32, #tpu.memory_space<vmem_shared>> -> memref<640x128xf32, #tpu.memory_space<vmem_shared>>
        tpu.enqueue_dma source(%dma_start3A_49 : memref<640x128xf32, #tpu.memory_space<vmem_shared>>) target(%dma_start3A_47 : memref<640x128xf32, #tpu.memory_space<hbm>>) target_semaphore(%run_scoped3A_41 : memref<!tpu.dma_semaphore, #tpu.memory_space<semaphore_mem>>)
        %dma_wait3A = arith.constant 0 : i32
        %dma_wait3A_50 = arith.constant 0 : i32
        %dma_wait3A_51 = tpu.memref_slice %arg5[%arg0, %dma_wait3A, %dma_wait3A_50] : memref<2x10000x128xf32, #tpu.memory_space<hbm>> -> memref<1x10000x128xf32, #tpu.memory_space<hbm>>
        %dma_wait3A_52 = tpu.memref_squeeze %dma_wait3A_51 : memref<1x10000x128xf32, #tpu.memory_space<hbm>> -> memref<10000x128xf32, #tpu.memory_space<hbm>>
        %dma_wait3A_53 = arith.constant 0 : i32
        %dma_wait3A_54 = tpu.memref_slice %dma_wait3A_52[%mul3A_40, %dma_wait3A_53] : memref<10000x128xf32, #tpu.memory_space<hbm>> -> memref<640x128xf32, #tpu.memory_space<hbm>>
        %dma_wait3A_55 = arith.constant 0 : i32
        %dma_wait3A_56 = tpu.memref_slice %arg10[%mul3A_38, %dma_wait3A_55] : memref<10240x128xf32, #tpu.memory_space<vmem_shared>> -> memref<640x128xf32, #tpu.memory_space<vmem_shared>>
        tpu.wait_dma2 semaphore(%run_scoped3A_41 : memref<!tpu.dma_semaphore, #tpu.memory_space<semaphore_mem>>) src(%dma_wait3A_56 : memref<640x128xf32, #tpu.memory_space<vmem_shared>>) dst(%dma_wait3A_54 : memref<640x128xf32, #tpu.memory_space<hbm>>)
        tpu.yield
      }) : () -> ()
    } else {
    }
    %eq3A = arith.constant 15 : i32
    %eq3A_33 = arith.cmpi eq, %arg1, %eq3A : i32
    %convert_element_type3A_34 = arith.extui %eq3A_33 : i1 to i32
    %cond3A_35 = arith.constant 0 : i32
    %cond3A_36 = arith.cmpi ne, %convert_element_type3A_34, %cond3A_35 : i32
    scf.if %cond3A_36 {
      "tpu.region"() ({
        %run_scoped3A_37 = tpu.sem_alloc : memref<!tpu.dma_semaphore, #tpu.memory_space<semaphore_mem>>
        %dma_start3A_38 = arith.constant 0 : i32
        %dma_start3A_39 = arith.constant 0 : i32
        %dma_start3A_40 = tpu.memref_slice %arg5[%arg0, %dma_start3A_38, %dma_start3A_39] : memref<2x10000x128xf32, #tpu.memory_space<hbm>> -> memref<1x10000x128xf32, #tpu.memory_space<hbm>>
        %dma_start3A_41 = tpu.memref_squeeze %dma_start3A_40 : memref<1x10000x128xf32, #tpu.memory_space<hbm>> -> memref<10000x128xf32, #tpu.memory_space<hbm>>
        %dma_start3A_42 = arith.constant 9600 : i32
        %dma_start3A_43 = arith.constant 0 : i32
        %dma_start3A_44 = tpu.memref_slice %dma_start3A_41[%dma_start3A_42, %dma_start3A_43] : memref<10000x128xf32, #tpu.memory_space<hbm>> -> memref<400x128xf32, #tpu.memory_space<hbm>>
        %dma_start3A_45 = arith.constant 9600 : i32
        %dma_start3A_46 = arith.constant 0 : i32
        %dma_start3A_47 = tpu.memref_slice %arg10[%dma_start3A_45, %dma_start3A_46] : memref<10240x128xf32, #tpu.memory_space<vmem_shared>> -> memref<400x128xf32, #tpu.memory_space<vmem_shared>>
        tpu.enqueue_dma source(%dma_start3A_47 : memref<400x128xf32, #tpu.memory_space<vmem_shared>>) target(%dma_start3A_44 : memref<400x128xf32, #tpu.memory_space<hbm>>) target_semaphore(%run_scoped3A_37 : memref<!tpu.dma_semaphore, #tpu.memory_space<semaphore_mem>>)
        %dma_wait3A = arith.constant 0 : i32
        %dma_wait3A_48 = arith.constant 0 : i32
        %dma_wait3A_49 = tpu.memref_slice %arg5[%arg0, %dma_wait3A, %dma_wait3A_48] : memref<2x10000x128xf32, #tpu.memory_space<hbm>> -> memref<1x10000x128xf32, #tpu.memory_space<hbm>>
        %dma_wait3A_50 = tpu.memref_squeeze %dma_wait3A_49 : memref<1x10000x128xf32, #tpu.memory_space<hbm>> -> memref<10000x128xf32, #tpu.memory_space<hbm>>
        %dma_wait3A_51 = arith.constant 9600 : i32
        %dma_wait3A_52 = arith.constant 0 : i32
        %dma_wait3A_53 = tpu.memref_slice %dma_wait3A_50[%dma_wait3A_51, %dma_wait3A_52] : memref<10000x128xf32, #tpu.memory_space<hbm>> -> memref<400x128xf32, #tpu.memory_space<hbm>>
        %dma_wait3A_54 = arith.constant 9600 : i32
        %dma_wait3A_55 = arith.constant 0 : i32
        %dma_wait3A_56 = tpu.memref_slice %arg10[%dma_wait3A_54, %dma_wait3A_55] : memref<10240x128xf32, #tpu.memory_space<vmem_shared>> -> memref<400x128xf32, #tpu.memory_space<vmem_shared>>
        tpu.wait_dma2 semaphore(%run_scoped3A_37 : memref<!tpu.dma_semaphore, #tpu.memory_space<semaphore_mem>>) src(%dma_wait3A_56 : memref<400x128xf32, #tpu.memory_space<vmem_shared>>) dst(%dma_wait3A_53 : memref<400x128xf32, #tpu.memory_space<hbm>>)
        tpu.yield
      }) : () -> ()
    } else {
    }
    return
  }
}

#map = affine_map<(d0, d1) -> (0, 0, 0)>
#map1 = affine_map<(d0, d1) -> (0, 0)>
module attributes {stable_mosaic.version = 14 : i64} {
  func.func @_edge_fsplit_body(%arg0: i32, %arg1: i32, %arg2: memref<2x1280x125xi32, #tpu.memory_space<hbm>>, %arg3: memref<2x10000x32xf32, #tpu.memory_space<hbm>>, %arg4: memref<640x32xf32, #tpu.memory_space<hbm>>, %arg5: memref<2x10000x32xf32, #tpu.memory_space<hbm>>, %arg6: memref<40x125xi32, #tpu.memory_space<vmem>>, %arg7: memref<40x125xi32, #tpu.memory_space<vmem>>, %arg8: memref<125x32xf32, #tpu.memory_space<vmem>>, %arg9: memref<125x32xf32, #tpu.memory_space<vmem>>, %arg10: memref<125x32xf32, #tpu.memory_space<vmem>>, %arg11: memref<125x32xf32, #tpu.memory_space<vmem>>, %arg12: memref<10240x32xf32, #tpu.memory_space<vmem_shared>>, %arg13: memref<!tpu.dma_semaphore, #tpu.memory_space<semaphore_mem>>, %arg14: memref<!tpu.dma_semaphore, #tpu.memory_space<semaphore_mem>>, %arg15: memref<!tpu.dma_semaphore, #tpu.memory_space<semaphore_mem>>, %arg16: memref<!tpu.dma_semaphore, #tpu.memory_space<semaphore_mem>>) attributes {dimension_semantics = [#tpu.dimension_semantics<core_parallel>, #tpu.dimension_semantics<subcore_parallel>], iteration_bounds = array<i64: 2, 16>, scalar_prefetch = 0 : i64, scratch_operands = 11 : i64, tpu.core_type = #tpu.core_type<sc_vector_subcore>, window_params = [{transform_indices = #map}, {transform_indices = #map}, {transform_indices = #map1}, {transform_indices = #map}]} {
    %mul3A = arith.constant 640 : i32
    %mul3A_0 = arith.muli %arg1, %mul3A : i32
    "tpu.region"() ({
      %run_scoped3A = tpu.sem_alloc : memref<!tpu.dma_semaphore, #tpu.memory_space<semaphore_mem>>
      %dma_start3A = arith.constant 0 : i32
      %dma_start3A_15 = tpu.memref_slice %arg12[%mul3A_0, %dma_start3A] : memref<10240x32xf32, #tpu.memory_space<vmem_shared>> -> memref<640x32xf32, #tpu.memory_space<vmem_shared>>
      tpu.enqueue_dma source(%arg4 : memref<640x32xf32, #tpu.memory_space<hbm>>) target(%dma_start3A_15 : memref<640x32xf32, #tpu.memory_space<vmem_shared>>) target_semaphore(%run_scoped3A : memref<!tpu.dma_semaphore, #tpu.memory_space<semaphore_mem>>)
      %dma_wait3A = arith.constant 0 : i32
      %dma_wait3A_16 = tpu.memref_slice %arg12[%mul3A_0, %dma_wait3A] : memref<10240x32xf32, #tpu.memory_space<vmem_shared>> -> memref<640x32xf32, #tpu.memory_space<vmem_shared>>
      tpu.wait_dma2 semaphore(%run_scoped3A : memref<!tpu.dma_semaphore, #tpu.memory_space<semaphore_mem>>) src(%arg4 : memref<640x32xf32, #tpu.memory_space<hbm>>) dst(%dma_wait3A_16 : memref<640x32xf32, #tpu.memory_space<vmem_shared>>)
      tpu.yield
    }) : () -> ()
    %barrier3A = arith.constant 0 : index
    tpu.barrier barrier_id(%barrier3A)
    %mul3A_1 = arith.constant 80 : i32
    %mul3A_2 = arith.muli %arg1, %mul3A_1 : i32
    %scan3A = arith.constant 0 : i32
    %scan3A_3 = arith.constant 0 : i32
    %scan3A_4 = arith.constant 2 : i32
    %scan3A_5 = arith.addi %scan3A_3, %scan3A_4 : i32
    %scan3A_6 = arith.constant 1 : i32
    scf.for %scan3A_15 = %scan3A_3 to %scan3A_5 step %scan3A_6  : i32 {
      %mul3A_16 = arith.constant 40 : i32
      %mul3A_17 = arith.muli %scan3A_15, %mul3A_16 : i32
      %add3A = arith.addi %mul3A_2, %mul3A_17 : i32
      %run_scoped3A = arith.constant 0 : i32
      "tpu.region"() ({
        %run_scoped3A_68 = tpu.sem_alloc : memref<!tpu.dma_semaphore, #tpu.memory_space<semaphore_mem>>
        %dma_start3A_69 = arith.constant 0 : i32
        %dma_start3A_70 = arith.constant 0 : i32
        %dma_start3A_71 = tpu.memref_slice %arg2[%run_scoped3A, %dma_start3A_69, %dma_start3A_70] : memref<2x1280x125xi32, #tpu.memory_space<hbm>> -> memref<1x1280x125xi32, #tpu.memory_space<hbm>>
        %dma_start3A_72 = tpu.memref_squeeze %dma_start3A_71 : memref<1x1280x125xi32, #tpu.memory_space<hbm>> -> memref<1280x125xi32, #tpu.memory_space<hbm>>
        %dma_start3A_73 = arith.constant 0 : i32
        %dma_start3A_74 = tpu.memref_slice %dma_start3A_72[%add3A, %dma_start3A_73] : memref<1280x125xi32, #tpu.memory_space<hbm>> -> memref<40x125xi32, #tpu.memory_space<hbm>>
        %dma_start3A_75 = arith.constant 0 : i32
        %dma_start3A_76 = arith.constant 0 : i32
        %dma_start3A_77 = tpu.memref_slice %arg2[%run_scoped3A, %dma_start3A_75, %dma_start3A_76] : memref<2x1280x125xi32, #tpu.memory_space<hbm>> -> memref<1x1280x125xi32, #tpu.memory_space<hbm>>
        %dma_start3A_78 = tpu.memref_squeeze %dma_start3A_77 : memref<1x1280x125xi32, #tpu.memory_space<hbm>> -> memref<1280x125xi32, #tpu.memory_space<hbm>>
        %dma_start3A_79 = arith.constant 0 : i32
        %dma_start3A_80 = tpu.memref_slice %dma_start3A_78[%add3A, %dma_start3A_79] : memref<1280x125xi32, #tpu.memory_space<hbm>> -> memref<40x125xi32, #tpu.memory_space<hbm>>
        tpu.enqueue_dma source(%dma_start3A_80 : memref<40x125xi32, #tpu.memory_space<hbm>>) target(%arg6 : memref<40x125xi32, #tpu.memory_space<vmem>>) target_semaphore(%run_scoped3A_68 : memref<!tpu.dma_semaphore, #tpu.memory_space<semaphore_mem>>)
        %dma_wait3A = arith.constant 0 : i32
        %dma_wait3A_81 = arith.constant 0 : i32
        %dma_wait3A_82 = tpu.memref_slice %arg2[%run_scoped3A, %dma_wait3A, %dma_wait3A_81] : memref<2x1280x125xi32, #tpu.memory_space<hbm>> -> memref<1x1280x125xi32, #tpu.memory_space<hbm>>
        %dma_wait3A_83 = tpu.memref_squeeze %dma_wait3A_82 : memref<1x1280x125xi32, #tpu.memory_space<hbm>> -> memref<1280x125xi32, #tpu.memory_space<hbm>>
        %dma_wait3A_84 = arith.constant 0 : i32
        %dma_wait3A_85 = tpu.memref_slice %dma_wait3A_83[%add3A, %dma_wait3A_84] : memref<1280x125xi32, #tpu.memory_space<hbm>> -> memref<40x125xi32, #tpu.memory_space<hbm>>
        %dma_wait3A_86 = arith.constant 0 : i32
        %dma_wait3A_87 = arith.constant 0 : i32
        %dma_wait3A_88 = tpu.memref_slice %arg2[%run_scoped3A, %dma_wait3A_86, %dma_wait3A_87] : memref<2x1280x125xi32, #tpu.memory_space<hbm>> -> memref<1x1280x125xi32, #tpu.memory_space<hbm>>
        %dma_wait3A_89 = tpu.memref_squeeze %dma_wait3A_88 : memref<1x1280x125xi32, #tpu.memory_space<hbm>> -> memref<1280x125xi32, #tpu.memory_space<hbm>>
        %dma_wait3A_90 = arith.constant 0 : i32
        %dma_wait3A_91 = tpu.memref_slice %dma_wait3A_89[%add3A, %dma_wait3A_90] : memref<1280x125xi32, #tpu.memory_space<hbm>> -> memref<40x125xi32, #tpu.memory_space<hbm>>
        tpu.wait_dma2 semaphore(%run_scoped3A_68 : memref<!tpu.dma_semaphore, #tpu.memory_space<semaphore_mem>>) src(%dma_wait3A_91 : memref<40x125xi32, #tpu.memory_space<hbm>>) dst(%arg6 : memref<40x125xi32, #tpu.memory_space<vmem>>)
        tpu.yield
      }) : () -> ()
      %run_scoped3A_18 = arith.constant 1 : i32
      "tpu.region"() ({
        %run_scoped3A_68 = tpu.sem_alloc : memref<!tpu.dma_semaphore, #tpu.memory_space<semaphore_mem>>
        %dma_start3A_69 = arith.constant 0 : i32
        %dma_start3A_70 = arith.constant 0 : i32
        %dma_start3A_71 = tpu.memref_slice %arg2[%run_scoped3A_18, %dma_start3A_69, %dma_start3A_70] : memref<2x1280x125xi32, #tpu.memory_space<hbm>> -> memref<1x1280x125xi32, #tpu.memory_space<hbm>>
        %dma_start3A_72 = tpu.memref_squeeze %dma_start3A_71 : memref<1x1280x125xi32, #tpu.memory_space<hbm>> -> memref<1280x125xi32, #tpu.memory_space<hbm>>
        %dma_start3A_73 = arith.constant 0 : i32
        %dma_start3A_74 = tpu.memref_slice %dma_start3A_72[%add3A, %dma_start3A_73] : memref<1280x125xi32, #tpu.memory_space<hbm>> -> memref<40x125xi32, #tpu.memory_space<hbm>>
        %dma_start3A_75 = arith.constant 0 : i32
        %dma_start3A_76 = arith.constant 0 : i32
        %dma_start3A_77 = tpu.memref_slice %arg2[%run_scoped3A_18, %dma_start3A_75, %dma_start3A_76] : memref<2x1280x125xi32, #tpu.memory_space<hbm>> -> memref<1x1280x125xi32, #tpu.memory_space<hbm>>
        %dma_start3A_78 = tpu.memref_squeeze %dma_start3A_77 : memref<1x1280x125xi32, #tpu.memory_space<hbm>> -> memref<1280x125xi32, #tpu.memory_space<hbm>>
        %dma_start3A_79 = arith.constant 0 : i32
        %dma_start3A_80 = tpu.memref_slice %dma_start3A_78[%add3A, %dma_start3A_79] : memref<1280x125xi32, #tpu.memory_space<hbm>> -> memref<40x125xi32, #tpu.memory_space<hbm>>
        tpu.enqueue_dma source(%dma_start3A_80 : memref<40x125xi32, #tpu.memory_space<hbm>>) target(%arg7 : memref<40x125xi32, #tpu.memory_space<vmem>>) target_semaphore(%run_scoped3A_68 : memref<!tpu.dma_semaphore, #tpu.memory_space<semaphore_mem>>)
        %dma_wait3A = arith.constant 0 : i32
        %dma_wait3A_81 = arith.constant 0 : i32
        %dma_wait3A_82 = tpu.memref_slice %arg2[%run_scoped3A_18, %dma_wait3A, %dma_wait3A_81] : memref<2x1280x125xi32, #tpu.memory_space<hbm>> -> memref<1x1280x125xi32, #tpu.memory_space<hbm>>
        %dma_wait3A_83 = tpu.memref_squeeze %dma_wait3A_82 : memref<1x1280x125xi32, #tpu.memory_space<hbm>> -> memref<1280x125xi32, #tpu.memory_space<hbm>>
        %dma_wait3A_84 = arith.constant 0 : i32
        %dma_wait3A_85 = tpu.memref_slice %dma_wait3A_83[%add3A, %dma_wait3A_84] : memref<1280x125xi32, #tpu.memory_space<hbm>> -> memref<40x125xi32, #tpu.memory_space<hbm>>
        %dma_wait3A_86 = arith.constant 0 : i32
        %dma_wait3A_87 = arith.constant 0 : i32
        %dma_wait3A_88 = tpu.memref_slice %arg2[%run_scoped3A_18, %dma_wait3A_86, %dma_wait3A_87] : memref<2x1280x125xi32, #tpu.memory_space<hbm>> -> memref<1x1280x125xi32, #tpu.memory_space<hbm>>
        %dma_wait3A_89 = tpu.memref_squeeze %dma_wait3A_88 : memref<1x1280x125xi32, #tpu.memory_space<hbm>> -> memref<1280x125xi32, #tpu.memory_space<hbm>>
        %dma_wait3A_90 = arith.constant 0 : i32
        %dma_wait3A_91 = tpu.memref_slice %dma_wait3A_89[%add3A, %dma_wait3A_90] : memref<1280x125xi32, #tpu.memory_space<hbm>> -> memref<40x125xi32, #tpu.memory_space<hbm>>
        tpu.wait_dma2 semaphore(%run_scoped3A_68 : memref<!tpu.dma_semaphore, #tpu.memory_space<semaphore_mem>>) src(%dma_wait3A_91 : memref<40x125xi32, #tpu.memory_space<hbm>>) dst(%arg7 : memref<40x125xi32, #tpu.memory_space<vmem>>)
        tpu.yield
      }) : () -> ()
      %dma_start3A = arith.constant 0 : i32
      %dma_start3A_19 = arith.constant 0 : i32
      %dma_start3A_20 = tpu.memref_slice %arg6[%dma_start3A, %dma_start3A_19] : memref<40x125xi32, #tpu.memory_space<vmem>> -> memref<1x125xi32, #tpu.memory_space<vmem>>
      %dma_start3A_21 = tpu.memref_squeeze %dma_start3A_20 : memref<1x125xi32, #tpu.memory_space<vmem>> -> memref<125xi32, #tpu.memory_space<vmem>>
      %dma_start3A_22 = arith.constant 0 : i32
      %dma_start3A_23 = arith.constant 0 : i32
      %dma_start3A_24 = tpu.memref_slice %arg3[%arg0, %dma_start3A_22, %dma_start3A_23] : memref<2x10000x32xf32, #tpu.memory_space<hbm>> -> memref<1x10000x32xf32, #tpu.memory_space<hbm>>
      %dma_start3A_25 = tpu.memref_squeeze %dma_start3A_24 : memref<1x10000x32xf32, #tpu.memory_space<hbm>> -> memref<10000x32xf32, #tpu.memory_space<hbm>>
      %dma_start3A_26 = arith.constant 0 : i32
      %dma_start3A_27 = arith.constant 0 : i32
      %dma_start3A_28 = tpu.memref_slice %dma_start3A_25[%dma_start3A_26, %dma_start3A_27] : memref<10000x32xf32, #tpu.memory_space<hbm>> -> memref<10000x32xf32, #tpu.memory_space<hbm>>
      tpu.enqueue_indirect_dma source(%dma_start3A_28 : memref<10000x32xf32, #tpu.memory_space<hbm>>) target(%arg8 : memref<125x32xf32, #tpu.memory_space<vmem>>) offsets(%dma_start3A_21 : memref<125xi32, #tpu.memory_space<vmem>>) semaphore(%arg13 : memref<!tpu.dma_semaphore, #tpu.memory_space<semaphore_mem>>)
      %dma_start3A_29 = arith.constant 1 : i32
      %dma_start3A_30 = arith.constant 0 : i32
      %dma_start3A_31 = tpu.memref_slice %arg6[%dma_start3A_29, %dma_start3A_30] : memref<40x125xi32, #tpu.memory_space<vmem>> -> memref<1x125xi32, #tpu.memory_space<vmem>>
      %dma_start3A_32 = tpu.memref_squeeze %dma_start3A_31 : memref<1x125xi32, #tpu.memory_space<vmem>> -> memref<125xi32, #tpu.memory_space<vmem>>
      %dma_start3A_33 = arith.constant 0 : i32
      %dma_start3A_34 = arith.constant 0 : i32
      %dma_start3A_35 = tpu.memref_slice %arg3[%arg0, %dma_start3A_33, %dma_start3A_34] : memref<2x10000x32xf32, #tpu.memory_space<hbm>> -> memref<1x10000x32xf32, #tpu.memory_space<hbm>>
      %dma_start3A_36 = tpu.memref_squeeze %dma_start3A_35 : memref<1x10000x32xf32, #tpu.memory_space<hbm>> -> memref<10000x32xf32, #tpu.memory_space<hbm>>
      %dma_start3A_37 = arith.constant 0 : i32
      %dma_start3A_38 = arith.constant 0 : i32
      %dma_start3A_39 = tpu.memref_slice %dma_start3A_36[%dma_start3A_37, %dma_start3A_38] : memref<10000x32xf32, #tpu.memory_space<hbm>> -> memref<10000x32xf32, #tpu.memory_space<hbm>>
      tpu.enqueue_indirect_dma source(%dma_start3A_39 : memref<10000x32xf32, #tpu.memory_space<hbm>>) target(%arg9 : memref<125x32xf32, #tpu.memory_space<vmem>>) offsets(%dma_start3A_32 : memref<125xi32, #tpu.memory_space<vmem>>) semaphore(%arg14 : memref<!tpu.dma_semaphore, #tpu.memory_space<semaphore_mem>>)
      %dma_start3A_40 = arith.constant 2 : i32
      %dma_start3A_41 = arith.constant 0 : i32
      %dma_start3A_42 = tpu.memref_slice %arg6[%dma_start3A_40, %dma_start3A_41] : memref<40x125xi32, #tpu.memory_space<vmem>> -> memref<1x125xi32, #tpu.memory_space<vmem>>
      %dma_start3A_43 = tpu.memref_squeeze %dma_start3A_42 : memref<1x125xi32, #tpu.memory_space<vmem>> -> memref<125xi32, #tpu.memory_space<vmem>>
      %dma_start3A_44 = arith.constant 0 : i32
      %dma_start3A_45 = arith.constant 0 : i32
      %dma_start3A_46 = tpu.memref_slice %arg3[%arg0, %dma_start3A_44, %dma_start3A_45] : memref<2x10000x32xf32, #tpu.memory_space<hbm>> -> memref<1x10000x32xf32, #tpu.memory_space<hbm>>
      %dma_start3A_47 = tpu.memref_squeeze %dma_start3A_46 : memref<1x10000x32xf32, #tpu.memory_space<hbm>> -> memref<10000x32xf32, #tpu.memory_space<hbm>>
      %dma_start3A_48 = arith.constant 0 : i32
      %dma_start3A_49 = arith.constant 0 : i32
      %dma_start3A_50 = tpu.memref_slice %dma_start3A_47[%dma_start3A_48, %dma_start3A_49] : memref<10000x32xf32, #tpu.memory_space<hbm>> -> memref<10000x32xf32, #tpu.memory_space<hbm>>
      tpu.enqueue_indirect_dma source(%dma_start3A_50 : memref<10000x32xf32, #tpu.memory_space<hbm>>) target(%arg10 : memref<125x32xf32, #tpu.memory_space<vmem>>) offsets(%dma_start3A_43 : memref<125xi32, #tpu.memory_space<vmem>>) semaphore(%arg15 : memref<!tpu.dma_semaphore, #tpu.memory_space<semaphore_mem>>)
      %dma_start3A_51 = arith.constant 3 : i32
      %dma_start3A_52 = arith.constant 0 : i32
      %dma_start3A_53 = tpu.memref_slice %arg6[%dma_start3A_51, %dma_start3A_52] : memref<40x125xi32, #tpu.memory_space<vmem>> -> memref<1x125xi32, #tpu.memory_space<vmem>>
      %dma_start3A_54 = tpu.memref_squeeze %dma_start3A_53 : memref<1x125xi32, #tpu.memory_space<vmem>> -> memref<125xi32, #tpu.memory_space<vmem>>
      %dma_start3A_55 = arith.constant 0 : i32
      %dma_start3A_56 = arith.constant 0 : i32
      %dma_start3A_57 = tpu.memref_slice %arg3[%arg0, %dma_start3A_55, %dma_start3A_56] : memref<2x10000x32xf32, #tpu.memory_space<hbm>> -> memref<1x10000x32xf32, #tpu.memory_space<hbm>>
      %dma_start3A_58 = tpu.memref_squeeze %dma_start3A_57 : memref<1x10000x32xf32, #tpu.memory_space<hbm>> -> memref<10000x32xf32, #tpu.memory_space<hbm>>
      %dma_start3A_59 = arith.constant 0 : i32
      %dma_start3A_60 = arith.constant 0 : i32
      %dma_start3A_61 = tpu.memref_slice %dma_start3A_58[%dma_start3A_59, %dma_start3A_60] : memref<10000x32xf32, #tpu.memory_space<hbm>> -> memref<10000x32xf32, #tpu.memory_space<hbm>>
      tpu.enqueue_indirect_dma source(%dma_start3A_61 : memref<10000x32xf32, #tpu.memory_space<hbm>>) target(%arg11 : memref<125x32xf32, #tpu.memory_space<vmem>>) offsets(%dma_start3A_54 : memref<125xi32, #tpu.memory_space<vmem>>) semaphore(%arg16 : memref<!tpu.dma_semaphore, #tpu.memory_space<semaphore_mem>>)
      %scan3A_62 = arith.constant 0 : i32
      %scan3A_63 = arith.constant 0 : i32
      %scan3A_64 = arith.constant 10 : i32
      %scan3A_65 = arith.addi %scan3A_63, %scan3A_64 : i32
      %scan3A_66 = arith.constant 1 : i32
      scf.for %scan3A_68 = %scan3A_63 to %scan3A_65 step %scan3A_66  : i32 {
        %mul3A_69 = arith.constant 4 : i32
        %mul3A_70 = arith.muli %mul3A_69, %scan3A_68 : i32
        %add3A_71 = arith.constant 0 : i32
        %add3A_72 = arith.addi %mul3A_70, %add3A_71 : i32
        %dma_wait3A = arith.constant 0 : i32
        %dma_wait3A_73 = tpu.memref_slice %arg6[%add3A_72, %dma_wait3A] : memref<40x125xi32, #tpu.memory_space<vmem>> -> memref<1x125xi32, #tpu.memory_space<vmem>>
        %dma_wait3A_74 = tpu.memref_squeeze %dma_wait3A_73 : memref<1x125xi32, #tpu.memory_space<vmem>> -> memref<125xi32, #tpu.memory_space<vmem>>
        %dma_wait3A_75 = arith.constant 0 : i32
        %dma_wait3A_76 = arith.constant 0 : i32
        %dma_wait3A_77 = tpu.memref_slice %arg3[%arg0, %dma_wait3A_75, %dma_wait3A_76] : memref<2x10000x32xf32, #tpu.memory_space<hbm>> -> memref<1x10000x32xf32, #tpu.memory_space<hbm>>
        %dma_wait3A_78 = tpu.memref_squeeze %dma_wait3A_77 : memref<1x10000x32xf32, #tpu.memory_space<hbm>> -> memref<10000x32xf32, #tpu.memory_space<hbm>>
        %dma_wait3A_79 = arith.constant 0 : i32
        %dma_wait3A_80 = arith.constant 0 : i32
        %dma_wait3A_81 = tpu.memref_slice %dma_wait3A_78[%dma_wait3A_79, %dma_wait3A_80] : memref<10000x32xf32, #tpu.memory_space<hbm>> -> memref<10000x32xf32, #tpu.memory_space<hbm>>
        tpu.wait_indirect_dma semaphore(%arg13 : memref<!tpu.dma_semaphore, #tpu.memory_space<semaphore_mem>>) src(%dma_wait3A_81 : memref<10000x32xf32, #tpu.memory_space<hbm>>) dst(%arg8 : memref<125x32xf32, #tpu.memory_space<vmem>>)
        "tpu.region"() ({
          %run_scoped3A_146 = tpu.sem_alloc : memref<!tpu.dma_semaphore, #tpu.memory_space<semaphore_mem>>
          %dma_start3A_147 = arith.constant 0 : i32
          %dma_start3A_148 = tpu.memref_slice %arg7[%add3A_72, %dma_start3A_147] : memref<40x125xi32, #tpu.memory_space<vmem>> -> memref<1x125xi32, #tpu.memory_space<vmem>>
          %dma_start3A_149 = tpu.memref_squeeze %dma_start3A_148 : memref<1x125xi32, #tpu.memory_space<vmem>> -> memref<125xi32, #tpu.memory_space<vmem>>
          %dma_start3A_150 = arith.constant 0 : i32
          %dma_start3A_151 = arith.constant 0 : i32
          %dma_start3A_152 = tpu.memref_slice %arg12[%dma_start3A_150, %dma_start3A_151] : memref<10240x32xf32, #tpu.memory_space<vmem_shared>> -> memref<10240x32xf32, #tpu.memory_space<vmem_shared>>
          tpu.enqueue_indirect_dma source(%arg8 : memref<125x32xf32, #tpu.memory_space<vmem>>) target(%dma_start3A_152 : memref<10240x32xf32, #tpu.memory_space<vmem_shared>>) offsets(%dma_start3A_149 : memref<125xi32, #tpu.memory_space<vmem>>) semaphore(%run_scoped3A_146 : memref<!tpu.dma_semaphore, #tpu.memory_space<semaphore_mem>>) {add = true}
          %dma_wait3A_153 = arith.constant 0 : i32
          %dma_wait3A_154 = tpu.memref_slice %arg7[%add3A_72, %dma_wait3A_153] : memref<40x125xi32, #tpu.memory_space<vmem>> -> memref<1x125xi32, #tpu.memory_space<vmem>>
          %dma_wait3A_155 = tpu.memref_squeeze %dma_wait3A_154 : memref<1x125xi32, #tpu.memory_space<vmem>> -> memref<125xi32, #tpu.memory_space<vmem>>
          %dma_wait3A_156 = arith.constant 0 : i32
          %dma_wait3A_157 = arith.constant 0 : i32
          %dma_wait3A_158 = tpu.memref_slice %arg12[%dma_wait3A_156, %dma_wait3A_157] : memref<10240x32xf32, #tpu.memory_space<vmem_shared>> -> memref<10240x32xf32, #tpu.memory_space<vmem_shared>>
          tpu.wait_indirect_dma semaphore(%run_scoped3A_146 : memref<!tpu.dma_semaphore, #tpu.memory_space<semaphore_mem>>) src(%arg8 : memref<125x32xf32, #tpu.memory_space<vmem>>) dst(%dma_wait3A_158 : memref<10240x32xf32, #tpu.memory_space<vmem_shared>>)
          tpu.yield
        }) : () -> ()
        %add3A_82 = arith.constant 4 : i32
        %add3A_83 = arith.addi %add3A_72, %add3A_82 : i32
        %lt3A_84 = arith.constant 40 : i32
        %lt3A_85 = arith.cmpi slt, %add3A_83, %lt3A_84 : i32
        %convert_element_type3A_86 = arith.extui %lt3A_85 : i1 to i32
        %cond3A_87 = arith.constant 0 : i32
        %cond3A_88 = arith.cmpi ne, %convert_element_type3A_86, %cond3A_87 : i32
        scf.if %cond3A_88 {
          %add3A_146 = arith.constant 4 : i32
          %add3A_147 = arith.addi %add3A_72, %add3A_146 : i32
          %dma_start3A_148 = arith.constant 0 : i32
          %dma_start3A_149 = tpu.memref_slice %arg6[%add3A_147, %dma_start3A_148] : memref<40x125xi32, #tpu.memory_space<vmem>> -> memref<1x125xi32, #tpu.memory_space<vmem>>
          %dma_start3A_150 = tpu.memref_squeeze %dma_start3A_149 : memref<1x125xi32, #tpu.memory_space<vmem>> -> memref<125xi32, #tpu.memory_space<vmem>>
          %dma_start3A_151 = arith.constant 0 : i32
          %dma_start3A_152 = arith.constant 0 : i32
          %dma_start3A_153 = tpu.memref_slice %arg3[%arg0, %dma_start3A_151, %dma_start3A_152] : memref<2x10000x32xf32, #tpu.memory_space<hbm>> -> memref<1x10000x32xf32, #tpu.memory_space<hbm>>
          %dma_start3A_154 = tpu.memref_squeeze %dma_start3A_153 : memref<1x10000x32xf32, #tpu.memory_space<hbm>> -> memref<10000x32xf32, #tpu.memory_space<hbm>>
          %dma_start3A_155 = arith.constant 0 : i32
          %dma_start3A_156 = arith.constant 0 : i32
          %dma_start3A_157 = tpu.memref_slice %dma_start3A_154[%dma_start3A_155, %dma_start3A_156] : memref<10000x32xf32, #tpu.memory_space<hbm>> -> memref<10000x32xf32, #tpu.memory_space<hbm>>
          tpu.enqueue_indirect_dma source(%dma_start3A_157 : memref<10000x32xf32, #tpu.memory_space<hbm>>) target(%arg8 : memref<125x32xf32, #tpu.memory_space<vmem>>) offsets(%dma_start3A_150 : memref<125xi32, #tpu.memory_space<vmem>>) semaphore(%arg13 : memref<!tpu.dma_semaphore, #tpu.memory_space<semaphore_mem>>)
        } else {
        }
        %add3A_89 = arith.constant 1 : i32
        %add3A_90 = arith.addi %mul3A_70, %add3A_89 : i32
        %dma_wait3A_91 = arith.constant 0 : i32
        %dma_wait3A_92 = tpu.memref_slice %arg6[%add3A_90, %dma_wait3A_91] : memref<40x125xi32, #tpu.memory_space<vmem>> -> memref<1x125xi32, #tpu.memory_space<vmem>>
        %dma_wait3A_93 = tpu.memref_squeeze %dma_wait3A_92 : memref<1x125xi32, #tpu.memory_space<vmem>> -> memref<125xi32, #tpu.memory_space<vmem>>
        %dma_wait3A_94 = arith.constant 0 : i32
        %dma_wait3A_95 = arith.constant 0 : i32
        %dma_wait3A_96 = tpu.memref_slice %arg3[%arg0, %dma_wait3A_94, %dma_wait3A_95] : memref<2x10000x32xf32, #tpu.memory_space<hbm>> -> memref<1x10000x32xf32, #tpu.memory_space<hbm>>
        %dma_wait3A_97 = tpu.memref_squeeze %dma_wait3A_96 : memref<1x10000x32xf32, #tpu.memory_space<hbm>> -> memref<10000x32xf32, #tpu.memory_space<hbm>>
        %dma_wait3A_98 = arith.constant 0 : i32
        %dma_wait3A_99 = arith.constant 0 : i32
        %dma_wait3A_100 = tpu.memref_slice %dma_wait3A_97[%dma_wait3A_98, %dma_wait3A_99] : memref<10000x32xf32, #tpu.memory_space<hbm>> -> memref<10000x32xf32, #tpu.memory_space<hbm>>
        tpu.wait_indirect_dma semaphore(%arg14 : memref<!tpu.dma_semaphore, #tpu.memory_space<semaphore_mem>>) src(%dma_wait3A_100 : memref<10000x32xf32, #tpu.memory_space<hbm>>) dst(%arg9 : memref<125x32xf32, #tpu.memory_space<vmem>>)
        "tpu.region"() ({
          %run_scoped3A_146 = tpu.sem_alloc : memref<!tpu.dma_semaphore, #tpu.memory_space<semaphore_mem>>
          %dma_start3A_147 = arith.constant 0 : i32
          %dma_start3A_148 = tpu.memref_slice %arg7[%add3A_90, %dma_start3A_147] : memref<40x125xi32, #tpu.memory_space<vmem>> -> memref<1x125xi32, #tpu.memory_space<vmem>>
          %dma_start3A_149 = tpu.memref_squeeze %dma_start3A_148 : memref<1x125xi32, #tpu.memory_space<vmem>> -> memref<125xi32, #tpu.memory_space<vmem>>
          %dma_start3A_150 = arith.constant 0 : i32
          %dma_start3A_151 = arith.constant 0 : i32
          %dma_start3A_152 = tpu.memref_slice %arg12[%dma_start3A_150, %dma_start3A_151] : memref<10240x32xf32, #tpu.memory_space<vmem_shared>> -> memref<10240x32xf32, #tpu.memory_space<vmem_shared>>
          tpu.enqueue_indirect_dma source(%arg9 : memref<125x32xf32, #tpu.memory_space<vmem>>) target(%dma_start3A_152 : memref<10240x32xf32, #tpu.memory_space<vmem_shared>>) offsets(%dma_start3A_149 : memref<125xi32, #tpu.memory_space<vmem>>) semaphore(%run_scoped3A_146 : memref<!tpu.dma_semaphore, #tpu.memory_space<semaphore_mem>>) {add = true}
          %dma_wait3A_153 = arith.constant 0 : i32
          %dma_wait3A_154 = tpu.memref_slice %arg7[%add3A_90, %dma_wait3A_153] : memref<40x125xi32, #tpu.memory_space<vmem>> -> memref<1x125xi32, #tpu.memory_space<vmem>>
          %dma_wait3A_155 = tpu.memref_squeeze %dma_wait3A_154 : memref<1x125xi32, #tpu.memory_space<vmem>> -> memref<125xi32, #tpu.memory_space<vmem>>
          %dma_wait3A_156 = arith.constant 0 : i32
          %dma_wait3A_157 = arith.constant 0 : i32
          %dma_wait3A_158 = tpu.memref_slice %arg12[%dma_wait3A_156, %dma_wait3A_157] : memref<10240x32xf32, #tpu.memory_space<vmem_shared>> -> memref<10240x32xf32, #tpu.memory_space<vmem_shared>>
          tpu.wait_indirect_dma semaphore(%run_scoped3A_146 : memref<!tpu.dma_semaphore, #tpu.memory_space<semaphore_mem>>) src(%arg9 : memref<125x32xf32, #tpu.memory_space<vmem>>) dst(%dma_wait3A_158 : memref<10240x32xf32, #tpu.memory_space<vmem_shared>>)
          tpu.yield
        }) : () -> ()
        %add3A_101 = arith.constant 4 : i32
        %add3A_102 = arith.addi %add3A_90, %add3A_101 : i32
        %lt3A_103 = arith.constant 40 : i32
        %lt3A_104 = arith.cmpi slt, %add3A_102, %lt3A_103 : i32
        %convert_element_type3A_105 = arith.extui %lt3A_104 : i1 to i32
        %cond3A_106 = arith.constant 0 : i32
        %cond3A_107 = arith.cmpi ne, %convert_element_type3A_105, %cond3A_106 : i32
        scf.if %cond3A_107 {
          %add3A_146 = arith.constant 4 : i32
          %add3A_147 = arith.addi %add3A_90, %add3A_146 : i32
          %dma_start3A_148 = arith.constant 0 : i32
          %dma_start3A_149 = tpu.memref_slice %arg6[%add3A_147, %dma_start3A_148] : memref<40x125xi32, #tpu.memory_space<vmem>> -> memref<1x125xi32, #tpu.memory_space<vmem>>
          %dma_start3A_150 = tpu.memref_squeeze %dma_start3A_149 : memref<1x125xi32, #tpu.memory_space<vmem>> -> memref<125xi32, #tpu.memory_space<vmem>>
          %dma_start3A_151 = arith.constant 0 : i32
          %dma_start3A_152 = arith.constant 0 : i32
          %dma_start3A_153 = tpu.memref_slice %arg3[%arg0, %dma_start3A_151, %dma_start3A_152] : memref<2x10000x32xf32, #tpu.memory_space<hbm>> -> memref<1x10000x32xf32, #tpu.memory_space<hbm>>
          %dma_start3A_154 = tpu.memref_squeeze %dma_start3A_153 : memref<1x10000x32xf32, #tpu.memory_space<hbm>> -> memref<10000x32xf32, #tpu.memory_space<hbm>>
          %dma_start3A_155 = arith.constant 0 : i32
          %dma_start3A_156 = arith.constant 0 : i32
          %dma_start3A_157 = tpu.memref_slice %dma_start3A_154[%dma_start3A_155, %dma_start3A_156] : memref<10000x32xf32, #tpu.memory_space<hbm>> -> memref<10000x32xf32, #tpu.memory_space<hbm>>
          tpu.enqueue_indirect_dma source(%dma_start3A_157 : memref<10000x32xf32, #tpu.memory_space<hbm>>) target(%arg9 : memref<125x32xf32, #tpu.memory_space<vmem>>) offsets(%dma_start3A_150 : memref<125xi32, #tpu.memory_space<vmem>>) semaphore(%arg14 : memref<!tpu.dma_semaphore, #tpu.memory_space<semaphore_mem>>)
        } else {
        }
        %add3A_108 = arith.constant 2 : i32
        %add3A_109 = arith.addi %mul3A_70, %add3A_108 : i32
        %dma_wait3A_110 = arith.constant 0 : i32
        %dma_wait3A_111 = tpu.memref_slice %arg6[%add3A_109, %dma_wait3A_110] : memref<40x125xi32, #tpu.memory_space<vmem>> -> memref<1x125xi32, #tpu.memory_space<vmem>>
        %dma_wait3A_112 = tpu.memref_squeeze %dma_wait3A_111 : memref<1x125xi32, #tpu.memory_space<vmem>> -> memref<125xi32, #tpu.memory_space<vmem>>
        %dma_wait3A_113 = arith.constant 0 : i32
        %dma_wait3A_114 = arith.constant 0 : i32
        %dma_wait3A_115 = tpu.memref_slice %arg3[%arg0, %dma_wait3A_113, %dma_wait3A_114] : memref<2x10000x32xf32, #tpu.memory_space<hbm>> -> memref<1x10000x32xf32, #tpu.memory_space<hbm>>
        %dma_wait3A_116 = tpu.memref_squeeze %dma_wait3A_115 : memref<1x10000x32xf32, #tpu.memory_space<hbm>> -> memref<10000x32xf32, #tpu.memory_space<hbm>>
        %dma_wait3A_117 = arith.constant 0 : i32
        %dma_wait3A_118 = arith.constant 0 : i32
        %dma_wait3A_119 = tpu.memref_slice %dma_wait3A_116[%dma_wait3A_117, %dma_wait3A_118] : memref<10000x32xf32, #tpu.memory_space<hbm>> -> memref<10000x32xf32, #tpu.memory_space<hbm>>
        tpu.wait_indirect_dma semaphore(%arg15 : memref<!tpu.dma_semaphore, #tpu.memory_space<semaphore_mem>>) src(%dma_wait3A_119 : memref<10000x32xf32, #tpu.memory_space<hbm>>) dst(%arg10 : memref<125x32xf32, #tpu.memory_space<vmem>>)
        "tpu.region"() ({
          %run_scoped3A_146 = tpu.sem_alloc : memref<!tpu.dma_semaphore, #tpu.memory_space<semaphore_mem>>
          %dma_start3A_147 = arith.constant 0 : i32
          %dma_start3A_148 = tpu.memref_slice %arg7[%add3A_109, %dma_start3A_147] : memref<40x125xi32, #tpu.memory_space<vmem>> -> memref<1x125xi32, #tpu.memory_space<vmem>>
          %dma_start3A_149 = tpu.memref_squeeze %dma_start3A_148 : memref<1x125xi32, #tpu.memory_space<vmem>> -> memref<125xi32, #tpu.memory_space<vmem>>
          %dma_start3A_150 = arith.constant 0 : i32
          %dma_start3A_151 = arith.constant 0 : i32
          %dma_start3A_152 = tpu.memref_slice %arg12[%dma_start3A_150, %dma_start3A_151] : memref<10240x32xf32, #tpu.memory_space<vmem_shared>> -> memref<10240x32xf32, #tpu.memory_space<vmem_shared>>
          tpu.enqueue_indirect_dma source(%arg10 : memref<125x32xf32, #tpu.memory_space<vmem>>) target(%dma_start3A_152 : memref<10240x32xf32, #tpu.memory_space<vmem_shared>>) offsets(%dma_start3A_149 : memref<125xi32, #tpu.memory_space<vmem>>) semaphore(%run_scoped3A_146 : memref<!tpu.dma_semaphore, #tpu.memory_space<semaphore_mem>>) {add = true}
          %dma_wait3A_153 = arith.constant 0 : i32
          %dma_wait3A_154 = tpu.memref_slice %arg7[%add3A_109, %dma_wait3A_153] : memref<40x125xi32, #tpu.memory_space<vmem>> -> memref<1x125xi32, #tpu.memory_space<vmem>>
          %dma_wait3A_155 = tpu.memref_squeeze %dma_wait3A_154 : memref<1x125xi32, #tpu.memory_space<vmem>> -> memref<125xi32, #tpu.memory_space<vmem>>
          %dma_wait3A_156 = arith.constant 0 : i32
          %dma_wait3A_157 = arith.constant 0 : i32
          %dma_wait3A_158 = tpu.memref_slice %arg12[%dma_wait3A_156, %dma_wait3A_157] : memref<10240x32xf32, #tpu.memory_space<vmem_shared>> -> memref<10240x32xf32, #tpu.memory_space<vmem_shared>>
          tpu.wait_indirect_dma semaphore(%run_scoped3A_146 : memref<!tpu.dma_semaphore, #tpu.memory_space<semaphore_mem>>) src(%arg10 : memref<125x32xf32, #tpu.memory_space<vmem>>) dst(%dma_wait3A_158 : memref<10240x32xf32, #tpu.memory_space<vmem_shared>>)
          tpu.yield
        }) : () -> ()
        %add3A_120 = arith.constant 4 : i32
        %add3A_121 = arith.addi %add3A_109, %add3A_120 : i32
        %lt3A_122 = arith.constant 40 : i32
        %lt3A_123 = arith.cmpi slt, %add3A_121, %lt3A_122 : i32
        %convert_element_type3A_124 = arith.extui %lt3A_123 : i1 to i32
        %cond3A_125 = arith.constant 0 : i32
        %cond3A_126 = arith.cmpi ne, %convert_element_type3A_124, %cond3A_125 : i32
        scf.if %cond3A_126 {
          %add3A_146 = arith.constant 4 : i32
          %add3A_147 = arith.addi %add3A_109, %add3A_146 : i32
          %dma_start3A_148 = arith.constant 0 : i32
          %dma_start3A_149 = tpu.memref_slice %arg6[%add3A_147, %dma_start3A_148] : memref<40x125xi32, #tpu.memory_space<vmem>> -> memref<1x125xi32, #tpu.memory_space<vmem>>
          %dma_start3A_150 = tpu.memref_squeeze %dma_start3A_149 : memref<1x125xi32, #tpu.memory_space<vmem>> -> memref<125xi32, #tpu.memory_space<vmem>>
          %dma_start3A_151 = arith.constant 0 : i32
          %dma_start3A_152 = arith.constant 0 : i32
          %dma_start3A_153 = tpu.memref_slice %arg3[%arg0, %dma_start3A_151, %dma_start3A_152] : memref<2x10000x32xf32, #tpu.memory_space<hbm>> -> memref<1x10000x32xf32, #tpu.memory_space<hbm>>
          %dma_start3A_154 = tpu.memref_squeeze %dma_start3A_153 : memref<1x10000x32xf32, #tpu.memory_space<hbm>> -> memref<10000x32xf32, #tpu.memory_space<hbm>>
          %dma_start3A_155 = arith.constant 0 : i32
          %dma_start3A_156 = arith.constant 0 : i32
          %dma_start3A_157 = tpu.memref_slice %dma_start3A_154[%dma_start3A_155, %dma_start3A_156] : memref<10000x32xf32, #tpu.memory_space<hbm>> -> memref<10000x32xf32, #tpu.memory_space<hbm>>
          tpu.enqueue_indirect_dma source(%dma_start3A_157 : memref<10000x32xf32, #tpu.memory_space<hbm>>) target(%arg10 : memref<125x32xf32, #tpu.memory_space<vmem>>) offsets(%dma_start3A_150 : memref<125xi32, #tpu.memory_space<vmem>>) semaphore(%arg15 : memref<!tpu.dma_semaphore, #tpu.memory_space<semaphore_mem>>)
        } else {
        }
        %add3A_127 = arith.constant 3 : i32
        %add3A_128 = arith.addi %mul3A_70, %add3A_127 : i32
        %dma_wait3A_129 = arith.constant 0 : i32
        %dma_wait3A_130 = tpu.memref_slice %arg6[%add3A_128, %dma_wait3A_129] : memref<40x125xi32, #tpu.memory_space<vmem>> -> memref<1x125xi32, #tpu.memory_space<vmem>>
        %dma_wait3A_131 = tpu.memref_squeeze %dma_wait3A_130 : memref<1x125xi32, #tpu.memory_space<vmem>> -> memref<125xi32, #tpu.memory_space<vmem>>
        %dma_wait3A_132 = arith.constant 0 : i32
        %dma_wait3A_133 = arith.constant 0 : i32
        %dma_wait3A_134 = tpu.memref_slice %arg3[%arg0, %dma_wait3A_132, %dma_wait3A_133] : memref<2x10000x32xf32, #tpu.memory_space<hbm>> -> memref<1x10000x32xf32, #tpu.memory_space<hbm>>
        %dma_wait3A_135 = tpu.memref_squeeze %dma_wait3A_134 : memref<1x10000x32xf32, #tpu.memory_space<hbm>> -> memref<10000x32xf32, #tpu.memory_space<hbm>>
        %dma_wait3A_136 = arith.constant 0 : i32
        %dma_wait3A_137 = arith.constant 0 : i32
        %dma_wait3A_138 = tpu.memref_slice %dma_wait3A_135[%dma_wait3A_136, %dma_wait3A_137] : memref<10000x32xf32, #tpu.memory_space<hbm>> -> memref<10000x32xf32, #tpu.memory_space<hbm>>
        tpu.wait_indirect_dma semaphore(%arg16 : memref<!tpu.dma_semaphore, #tpu.memory_space<semaphore_mem>>) src(%dma_wait3A_138 : memref<10000x32xf32, #tpu.memory_space<hbm>>) dst(%arg11 : memref<125x32xf32, #tpu.memory_space<vmem>>)
        "tpu.region"() ({
          %run_scoped3A_146 = tpu.sem_alloc : memref<!tpu.dma_semaphore, #tpu.memory_space<semaphore_mem>>
          %dma_start3A_147 = arith.constant 0 : i32
          %dma_start3A_148 = tpu.memref_slice %arg7[%add3A_128, %dma_start3A_147] : memref<40x125xi32, #tpu.memory_space<vmem>> -> memref<1x125xi32, #tpu.memory_space<vmem>>
          %dma_start3A_149 = tpu.memref_squeeze %dma_start3A_148 : memref<1x125xi32, #tpu.memory_space<vmem>> -> memref<125xi32, #tpu.memory_space<vmem>>
          %dma_start3A_150 = arith.constant 0 : i32
          %dma_start3A_151 = arith.constant 0 : i32
          %dma_start3A_152 = tpu.memref_slice %arg12[%dma_start3A_150, %dma_start3A_151] : memref<10240x32xf32, #tpu.memory_space<vmem_shared>> -> memref<10240x32xf32, #tpu.memory_space<vmem_shared>>
          tpu.enqueue_indirect_dma source(%arg11 : memref<125x32xf32, #tpu.memory_space<vmem>>) target(%dma_start3A_152 : memref<10240x32xf32, #tpu.memory_space<vmem_shared>>) offsets(%dma_start3A_149 : memref<125xi32, #tpu.memory_space<vmem>>) semaphore(%run_scoped3A_146 : memref<!tpu.dma_semaphore, #tpu.memory_space<semaphore_mem>>) {add = true}
          %dma_wait3A_153 = arith.constant 0 : i32
          %dma_wait3A_154 = tpu.memref_slice %arg7[%add3A_128, %dma_wait3A_153] : memref<40x125xi32, #tpu.memory_space<vmem>> -> memref<1x125xi32, #tpu.memory_space<vmem>>
          %dma_wait3A_155 = tpu.memref_squeeze %dma_wait3A_154 : memref<1x125xi32, #tpu.memory_space<vmem>> -> memref<125xi32, #tpu.memory_space<vmem>>
          %dma_wait3A_156 = arith.constant 0 : i32
          %dma_wait3A_157 = arith.constant 0 : i32
          %dma_wait3A_158 = tpu.memref_slice %arg12[%dma_wait3A_156, %dma_wait3A_157] : memref<10240x32xf32, #tpu.memory_space<vmem_shared>> -> memref<10240x32xf32, #tpu.memory_space<vmem_shared>>
          tpu.wait_indirect_dma semaphore(%run_scoped3A_146 : memref<!tpu.dma_semaphore, #tpu.memory_space<semaphore_mem>>) src(%arg11 : memref<125x32xf32, #tpu.memory_space<vmem>>) dst(%dma_wait3A_158 : memref<10240x32xf32, #tpu.memory_space<vmem_shared>>)
          tpu.yield
        }) : () -> ()
        %add3A_139 = arith.constant 4 : i32
        %add3A_140 = arith.addi %add3A_128, %add3A_139 : i32
        %lt3A_141 = arith.constant 40 : i32
        %lt3A_142 = arith.cmpi slt, %add3A_140, %lt3A_141 : i32
        %convert_element_type3A_143 = arith.extui %lt3A_142 : i1 to i32
        %cond3A_144 = arith.constant 0 : i32
        %cond3A_145 = arith.cmpi ne, %convert_element_type3A_143, %cond3A_144 : i32
        scf.if %cond3A_145 {
          %add3A_146 = arith.constant 4 : i32
          %add3A_147 = arith.addi %add3A_128, %add3A_146 : i32
          %dma_start3A_148 = arith.constant 0 : i32
          %dma_start3A_149 = tpu.memref_slice %arg6[%add3A_147, %dma_start3A_148] : memref<40x125xi32, #tpu.memory_space<vmem>> -> memref<1x125xi32, #tpu.memory_space<vmem>>
          %dma_start3A_150 = tpu.memref_squeeze %dma_start3A_149 : memref<1x125xi32, #tpu.memory_space<vmem>> -> memref<125xi32, #tpu.memory_space<vmem>>
          %dma_start3A_151 = arith.constant 0 : i32
          %dma_start3A_152 = arith.constant 0 : i32
          %dma_start3A_153 = tpu.memref_slice %arg3[%arg0, %dma_start3A_151, %dma_start3A_152] : memref<2x10000x32xf32, #tpu.memory_space<hbm>> -> memref<1x10000x32xf32, #tpu.memory_space<hbm>>
          %dma_start3A_154 = tpu.memref_squeeze %dma_start3A_153 : memref<1x10000x32xf32, #tpu.memory_space<hbm>> -> memref<10000x32xf32, #tpu.memory_space<hbm>>
          %dma_start3A_155 = arith.constant 0 : i32
          %dma_start3A_156 = arith.constant 0 : i32
          %dma_start3A_157 = tpu.memref_slice %dma_start3A_154[%dma_start3A_155, %dma_start3A_156] : memref<10000x32xf32, #tpu.memory_space<hbm>> -> memref<10000x32xf32, #tpu.memory_space<hbm>>
          tpu.enqueue_indirect_dma source(%dma_start3A_157 : memref<10000x32xf32, #tpu.memory_space<hbm>>) target(%arg11 : memref<125x32xf32, #tpu.memory_space<vmem>>) offsets(%dma_start3A_150 : memref<125xi32, #tpu.memory_space<vmem>>) semaphore(%arg16 : memref<!tpu.dma_semaphore, #tpu.memory_space<semaphore_mem>>)
        } else {
        }
      }
      %scan3A_67 = arith.constant 10 : i32
    }
    %scan3A_7 = arith.constant 2 : i32
    %barrier3A_8 = arith.constant 0 : index
    tpu.barrier barrier_id(%barrier3A_8)
    %lt3A = arith.constant 15 : i32
    %lt3A_9 = arith.cmpi slt, %arg1, %lt3A : i32
    %convert_element_type3A = arith.extui %lt3A_9 : i1 to i32
    %cond3A = arith.constant 0 : i32
    %cond3A_10 = arith.cmpi ne, %convert_element_type3A, %cond3A : i32
    scf.if %cond3A_10 {
      %mul3A_15 = arith.constant 640 : i32
      %mul3A_16 = arith.muli %arg1, %mul3A_15 : i32
      %mul3A_17 = arith.constant 640 : i32
      %mul3A_18 = arith.muli %arg1, %mul3A_17 : i32
      "tpu.region"() ({
        %run_scoped3A = tpu.sem_alloc : memref<!tpu.dma_semaphore, #tpu.memory_space<semaphore_mem>>
        %dma_start3A = arith.constant 0 : i32
        %dma_start3A_19 = arith.constant 0 : i32
        %dma_start3A_20 = tpu.memref_slice %arg5[%arg0, %dma_start3A, %dma_start3A_19] : memref<2x10000x32xf32, #tpu.memory_space<hbm>> -> memref<1x10000x32xf32, #tpu.memory_space<hbm>>
        %dma_start3A_21 = tpu.memref_squeeze %dma_start3A_20 : memref<1x10000x32xf32, #tpu.memory_space<hbm>> -> memref<10000x32xf32, #tpu.memory_space<hbm>>
        %dma_start3A_22 = arith.constant 0 : i32
        %dma_start3A_23 = tpu.memref_slice %dma_start3A_21[%mul3A_18, %dma_start3A_22] : memref<10000x32xf32, #tpu.memory_space<hbm>> -> memref<640x32xf32, #tpu.memory_space<hbm>>
        %dma_start3A_24 = arith.constant 0 : i32
        %dma_start3A_25 = tpu.memref_slice %arg12[%mul3A_16, %dma_start3A_24] : memref<10240x32xf32, #tpu.memory_space<vmem_shared>> -> memref<640x32xf32, #tpu.memory_space<vmem_shared>>
        tpu.enqueue_dma source(%dma_start3A_25 : memref<640x32xf32, #tpu.memory_space<vmem_shared>>) target(%dma_start3A_23 : memref<640x32xf32, #tpu.memory_space<hbm>>) target_semaphore(%run_scoped3A : memref<!tpu.dma_semaphore, #tpu.memory_space<semaphore_mem>>)
        %dma_wait3A = arith.constant 0 : i32
        %dma_wait3A_26 = arith.constant 0 : i32
        %dma_wait3A_27 = tpu.memref_slice %arg5[%arg0, %dma_wait3A, %dma_wait3A_26] : memref<2x10000x32xf32, #tpu.memory_space<hbm>> -> memref<1x10000x32xf32, #tpu.memory_space<hbm>>
        %dma_wait3A_28 = tpu.memref_squeeze %dma_wait3A_27 : memref<1x10000x32xf32, #tpu.memory_space<hbm>> -> memref<10000x32xf32, #tpu.memory_space<hbm>>
        %dma_wait3A_29 = arith.constant 0 : i32
        %dma_wait3A_30 = tpu.memref_slice %dma_wait3A_28[%mul3A_18, %dma_wait3A_29] : memref<10000x32xf32, #tpu.memory_space<hbm>> -> memref<640x32xf32, #tpu.memory_space<hbm>>
        %dma_wait3A_31 = arith.constant 0 : i32
        %dma_wait3A_32 = tpu.memref_slice %arg12[%mul3A_16, %dma_wait3A_31] : memref<10240x32xf32, #tpu.memory_space<vmem_shared>> -> memref<640x32xf32, #tpu.memory_space<vmem_shared>>
        tpu.wait_dma2 semaphore(%run_scoped3A : memref<!tpu.dma_semaphore, #tpu.memory_space<semaphore_mem>>) src(%dma_wait3A_32 : memref<640x32xf32, #tpu.memory_space<vmem_shared>>) dst(%dma_wait3A_30 : memref<640x32xf32, #tpu.memory_space<hbm>>)
        tpu.yield
      }) : () -> ()
    } else {
    }
    %eq3A = arith.constant 15 : i32
    %eq3A_11 = arith.cmpi eq, %arg1, %eq3A : i32
    %convert_element_type3A_12 = arith.extui %eq3A_11 : i1 to i32
    %cond3A_13 = arith.constant 0 : i32
    %cond3A_14 = arith.cmpi ne, %convert_element_type3A_12, %cond3A_13 : i32
    scf.if %cond3A_14 {
      "tpu.region"() ({
        %run_scoped3A = tpu.sem_alloc : memref<!tpu.dma_semaphore, #tpu.memory_space<semaphore_mem>>
        %dma_start3A = arith.constant 0 : i32
        %dma_start3A_15 = arith.constant 0 : i32
        %dma_start3A_16 = tpu.memref_slice %arg5[%arg0, %dma_start3A, %dma_start3A_15] : memref<2x10000x32xf32, #tpu.memory_space<hbm>> -> memref<1x10000x32xf32, #tpu.memory_space<hbm>>
        %dma_start3A_17 = tpu.memref_squeeze %dma_start3A_16 : memref<1x10000x32xf32, #tpu.memory_space<hbm>> -> memref<10000x32xf32, #tpu.memory_space<hbm>>
        %dma_start3A_18 = arith.constant 9600 : i32
        %dma_start3A_19 = arith.constant 0 : i32
        %dma_start3A_20 = tpu.memref_slice %dma_start3A_17[%dma_start3A_18, %dma_start3A_19] : memref<10000x32xf32, #tpu.memory_space<hbm>> -> memref<400x32xf32, #tpu.memory_space<hbm>>
        %dma_start3A_21 = arith.constant 9600 : i32
        %dma_start3A_22 = arith.constant 0 : i32
        %dma_start3A_23 = tpu.memref_slice %arg12[%dma_start3A_21, %dma_start3A_22] : memref<10240x32xf32, #tpu.memory_space<vmem_shared>> -> memref<400x32xf32, #tpu.memory_space<vmem_shared>>
        tpu.enqueue_dma source(%dma_start3A_23 : memref<400x32xf32, #tpu.memory_space<vmem_shared>>) target(%dma_start3A_20 : memref<400x32xf32, #tpu.memory_space<hbm>>) target_semaphore(%run_scoped3A : memref<!tpu.dma_semaphore, #tpu.memory_space<semaphore_mem>>)
        %dma_wait3A = arith.constant 0 : i32
        %dma_wait3A_24 = arith.constant 0 : i32
        %dma_wait3A_25 = tpu.memref_slice %arg5[%arg0, %dma_wait3A, %dma_wait3A_24] : memref<2x10000x32xf32, #tpu.memory_space<hbm>> -> memref<1x10000x32xf32, #tpu.memory_space<hbm>>
        %dma_wait3A_26 = tpu.memref_squeeze %dma_wait3A_25 : memref<1x10000x32xf32, #tpu.memory_space<hbm>> -> memref<10000x32xf32, #tpu.memory_space<hbm>>
        %dma_wait3A_27 = arith.constant 9600 : i32
        %dma_wait3A_28 = arith.constant 0 : i32
        %dma_wait3A_29 = tpu.memref_slice %dma_wait3A_26[%dma_wait3A_27, %dma_wait3A_28] : memref<10000x32xf32, #tpu.memory_space<hbm>> -> memref<400x32xf32, #tpu.memory_space<hbm>>
        %dma_wait3A_30 = arith.constant 9600 : i32
        %dma_wait3A_31 = arith.constant 0 : i32
        %dma_wait3A_32 = tpu.memref_slice %arg12[%dma_wait3A_30, %dma_wait3A_31] : memref<10240x32xf32, #tpu.memory_space<vmem_shared>> -> memref<400x32xf32, #tpu.memory_space<vmem_shared>>
        tpu.wait_dma2 semaphore(%run_scoped3A : memref<!tpu.dma_semaphore, #tpu.memory_space<semaphore_mem>>) src(%dma_wait3A_32 : memref<400x32xf32, #tpu.memory_space<vmem_shared>>) dst(%dma_wait3A_29 : memref<400x32xf32, #tpu.memory_space<hbm>>)
        tpu.yield
      }) : () -> ()
    } else {
    }
    return
  }
}

#map = affine_map<(d0, d1) -> (0, 0, 0)>
#map1 = affine_map<(d0, d1) -> (0, 0)>
module attributes {stable_mosaic.version = 14 : i64} {
  func.func @_deg_body(%arg0: i32, %arg1: i32, %arg2: memref<2x1280x125xi32, #tpu.memory_space<hbm>>, %arg3: memref<125x32xf32, #tpu.memory_space<hbm>>, %arg4: memref<640x32xf32, #tpu.memory_space<hbm>>, %arg5: memref<2x10000x32xf32, #tpu.memory_space<hbm>>, %arg6: memref<40x125xi32, #tpu.memory_space<vmem>>, %arg7: memref<125x32xf32, #tpu.memory_space<vmem>>, %arg8: memref<10240x32xf32, #tpu.memory_space<vmem_shared>>, %arg9: memref<!tpu.dma_semaphore, #tpu.memory_space<semaphore_mem>>) attributes {dimension_semantics = [#tpu.dimension_semantics<core_parallel>, #tpu.dimension_semantics<subcore_parallel>], iteration_bounds = array<i64: 2, 16>, scalar_prefetch = 0 : i64, scratch_operands = 4 : i64, tpu.core_type = #tpu.core_type<sc_vector_subcore>, window_params = [{transform_indices = #map}, {transform_indices = #map1}, {transform_indices = #map1}, {transform_indices = #map}]} {
    %mul3A = arith.constant 640 : i32
    %mul3A_0 = arith.muli %arg1, %mul3A : i32
    "tpu.region"() ({
      %run_scoped3A_17 = tpu.sem_alloc : memref<!tpu.dma_semaphore, #tpu.memory_space<semaphore_mem>>
      %dma_start3A = arith.constant 0 : i32
      %dma_start3A_18 = tpu.memref_slice %arg8[%mul3A_0, %dma_start3A] : memref<10240x32xf32, #tpu.memory_space<vmem_shared>> -> memref<640x32xf32, #tpu.memory_space<vmem_shared>>
      tpu.enqueue_dma source(%arg4 : memref<640x32xf32, #tpu.memory_space<hbm>>) target(%dma_start3A_18 : memref<640x32xf32, #tpu.memory_space<vmem_shared>>) target_semaphore(%run_scoped3A_17 : memref<!tpu.dma_semaphore, #tpu.memory_space<semaphore_mem>>)
      %dma_wait3A = arith.constant 0 : i32
      %dma_wait3A_19 = tpu.memref_slice %arg8[%mul3A_0, %dma_wait3A] : memref<10240x32xf32, #tpu.memory_space<vmem_shared>> -> memref<640x32xf32, #tpu.memory_space<vmem_shared>>
      tpu.wait_dma2 semaphore(%run_scoped3A_17 : memref<!tpu.dma_semaphore, #tpu.memory_space<semaphore_mem>>) src(%arg4 : memref<640x32xf32, #tpu.memory_space<hbm>>) dst(%dma_wait3A_19 : memref<640x32xf32, #tpu.memory_space<vmem_shared>>)
      tpu.yield
    }) : () -> ()
    %mul3A_1 = arith.constant 16 : i32
    %mul3A_2 = arith.muli %arg0, %mul3A_1 : i32
    %add3A = arith.addi %mul3A_2, %arg1 : i32
    %mul3A_3 = arith.constant 40 : i32
    %mul3A_4 = arith.muli %add3A, %mul3A_3 : i32
    %run_scoped3A = arith.constant 1 : i32
    "tpu.region"() ({
      %run_scoped3A_17 = tpu.sem_alloc : memref<!tpu.dma_semaphore, #tpu.memory_space<semaphore_mem>>
      %dma_start3A = arith.constant 0 : i32
      %dma_start3A_18 = arith.constant 0 : i32
      %dma_start3A_19 = tpu.memref_slice %arg2[%run_scoped3A, %dma_start3A, %dma_start3A_18] : memref<2x1280x125xi32, #tpu.memory_space<hbm>> -> memref<1x1280x125xi32, #tpu.memory_space<hbm>>
      %dma_start3A_20 = tpu.memref_squeeze %dma_start3A_19 : memref<1x1280x125xi32, #tpu.memory_space<hbm>> -> memref<1280x125xi32, #tpu.memory_space<hbm>>
      %dma_start3A_21 = arith.constant 0 : i32
      %dma_start3A_22 = tpu.memref_slice %dma_start3A_20[%mul3A_4, %dma_start3A_21] : memref<1280x125xi32, #tpu.memory_space<hbm>> -> memref<40x125xi32, #tpu.memory_space<hbm>>
      %dma_start3A_23 = arith.constant 0 : i32
      %dma_start3A_24 = arith.constant 0 : i32
      %dma_start3A_25 = tpu.memref_slice %arg2[%run_scoped3A, %dma_start3A_23, %dma_start3A_24] : memref<2x1280x125xi32, #tpu.memory_space<hbm>> -> memref<1x1280x125xi32, #tpu.memory_space<hbm>>
      %dma_start3A_26 = tpu.memref_squeeze %dma_start3A_25 : memref<1x1280x125xi32, #tpu.memory_space<hbm>> -> memref<1280x125xi32, #tpu.memory_space<hbm>>
      %dma_start3A_27 = arith.constant 0 : i32
      %dma_start3A_28 = tpu.memref_slice %dma_start3A_26[%mul3A_4, %dma_start3A_27] : memref<1280x125xi32, #tpu.memory_space<hbm>> -> memref<40x125xi32, #tpu.memory_space<hbm>>
      tpu.enqueue_dma source(%dma_start3A_28 : memref<40x125xi32, #tpu.memory_space<hbm>>) target(%arg6 : memref<40x125xi32, #tpu.memory_space<vmem>>) target_semaphore(%run_scoped3A_17 : memref<!tpu.dma_semaphore, #tpu.memory_space<semaphore_mem>>)
      %dma_wait3A = arith.constant 0 : i32
      %dma_wait3A_29 = arith.constant 0 : i32
      %dma_wait3A_30 = tpu.memref_slice %arg2[%run_scoped3A, %dma_wait3A, %dma_wait3A_29] : memref<2x1280x125xi32, #tpu.memory_space<hbm>> -> memref<1x1280x125xi32, #tpu.memory_space<hbm>>
      %dma_wait3A_31 = tpu.memref_squeeze %dma_wait3A_30 : memref<1x1280x125xi32, #tpu.memory_space<hbm>> -> memref<1280x125xi32, #tpu.memory_space<hbm>>
      %dma_wait3A_32 = arith.constant 0 : i32
      %dma_wait3A_33 = tpu.memref_slice %dma_wait3A_31[%mul3A_4, %dma_wait3A_32] : memref<1280x125xi32, #tpu.memory_space<hbm>> -> memref<40x125xi32, #tpu.memory_space<hbm>>
      %dma_wait3A_34 = arith.constant 0 : i32
      %dma_wait3A_35 = arith.constant 0 : i32
      %dma_wait3A_36 = tpu.memref_slice %arg2[%run_scoped3A, %dma_wait3A_34, %dma_wait3A_35] : memref<2x1280x125xi32, #tpu.memory_space<hbm>> -> memref<1x1280x125xi32, #tpu.memory_space<hbm>>
      %dma_wait3A_37 = tpu.memref_squeeze %dma_wait3A_36 : memref<1x1280x125xi32, #tpu.memory_space<hbm>> -> memref<1280x125xi32, #tpu.memory_space<hbm>>
      %dma_wait3A_38 = arith.constant 0 : i32
      %dma_wait3A_39 = tpu.memref_slice %dma_wait3A_37[%mul3A_4, %dma_wait3A_38] : memref<1280x125xi32, #tpu.memory_space<hbm>> -> memref<40x125xi32, #tpu.memory_space<hbm>>
      tpu.wait_dma2 semaphore(%run_scoped3A_17 : memref<!tpu.dma_semaphore, #tpu.memory_space<semaphore_mem>>) src(%dma_wait3A_39 : memref<40x125xi32, #tpu.memory_space<hbm>>) dst(%arg6 : memref<40x125xi32, #tpu.memory_space<vmem>>)
      tpu.yield
    }) : () -> ()
    "tpu.region"() ({
      %run_scoped3A_17 = tpu.sem_alloc : memref<!tpu.dma_semaphore, #tpu.memory_space<semaphore_mem>>
      tpu.enqueue_dma source(%arg3 : memref<125x32xf32, #tpu.memory_space<hbm>>) target(%arg7 : memref<125x32xf32, #tpu.memory_space<vmem>>) target_semaphore(%run_scoped3A_17 : memref<!tpu.dma_semaphore, #tpu.memory_space<semaphore_mem>>)
      tpu.wait_dma2 semaphore(%run_scoped3A_17 : memref<!tpu.dma_semaphore, #tpu.memory_space<semaphore_mem>>) src(%arg3 : memref<125x32xf32, #tpu.memory_space<hbm>>) dst(%arg7 : memref<125x32xf32, #tpu.memory_space<vmem>>)
      tpu.yield
    }) : () -> ()
    %barrier3A = arith.constant 0 : index
    tpu.barrier barrier_id(%barrier3A)
    %scan3A = arith.constant 0 : i32
    %scan3A_5 = arith.constant 0 : i32
    %scan3A_6 = arith.constant 40 : i32
    %scan3A_7 = arith.addi %scan3A_5, %scan3A_6 : i32
    %scan3A_8 = arith.constant 1 : i32
    scf.for %scan3A_17 = %scan3A_5 to %scan3A_7 step %scan3A_8  : i32 {
      "tpu.region"() ({
        %run_scoped3A_18 = tpu.sem_alloc : memref<!tpu.dma_semaphore, #tpu.memory_space<semaphore_mem>>
        %dma_start3A = arith.constant 0 : i32
        %dma_start3A_19 = tpu.memref_slice %arg6[%scan3A_17, %dma_start3A] : memref<40x125xi32, #tpu.memory_space<vmem>> -> memref<1x125xi32, #tpu.memory_space<vmem>>
        %dma_start3A_20 = tpu.memref_squeeze %dma_start3A_19 : memref<1x125xi32, #tpu.memory_space<vmem>> -> memref<125xi32, #tpu.memory_space<vmem>>
        %dma_start3A_21 = arith.constant 0 : i32
        %dma_start3A_22 = arith.constant 0 : i32
        %dma_start3A_23 = tpu.memref_slice %arg8[%dma_start3A_21, %dma_start3A_22] : memref<10240x32xf32, #tpu.memory_space<vmem_shared>> -> memref<10240x32xf32, #tpu.memory_space<vmem_shared>>
        tpu.enqueue_indirect_dma source(%arg7 : memref<125x32xf32, #tpu.memory_space<vmem>>) target(%dma_start3A_23 : memref<10240x32xf32, #tpu.memory_space<vmem_shared>>) offsets(%dma_start3A_20 : memref<125xi32, #tpu.memory_space<vmem>>) semaphore(%run_scoped3A_18 : memref<!tpu.dma_semaphore, #tpu.memory_space<semaphore_mem>>) {add = true}
        %dma_wait3A = arith.constant 0 : i32
        %dma_wait3A_24 = tpu.memref_slice %arg6[%scan3A_17, %dma_wait3A] : memref<40x125xi32, #tpu.memory_space<vmem>> -> memref<1x125xi32, #tpu.memory_space<vmem>>
        %dma_wait3A_25 = tpu.memref_squeeze %dma_wait3A_24 : memref<1x125xi32, #tpu.memory_space<vmem>> -> memref<125xi32, #tpu.memory_space<vmem>>
        %dma_wait3A_26 = arith.constant 0 : i32
        %dma_wait3A_27 = arith.constant 0 : i32
        %dma_wait3A_28 = tpu.memref_slice %arg8[%dma_wait3A_26, %dma_wait3A_27] : memref<10240x32xf32, #tpu.memory_space<vmem_shared>> -> memref<10240x32xf32, #tpu.memory_space<vmem_shared>>
        tpu.wait_indirect_dma semaphore(%run_scoped3A_18 : memref<!tpu.dma_semaphore, #tpu.memory_space<semaphore_mem>>) src(%arg7 : memref<125x32xf32, #tpu.memory_space<vmem>>) dst(%dma_wait3A_28 : memref<10240x32xf32, #tpu.memory_space<vmem_shared>>)
        tpu.yield
      }) : () -> ()
    }
    %scan3A_9 = arith.constant 40 : i32
    %barrier3A_10 = arith.constant 0 : index
    tpu.barrier barrier_id(%barrier3A_10)
    %lt3A = arith.constant 15 : i32
    %lt3A_11 = arith.cmpi slt, %arg1, %lt3A : i32
    %convert_element_type3A = arith.extui %lt3A_11 : i1 to i32
    %cond3A = arith.constant 0 : i32
    %cond3A_12 = arith.cmpi ne, %convert_element_type3A, %cond3A : i32
    scf.if %cond3A_12 {
      %mul3A_17 = arith.constant 640 : i32
      %mul3A_18 = arith.muli %arg1, %mul3A_17 : i32
      %mul3A_19 = arith.constant 640 : i32
      %mul3A_20 = arith.muli %arg1, %mul3A_19 : i32
      "tpu.region"() ({
        %run_scoped3A_21 = tpu.sem_alloc : memref<!tpu.dma_semaphore, #tpu.memory_space<semaphore_mem>>
        %dma_start3A = arith.constant 0 : i32
        %dma_start3A_22 = arith.constant 0 : i32
        %dma_start3A_23 = tpu.memref_slice %arg5[%arg0, %dma_start3A, %dma_start3A_22] : memref<2x10000x32xf32, #tpu.memory_space<hbm>> -> memref<1x10000x32xf32, #tpu.memory_space<hbm>>
        %dma_start3A_24 = tpu.memref_squeeze %dma_start3A_23 : memref<1x10000x32xf32, #tpu.memory_space<hbm>> -> memref<10000x32xf32, #tpu.memory_space<hbm>>
        %dma_start3A_25 = arith.constant 0 : i32
        %dma_start3A_26 = tpu.memref_slice %dma_start3A_24[%mul3A_20, %dma_start3A_25] : memref<10000x32xf32, #tpu.memory_space<hbm>> -> memref<640x32xf32, #tpu.memory_space<hbm>>
        %dma_start3A_27 = arith.constant 0 : i32
        %dma_start3A_28 = tpu.memref_slice %arg8[%mul3A_18, %dma_start3A_27] : memref<10240x32xf32, #tpu.memory_space<vmem_shared>> -> memref<640x32xf32, #tpu.memory_space<vmem_shared>>
        tpu.enqueue_dma source(%dma_start3A_28 : memref<640x32xf32, #tpu.memory_space<vmem_shared>>) target(%dma_start3A_26 : memref<640x32xf32, #tpu.memory_space<hbm>>) target_semaphore(%run_scoped3A_21 : memref<!tpu.dma_semaphore, #tpu.memory_space<semaphore_mem>>)
        %dma_wait3A = arith.constant 0 : i32
        %dma_wait3A_29 = arith.constant 0 : i32
        %dma_wait3A_30 = tpu.memref_slice %arg5[%arg0, %dma_wait3A, %dma_wait3A_29] : memref<2x10000x32xf32, #tpu.memory_space<hbm>> -> memref<1x10000x32xf32, #tpu.memory_space<hbm>>
        %dma_wait3A_31 = tpu.memref_squeeze %dma_wait3A_30 : memref<1x10000x32xf32, #tpu.memory_space<hbm>> -> memref<10000x32xf32, #tpu.memory_space<hbm>>
        %dma_wait3A_32 = arith.constant 0 : i32
        %dma_wait3A_33 = tpu.memref_slice %dma_wait3A_31[%mul3A_20, %dma_wait3A_32] : memref<10000x32xf32, #tpu.memory_space<hbm>> -> memref<640x32xf32, #tpu.memory_space<hbm>>
        %dma_wait3A_34 = arith.constant 0 : i32
        %dma_wait3A_35 = tpu.memref_slice %arg8[%mul3A_18, %dma_wait3A_34] : memref<10240x32xf32, #tpu.memory_space<vmem_shared>> -> memref<640x32xf32, #tpu.memory_space<vmem_shared>>
        tpu.wait_dma2 semaphore(%run_scoped3A_21 : memref<!tpu.dma_semaphore, #tpu.memory_space<semaphore_mem>>) src(%dma_wait3A_35 : memref<640x32xf32, #tpu.memory_space<vmem_shared>>) dst(%dma_wait3A_33 : memref<640x32xf32, #tpu.memory_space<hbm>>)
        tpu.yield
      }) : () -> ()
    } else {
    }
    %eq3A = arith.constant 15 : i32
    %eq3A_13 = arith.cmpi eq, %arg1, %eq3A : i32
    %convert_element_type3A_14 = arith.extui %eq3A_13 : i1 to i32
    %cond3A_15 = arith.constant 0 : i32
    %cond3A_16 = arith.cmpi ne, %convert_element_type3A_14, %cond3A_15 : i32
    scf.if %cond3A_16 {
      "tpu.region"() ({
        %run_scoped3A_17 = tpu.sem_alloc : memref<!tpu.dma_semaphore, #tpu.memory_space<semaphore_mem>>
        %dma_start3A = arith.constant 0 : i32
        %dma_start3A_18 = arith.constant 0 : i32
        %dma_start3A_19 = tpu.memref_slice %arg5[%arg0, %dma_start3A, %dma_start3A_18] : memref<2x10000x32xf32, #tpu.memory_space<hbm>> -> memref<1x10000x32xf32, #tpu.memory_space<hbm>>
        %dma_start3A_20 = tpu.memref_squeeze %dma_start3A_19 : memref<1x10000x32xf32, #tpu.memory_space<hbm>> -> memref<10000x32xf32, #tpu.memory_space<hbm>>
        %dma_start3A_21 = arith.constant 9600 : i32
        %dma_start3A_22 = arith.constant 0 : i32
        %dma_start3A_23 = tpu.memref_slice %dma_start3A_20[%dma_start3A_21, %dma_start3A_22] : memref<10000x32xf32, #tpu.memory_space<hbm>> -> memref<400x32xf32, #tpu.memory_space<hbm>>
        %dma_start3A_24 = arith.constant 9600 : i32
        %dma_start3A_25 = arith.constant 0 : i32
        %dma_start3A_26 = tpu.memref_slice %arg8[%dma_start3A_24, %dma_start3A_25] : memref<10240x32xf32, #tpu.memory_space<vmem_shared>> -> memref<400x32xf32, #tpu.memory_space<vmem_shared>>
        tpu.enqueue_dma source(%dma_start3A_26 : memref<400x32xf32, #tpu.memory_space<vmem_shared>>) target(%dma_start3A_23 : memref<400x32xf32, #tpu.memory_space<hbm>>) target_semaphore(%run_scoped3A_17 : memref<!tpu.dma_semaphore, #tpu.memory_space<semaphore_mem>>)
        %dma_wait3A = arith.constant 0 : i32
        %dma_wait3A_27 = arith.constant 0 : i32
        %dma_wait3A_28 = tpu.memref_slice %arg5[%arg0, %dma_wait3A, %dma_wait3A_27] : memref<2x10000x32xf32, #tpu.memory_space<hbm>> -> memref<1x10000x32xf32, #tpu.memory_space<hbm>>
        %dma_wait3A_29 = tpu.memref_squeeze %dma_wait3A_28 : memref<1x10000x32xf32, #tpu.memory_space<hbm>> -> memref<10000x32xf32, #tpu.memory_space<hbm>>
        %dma_wait3A_30 = arith.constant 9600 : i32
        %dma_wait3A_31 = arith.constant 0 : i32
        %dma_wait3A_32 = tpu.memref_slice %dma_wait3A_29[%dma_wait3A_30, %dma_wait3A_31] : memref<10000x32xf32, #tpu.memory_space<hbm>> -> memref<400x32xf32, #tpu.memory_space<hbm>>
        %dma_wait3A_33 = arith.constant 9600 : i32
        %dma_wait3A_34 = arith.constant 0 : i32
        %dma_wait3A_35 = tpu.memref_slice %arg8[%dma_wait3A_33, %dma_wait3A_34] : memref<10240x32xf32, #tpu.memory_space<vmem_shared>> -> memref<400x32xf32, #tpu.memory_space<vmem_shared>>
        tpu.wait_dma2 semaphore(%run_scoped3A_17 : memref<!tpu.dma_semaphore, #tpu.memory_space<semaphore_mem>>) src(%dma_wait3A_35 : memref<400x32xf32, #tpu.memory_space<vmem_shared>>) dst(%dma_wait3A_32 : memref<400x32xf32, #tpu.memory_space<hbm>>)
        tpu.yield
      }) : () -> ()
    } else {
    }
    return
  }
}

#map = affine_map<(d0, d1) -> (0, 0, 0)>
#map1 = affine_map<(d0, d1) -> (0, 0)>
module attributes {stable_mosaic.version = 14 : i64} {
  func.func @_edge_fsplit_body(%arg0: i32, %arg1: i32, %arg2: memref<2x1280x125xi32, #tpu.memory_space<hbm>>, %arg3: memref<2x10000x128xf32, #tpu.memory_space<hbm>>, %arg4: memref<640x128xf32, #tpu.memory_space<hbm>>, %arg5: memref<2x10000x128xf32, #tpu.memory_space<hbm>>, %arg6: memref<40x125xi32, #tpu.memory_space<vmem>>, %arg7: memref<40x125xi32, #tpu.memory_space<vmem>>, %arg8: memref<125x128xf32, #tpu.memory_space<vmem>>, %arg9: memref<125x128xf32, #tpu.memory_space<vmem>>, %arg10: memref<10240x128xf32, #tpu.memory_space<vmem_shared>>, %arg11: memref<!tpu.dma_semaphore, #tpu.memory_space<semaphore_mem>>, %arg12: memref<!tpu.dma_semaphore, #tpu.memory_space<semaphore_mem>>) attributes {dimension_semantics = [#tpu.dimension_semantics<core_parallel>, #tpu.dimension_semantics<subcore_parallel>], iteration_bounds = array<i64: 2, 16>, scalar_prefetch = 0 : i64, scratch_operands = 7 : i64, tpu.core_type = #tpu.core_type<sc_vector_subcore>, window_params = [{transform_indices = #map}, {transform_indices = #map}, {transform_indices = #map1}, {transform_indices = #map}]} {
    %mul3A = arith.constant 640 : i32
    %mul3A_0 = arith.muli %arg1, %mul3A : i32
    "tpu.region"() ({
      %run_scoped3A = tpu.sem_alloc : memref<!tpu.dma_semaphore, #tpu.memory_space<semaphore_mem>>
      %dma_start3A = arith.constant 0 : i32
      %dma_start3A_15 = tpu.memref_slice %arg10[%mul3A_0, %dma_start3A] : memref<10240x128xf32, #tpu.memory_space<vmem_shared>> -> memref<640x128xf32, #tpu.memory_space<vmem_shared>>
      tpu.enqueue_dma source(%arg4 : memref<640x128xf32, #tpu.memory_space<hbm>>) target(%dma_start3A_15 : memref<640x128xf32, #tpu.memory_space<vmem_shared>>) target_semaphore(%run_scoped3A : memref<!tpu.dma_semaphore, #tpu.memory_space<semaphore_mem>>)
      %dma_wait3A = arith.constant 0 : i32
      %dma_wait3A_16 = tpu.memref_slice %arg10[%mul3A_0, %dma_wait3A] : memref<10240x128xf32, #tpu.memory_space<vmem_shared>> -> memref<640x128xf32, #tpu.memory_space<vmem_shared>>
      tpu.wait_dma2 semaphore(%run_scoped3A : memref<!tpu.dma_semaphore, #tpu.memory_space<semaphore_mem>>) src(%arg4 : memref<640x128xf32, #tpu.memory_space<hbm>>) dst(%dma_wait3A_16 : memref<640x128xf32, #tpu.memory_space<vmem_shared>>)
      tpu.yield
    }) : () -> ()
    %barrier3A = arith.constant 0 : index
    tpu.barrier barrier_id(%barrier3A)
    %mul3A_1 = arith.constant 80 : i32
    %mul3A_2 = arith.muli %arg1, %mul3A_1 : i32
    %scan3A = arith.constant 0 : i32
    %scan3A_3 = arith.constant 0 : i32
    %scan3A_4 = arith.constant 2 : i32
    %scan3A_5 = arith.addi %scan3A_3, %scan3A_4 : i32
    %scan3A_6 = arith.constant 1 : i32
    scf.for %scan3A_15 = %scan3A_3 to %scan3A_5 step %scan3A_6  : i32 {
      %mul3A_16 = arith.constant 40 : i32
      %mul3A_17 = arith.muli %scan3A_15, %mul3A_16 : i32
      %add3A = arith.addi %mul3A_2, %mul3A_17 : i32
      %run_scoped3A = arith.constant 0 : i32
      "tpu.region"() ({
        %run_scoped3A_46 = tpu.sem_alloc : memref<!tpu.dma_semaphore, #tpu.memory_space<semaphore_mem>>
        %dma_start3A_47 = arith.constant 0 : i32
        %dma_start3A_48 = arith.constant 0 : i32
        %dma_start3A_49 = tpu.memref_slice %arg2[%run_scoped3A, %dma_start3A_47, %dma_start3A_48] : memref<2x1280x125xi32, #tpu.memory_space<hbm>> -> memref<1x1280x125xi32, #tpu.memory_space<hbm>>
        %dma_start3A_50 = tpu.memref_squeeze %dma_start3A_49 : memref<1x1280x125xi32, #tpu.memory_space<hbm>> -> memref<1280x125xi32, #tpu.memory_space<hbm>>
        %dma_start3A_51 = arith.constant 0 : i32
        %dma_start3A_52 = tpu.memref_slice %dma_start3A_50[%add3A, %dma_start3A_51] : memref<1280x125xi32, #tpu.memory_space<hbm>> -> memref<40x125xi32, #tpu.memory_space<hbm>>
        %dma_start3A_53 = arith.constant 0 : i32
        %dma_start3A_54 = arith.constant 0 : i32
        %dma_start3A_55 = tpu.memref_slice %arg2[%run_scoped3A, %dma_start3A_53, %dma_start3A_54] : memref<2x1280x125xi32, #tpu.memory_space<hbm>> -> memref<1x1280x125xi32, #tpu.memory_space<hbm>>
        %dma_start3A_56 = tpu.memref_squeeze %dma_start3A_55 : memref<1x1280x125xi32, #tpu.memory_space<hbm>> -> memref<1280x125xi32, #tpu.memory_space<hbm>>
        %dma_start3A_57 = arith.constant 0 : i32
        %dma_start3A_58 = tpu.memref_slice %dma_start3A_56[%add3A, %dma_start3A_57] : memref<1280x125xi32, #tpu.memory_space<hbm>> -> memref<40x125xi32, #tpu.memory_space<hbm>>
        tpu.enqueue_dma source(%dma_start3A_58 : memref<40x125xi32, #tpu.memory_space<hbm>>) target(%arg6 : memref<40x125xi32, #tpu.memory_space<vmem>>) target_semaphore(%run_scoped3A_46 : memref<!tpu.dma_semaphore, #tpu.memory_space<semaphore_mem>>)
        %dma_wait3A = arith.constant 0 : i32
        %dma_wait3A_59 = arith.constant 0 : i32
        %dma_wait3A_60 = tpu.memref_slice %arg2[%run_scoped3A, %dma_wait3A, %dma_wait3A_59] : memref<2x1280x125xi32, #tpu.memory_space<hbm>> -> memref<1x1280x125xi32, #tpu.memory_space<hbm>>
        %dma_wait3A_61 = tpu.memref_squeeze %dma_wait3A_60 : memref<1x1280x125xi32, #tpu.memory_space<hbm>> -> memref<1280x125xi32, #tpu.memory_space<hbm>>
        %dma_wait3A_62 = arith.constant 0 : i32
        %dma_wait3A_63 = tpu.memref_slice %dma_wait3A_61[%add3A, %dma_wait3A_62] : memref<1280x125xi32, #tpu.memory_space<hbm>> -> memref<40x125xi32, #tpu.memory_space<hbm>>
        %dma_wait3A_64 = arith.constant 0 : i32
        %dma_wait3A_65 = arith.constant 0 : i32
        %dma_wait3A_66 = tpu.memref_slice %arg2[%run_scoped3A, %dma_wait3A_64, %dma_wait3A_65] : memref<2x1280x125xi32, #tpu.memory_space<hbm>> -> memref<1x1280x125xi32, #tpu.memory_space<hbm>>
        %dma_wait3A_67 = tpu.memref_squeeze %dma_wait3A_66 : memref<1x1280x125xi32, #tpu.memory_space<hbm>> -> memref<1280x125xi32, #tpu.memory_space<hbm>>
        %dma_wait3A_68 = arith.constant 0 : i32
        %dma_wait3A_69 = tpu.memref_slice %dma_wait3A_67[%add3A, %dma_wait3A_68] : memref<1280x125xi32, #tpu.memory_space<hbm>> -> memref<40x125xi32, #tpu.memory_space<hbm>>
        tpu.wait_dma2 semaphore(%run_scoped3A_46 : memref<!tpu.dma_semaphore, #tpu.memory_space<semaphore_mem>>) src(%dma_wait3A_69 : memref<40x125xi32, #tpu.memory_space<hbm>>) dst(%arg6 : memref<40x125xi32, #tpu.memory_space<vmem>>)
        tpu.yield
      }) : () -> ()
      %run_scoped3A_18 = arith.constant 1 : i32
      "tpu.region"() ({
        %run_scoped3A_46 = tpu.sem_alloc : memref<!tpu.dma_semaphore, #tpu.memory_space<semaphore_mem>>
        %dma_start3A_47 = arith.constant 0 : i32
        %dma_start3A_48 = arith.constant 0 : i32
        %dma_start3A_49 = tpu.memref_slice %arg2[%run_scoped3A_18, %dma_start3A_47, %dma_start3A_48] : memref<2x1280x125xi32, #tpu.memory_space<hbm>> -> memref<1x1280x125xi32, #tpu.memory_space<hbm>>
        %dma_start3A_50 = tpu.memref_squeeze %dma_start3A_49 : memref<1x1280x125xi32, #tpu.memory_space<hbm>> -> memref<1280x125xi32, #tpu.memory_space<hbm>>
        %dma_start3A_51 = arith.constant 0 : i32
        %dma_start3A_52 = tpu.memref_slice %dma_start3A_50[%add3A, %dma_start3A_51] : memref<1280x125xi32, #tpu.memory_space<hbm>> -> memref<40x125xi32, #tpu.memory_space<hbm>>
        %dma_start3A_53 = arith.constant 0 : i32
        %dma_start3A_54 = arith.constant 0 : i32
        %dma_start3A_55 = tpu.memref_slice %arg2[%run_scoped3A_18, %dma_start3A_53, %dma_start3A_54] : memref<2x1280x125xi32, #tpu.memory_space<hbm>> -> memref<1x1280x125xi32, #tpu.memory_space<hbm>>
        %dma_start3A_56 = tpu.memref_squeeze %dma_start3A_55 : memref<1x1280x125xi32, #tpu.memory_space<hbm>> -> memref<1280x125xi32, #tpu.memory_space<hbm>>
        %dma_start3A_57 = arith.constant 0 : i32
        %dma_start3A_58 = tpu.memref_slice %dma_start3A_56[%add3A, %dma_start3A_57] : memref<1280x125xi32, #tpu.memory_space<hbm>> -> memref<40x125xi32, #tpu.memory_space<hbm>>
        tpu.enqueue_dma source(%dma_start3A_58 : memref<40x125xi32, #tpu.memory_space<hbm>>) target(%arg7 : memref<40x125xi32, #tpu.memory_space<vmem>>) target_semaphore(%run_scoped3A_46 : memref<!tpu.dma_semaphore, #tpu.memory_space<semaphore_mem>>)
        %dma_wait3A = arith.constant 0 : i32
        %dma_wait3A_59 = arith.constant 0 : i32
        %dma_wait3A_60 = tpu.memref_slice %arg2[%run_scoped3A_18, %dma_wait3A, %dma_wait3A_59] : memref<2x1280x125xi32, #tpu.memory_space<hbm>> -> memref<1x1280x125xi32, #tpu.memory_space<hbm>>
        %dma_wait3A_61 = tpu.memref_squeeze %dma_wait3A_60 : memref<1x1280x125xi32, #tpu.memory_space<hbm>> -> memref<1280x125xi32, #tpu.memory_space<hbm>>
        %dma_wait3A_62 = arith.constant 0 : i32
        %dma_wait3A_63 = tpu.memref_slice %dma_wait3A_61[%add3A, %dma_wait3A_62] : memref<1280x125xi32, #tpu.memory_space<hbm>> -> memref<40x125xi32, #tpu.memory_space<hbm>>
        %dma_wait3A_64 = arith.constant 0 : i32
        %dma_wait3A_65 = arith.constant 0 : i32
        %dma_wait3A_66 = tpu.memref_slice %arg2[%run_scoped3A_18, %dma_wait3A_64, %dma_wait3A_65] : memref<2x1280x125xi32, #tpu.memory_space<hbm>> -> memref<1x1280x125xi32, #tpu.memory_space<hbm>>
        %dma_wait3A_67 = tpu.memref_squeeze %dma_wait3A_66 : memref<1x1280x125xi32, #tpu.memory_space<hbm>> -> memref<1280x125xi32, #tpu.memory_space<hbm>>
        %dma_wait3A_68 = arith.constant 0 : i32
        %dma_wait3A_69 = tpu.memref_slice %dma_wait3A_67[%add3A, %dma_wait3A_68] : memref<1280x125xi32, #tpu.memory_space<hbm>> -> memref<40x125xi32, #tpu.memory_space<hbm>>
        tpu.wait_dma2 semaphore(%run_scoped3A_46 : memref<!tpu.dma_semaphore, #tpu.memory_space<semaphore_mem>>) src(%dma_wait3A_69 : memref<40x125xi32, #tpu.memory_space<hbm>>) dst(%arg7 : memref<40x125xi32, #tpu.memory_space<vmem>>)
        tpu.yield
      }) : () -> ()
      %dma_start3A = arith.constant 0 : i32
      %dma_start3A_19 = arith.constant 0 : i32
      %dma_start3A_20 = tpu.memref_slice %arg6[%dma_start3A, %dma_start3A_19] : memref<40x125xi32, #tpu.memory_space<vmem>> -> memref<1x125xi32, #tpu.memory_space<vmem>>
      %dma_start3A_21 = tpu.memref_squeeze %dma_start3A_20 : memref<1x125xi32, #tpu.memory_space<vmem>> -> memref<125xi32, #tpu.memory_space<vmem>>
      %dma_start3A_22 = arith.constant 0 : i32
      %dma_start3A_23 = arith.constant 0 : i32
      %dma_start3A_24 = tpu.memref_slice %arg3[%arg0, %dma_start3A_22, %dma_start3A_23] : memref<2x10000x128xf32, #tpu.memory_space<hbm>> -> memref<1x10000x128xf32, #tpu.memory_space<hbm>>
      %dma_start3A_25 = tpu.memref_squeeze %dma_start3A_24 : memref<1x10000x128xf32, #tpu.memory_space<hbm>> -> memref<10000x128xf32, #tpu.memory_space<hbm>>
      %dma_start3A_26 = arith.constant 0 : i32
      %dma_start3A_27 = arith.constant 0 : i32
      %dma_start3A_28 = tpu.memref_slice %dma_start3A_25[%dma_start3A_26, %dma_start3A_27] : memref<10000x128xf32, #tpu.memory_space<hbm>> -> memref<10000x128xf32, #tpu.memory_space<hbm>>
      tpu.enqueue_indirect_dma source(%dma_start3A_28 : memref<10000x128xf32, #tpu.memory_space<hbm>>) target(%arg8 : memref<125x128xf32, #tpu.memory_space<vmem>>) offsets(%dma_start3A_21 : memref<125xi32, #tpu.memory_space<vmem>>) semaphore(%arg11 : memref<!tpu.dma_semaphore, #tpu.memory_space<semaphore_mem>>)
      %dma_start3A_29 = arith.constant 1 : i32
      %dma_start3A_30 = arith.constant 0 : i32
      %dma_start3A_31 = tpu.memref_slice %arg6[%dma_start3A_29, %dma_start3A_30] : memref<40x125xi32, #tpu.memory_space<vmem>> -> memref<1x125xi32, #tpu.memory_space<vmem>>
      %dma_start3A_32 = tpu.memref_squeeze %dma_start3A_31 : memref<1x125xi32, #tpu.memory_space<vmem>> -> memref<125xi32, #tpu.memory_space<vmem>>
      %dma_start3A_33 = arith.constant 0 : i32
      %dma_start3A_34 = arith.constant 0 : i32
      %dma_start3A_35 = tpu.memref_slice %arg3[%arg0, %dma_start3A_33, %dma_start3A_34] : memref<2x10000x128xf32, #tpu.memory_space<hbm>> -> memref<1x10000x128xf32, #tpu.memory_space<hbm>>
      %dma_start3A_36 = tpu.memref_squeeze %dma_start3A_35 : memref<1x10000x128xf32, #tpu.memory_space<hbm>> -> memref<10000x128xf32, #tpu.memory_space<hbm>>
      %dma_start3A_37 = arith.constant 0 : i32
      %dma_start3A_38 = arith.constant 0 : i32
      %dma_start3A_39 = tpu.memref_slice %dma_start3A_36[%dma_start3A_37, %dma_start3A_38] : memref<10000x128xf32, #tpu.memory_space<hbm>> -> memref<10000x128xf32, #tpu.memory_space<hbm>>
      tpu.enqueue_indirect_dma source(%dma_start3A_39 : memref<10000x128xf32, #tpu.memory_space<hbm>>) target(%arg9 : memref<125x128xf32, #tpu.memory_space<vmem>>) offsets(%dma_start3A_32 : memref<125xi32, #tpu.memory_space<vmem>>) semaphore(%arg12 : memref<!tpu.dma_semaphore, #tpu.memory_space<semaphore_mem>>)
      %scan3A_40 = arith.constant 0 : i32
      %scan3A_41 = arith.constant 0 : i32
      %scan3A_42 = arith.constant 20 : i32
      %scan3A_43 = arith.addi %scan3A_41, %scan3A_42 : i32
      %scan3A_44 = arith.constant 1 : i32
      scf.for %scan3A_46 = %scan3A_41 to %scan3A_43 step %scan3A_44  : i32 {
        %mul3A_47 = arith.constant 2 : i32
        %mul3A_48 = arith.muli %mul3A_47, %scan3A_46 : i32
        %add3A_49 = arith.constant 0 : i32
        %add3A_50 = arith.addi %mul3A_48, %add3A_49 : i32
        %dma_wait3A = arith.constant 0 : i32
        %dma_wait3A_51 = tpu.memref_slice %arg6[%add3A_50, %dma_wait3A] : memref<40x125xi32, #tpu.memory_space<vmem>> -> memref<1x125xi32, #tpu.memory_space<vmem>>
        %dma_wait3A_52 = tpu.memref_squeeze %dma_wait3A_51 : memref<1x125xi32, #tpu.memory_space<vmem>> -> memref<125xi32, #tpu.memory_space<vmem>>
        %dma_wait3A_53 = arith.constant 0 : i32
        %dma_wait3A_54 = arith.constant 0 : i32
        %dma_wait3A_55 = tpu.memref_slice %arg3[%arg0, %dma_wait3A_53, %dma_wait3A_54] : memref<2x10000x128xf32, #tpu.memory_space<hbm>> -> memref<1x10000x128xf32, #tpu.memory_space<hbm>>
        %dma_wait3A_56 = tpu.memref_squeeze %dma_wait3A_55 : memref<1x10000x128xf32, #tpu.memory_space<hbm>> -> memref<10000x128xf32, #tpu.memory_space<hbm>>
        %dma_wait3A_57 = arith.constant 0 : i32
        %dma_wait3A_58 = arith.constant 0 : i32
        %dma_wait3A_59 = tpu.memref_slice %dma_wait3A_56[%dma_wait3A_57, %dma_wait3A_58] : memref<10000x128xf32, #tpu.memory_space<hbm>> -> memref<10000x128xf32, #tpu.memory_space<hbm>>
        tpu.wait_indirect_dma semaphore(%arg11 : memref<!tpu.dma_semaphore, #tpu.memory_space<semaphore_mem>>) src(%dma_wait3A_59 : memref<10000x128xf32, #tpu.memory_space<hbm>>) dst(%arg8 : memref<125x128xf32, #tpu.memory_space<vmem>>)
        "tpu.region"() ({
          %run_scoped3A_86 = tpu.sem_alloc : memref<!tpu.dma_semaphore, #tpu.memory_space<semaphore_mem>>
          %dma_start3A_87 = arith.constant 0 : i32
          %dma_start3A_88 = tpu.memref_slice %arg7[%add3A_50, %dma_start3A_87] : memref<40x125xi32, #tpu.memory_space<vmem>> -> memref<1x125xi32, #tpu.memory_space<vmem>>
          %dma_start3A_89 = tpu.memref_squeeze %dma_start3A_88 : memref<1x125xi32, #tpu.memory_space<vmem>> -> memref<125xi32, #tpu.memory_space<vmem>>
          %dma_start3A_90 = arith.constant 0 : i32
          %dma_start3A_91 = arith.constant 0 : i32
          %dma_start3A_92 = tpu.memref_slice %arg10[%dma_start3A_90, %dma_start3A_91] : memref<10240x128xf32, #tpu.memory_space<vmem_shared>> -> memref<10240x128xf32, #tpu.memory_space<vmem_shared>>
          tpu.enqueue_indirect_dma source(%arg8 : memref<125x128xf32, #tpu.memory_space<vmem>>) target(%dma_start3A_92 : memref<10240x128xf32, #tpu.memory_space<vmem_shared>>) offsets(%dma_start3A_89 : memref<125xi32, #tpu.memory_space<vmem>>) semaphore(%run_scoped3A_86 : memref<!tpu.dma_semaphore, #tpu.memory_space<semaphore_mem>>) {add = true}
          %dma_wait3A_93 = arith.constant 0 : i32
          %dma_wait3A_94 = tpu.memref_slice %arg7[%add3A_50, %dma_wait3A_93] : memref<40x125xi32, #tpu.memory_space<vmem>> -> memref<1x125xi32, #tpu.memory_space<vmem>>
          %dma_wait3A_95 = tpu.memref_squeeze %dma_wait3A_94 : memref<1x125xi32, #tpu.memory_space<vmem>> -> memref<125xi32, #tpu.memory_space<vmem>>
          %dma_wait3A_96 = arith.constant 0 : i32
          %dma_wait3A_97 = arith.constant 0 : i32
          %dma_wait3A_98 = tpu.memref_slice %arg10[%dma_wait3A_96, %dma_wait3A_97] : memref<10240x128xf32, #tpu.memory_space<vmem_shared>> -> memref<10240x128xf32, #tpu.memory_space<vmem_shared>>
          tpu.wait_indirect_dma semaphore(%run_scoped3A_86 : memref<!tpu.dma_semaphore, #tpu.memory_space<semaphore_mem>>) src(%arg8 : memref<125x128xf32, #tpu.memory_space<vmem>>) dst(%dma_wait3A_98 : memref<10240x128xf32, #tpu.memory_space<vmem_shared>>)
          tpu.yield
        }) : () -> ()
        %add3A_60 = arith.constant 2 : i32
        %add3A_61 = arith.addi %add3A_50, %add3A_60 : i32
        %lt3A_62 = arith.constant 40 : i32
        %lt3A_63 = arith.cmpi slt, %add3A_61, %lt3A_62 : i32
        %convert_element_type3A_64 = arith.extui %lt3A_63 : i1 to i32
        %cond3A_65 = arith.constant 0 : i32
        %cond3A_66 = arith.cmpi ne, %convert_element_type3A_64, %cond3A_65 : i32
        scf.if %cond3A_66 {
          %add3A_86 = arith.constant 2 : i32
          %add3A_87 = arith.addi %add3A_50, %add3A_86 : i32
          %dma_start3A_88 = arith.constant 0 : i32
          %dma_start3A_89 = tpu.memref_slice %arg6[%add3A_87, %dma_start3A_88] : memref<40x125xi32, #tpu.memory_space<vmem>> -> memref<1x125xi32, #tpu.memory_space<vmem>>
          %dma_start3A_90 = tpu.memref_squeeze %dma_start3A_89 : memref<1x125xi32, #tpu.memory_space<vmem>> -> memref<125xi32, #tpu.memory_space<vmem>>
          %dma_start3A_91 = arith.constant 0 : i32
          %dma_start3A_92 = arith.constant 0 : i32
          %dma_start3A_93 = tpu.memref_slice %arg3[%arg0, %dma_start3A_91, %dma_start3A_92] : memref<2x10000x128xf32, #tpu.memory_space<hbm>> -> memref<1x10000x128xf32, #tpu.memory_space<hbm>>
          %dma_start3A_94 = tpu.memref_squeeze %dma_start3A_93 : memref<1x10000x128xf32, #tpu.memory_space<hbm>> -> memref<10000x128xf32, #tpu.memory_space<hbm>>
          %dma_start3A_95 = arith.constant 0 : i32
          %dma_start3A_96 = arith.constant 0 : i32
          %dma_start3A_97 = tpu.memref_slice %dma_start3A_94[%dma_start3A_95, %dma_start3A_96] : memref<10000x128xf32, #tpu.memory_space<hbm>> -> memref<10000x128xf32, #tpu.memory_space<hbm>>
          tpu.enqueue_indirect_dma source(%dma_start3A_97 : memref<10000x128xf32, #tpu.memory_space<hbm>>) target(%arg8 : memref<125x128xf32, #tpu.memory_space<vmem>>) offsets(%dma_start3A_90 : memref<125xi32, #tpu.memory_space<vmem>>) semaphore(%arg11 : memref<!tpu.dma_semaphore, #tpu.memory_space<semaphore_mem>>)
        } else {
        }
        %add3A_67 = arith.constant 1 : i32
        %add3A_68 = arith.addi %mul3A_48, %add3A_67 : i32
        %dma_wait3A_69 = arith.constant 0 : i32
        %dma_wait3A_70 = tpu.memref_slice %arg6[%add3A_68, %dma_wait3A_69] : memref<40x125xi32, #tpu.memory_space<vmem>> -> memref<1x125xi32, #tpu.memory_space<vmem>>
        %dma_wait3A_71 = tpu.memref_squeeze %dma_wait3A_70 : memref<1x125xi32, #tpu.memory_space<vmem>> -> memref<125xi32, #tpu.memory_space<vmem>>
        %dma_wait3A_72 = arith.constant 0 : i32
        %dma_wait3A_73 = arith.constant 0 : i32
        %dma_wait3A_74 = tpu.memref_slice %arg3[%arg0, %dma_wait3A_72, %dma_wait3A_73] : memref<2x10000x128xf32, #tpu.memory_space<hbm>> -> memref<1x10000x128xf32, #tpu.memory_space<hbm>>
        %dma_wait3A_75 = tpu.memref_squeeze %dma_wait3A_74 : memref<1x10000x128xf32, #tpu.memory_space<hbm>> -> memref<10000x128xf32, #tpu.memory_space<hbm>>
        %dma_wait3A_76 = arith.constant 0 : i32
        %dma_wait3A_77 = arith.constant 0 : i32
        %dma_wait3A_78 = tpu.memref_slice %dma_wait3A_75[%dma_wait3A_76, %dma_wait3A_77] : memref<10000x128xf32, #tpu.memory_space<hbm>> -> memref<10000x128xf32, #tpu.memory_space<hbm>>
        tpu.wait_indirect_dma semaphore(%arg12 : memref<!tpu.dma_semaphore, #tpu.memory_space<semaphore_mem>>) src(%dma_wait3A_78 : memref<10000x128xf32, #tpu.memory_space<hbm>>) dst(%arg9 : memref<125x128xf32, #tpu.memory_space<vmem>>)
        "tpu.region"() ({
          %run_scoped3A_86 = tpu.sem_alloc : memref<!tpu.dma_semaphore, #tpu.memory_space<semaphore_mem>>
          %dma_start3A_87 = arith.constant 0 : i32
          %dma_start3A_88 = tpu.memref_slice %arg7[%add3A_68, %dma_start3A_87] : memref<40x125xi32, #tpu.memory_space<vmem>> -> memref<1x125xi32, #tpu.memory_space<vmem>>
          %dma_start3A_89 = tpu.memref_squeeze %dma_start3A_88 : memref<1x125xi32, #tpu.memory_space<vmem>> -> memref<125xi32, #tpu.memory_space<vmem>>
          %dma_start3A_90 = arith.constant 0 : i32
          %dma_start3A_91 = arith.constant 0 : i32
          %dma_start3A_92 = tpu.memref_slice %arg10[%dma_start3A_90, %dma_start3A_91] : memref<10240x128xf32, #tpu.memory_space<vmem_shared>> -> memref<10240x128xf32, #tpu.memory_space<vmem_shared>>
          tpu.enqueue_indirect_dma source(%arg9 : memref<125x128xf32, #tpu.memory_space<vmem>>) target(%dma_start3A_92 : memref<10240x128xf32, #tpu.memory_space<vmem_shared>>) offsets(%dma_start3A_89 : memref<125xi32, #tpu.memory_space<vmem>>) semaphore(%run_scoped3A_86 : memref<!tpu.dma_semaphore, #tpu.memory_space<semaphore_mem>>) {add = true}
          %dma_wait3A_93 = arith.constant 0 : i32
          %dma_wait3A_94 = tpu.memref_slice %arg7[%add3A_68, %dma_wait3A_93] : memref<40x125xi32, #tpu.memory_space<vmem>> -> memref<1x125xi32, #tpu.memory_space<vmem>>
          %dma_wait3A_95 = tpu.memref_squeeze %dma_wait3A_94 : memref<1x125xi32, #tpu.memory_space<vmem>> -> memref<125xi32, #tpu.memory_space<vmem>>
          %dma_wait3A_96 = arith.constant 0 : i32
          %dma_wait3A_97 = arith.constant 0 : i32
          %dma_wait3A_98 = tpu.memref_slice %arg10[%dma_wait3A_96, %dma_wait3A_97] : memref<10240x128xf32, #tpu.memory_space<vmem_shared>> -> memref<10240x128xf32, #tpu.memory_space<vmem_shared>>
          tpu.wait_indirect_dma semaphore(%run_scoped3A_86 : memref<!tpu.dma_semaphore, #tpu.memory_space<semaphore_mem>>) src(%arg9 : memref<125x128xf32, #tpu.memory_space<vmem>>) dst(%dma_wait3A_98 : memref<10240x128xf32, #tpu.memory_space<vmem_shared>>)
          tpu.yield
        }) : () -> ()
        %add3A_79 = arith.constant 2 : i32
        %add3A_80 = arith.addi %add3A_68, %add3A_79 : i32
        %lt3A_81 = arith.constant 40 : i32
        %lt3A_82 = arith.cmpi slt, %add3A_80, %lt3A_81 : i32
        %convert_element_type3A_83 = arith.extui %lt3A_82 : i1 to i32
        %cond3A_84 = arith.constant 0 : i32
        %cond3A_85 = arith.cmpi ne, %convert_element_type3A_83, %cond3A_84 : i32
        scf.if %cond3A_85 {
          %add3A_86 = arith.constant 2 : i32
          %add3A_87 = arith.addi %add3A_68, %add3A_86 : i32
          %dma_start3A_88 = arith.constant 0 : i32
          %dma_start3A_89 = tpu.memref_slice %arg6[%add3A_87, %dma_start3A_88] : memref<40x125xi32, #tpu.memory_space<vmem>> -> memref<1x125xi32, #tpu.memory_space<vmem>>
          %dma_start3A_90 = tpu.memref_squeeze %dma_start3A_89 : memref<1x125xi32, #tpu.memory_space<vmem>> -> memref<125xi32, #tpu.memory_space<vmem>>
          %dma_start3A_91 = arith.constant 0 : i32
          %dma_start3A_92 = arith.constant 0 : i32
          %dma_start3A_93 = tpu.memref_slice %arg3[%arg0, %dma_start3A_91, %dma_start3A_92] : memref<2x10000x128xf32, #tpu.memory_space<hbm>> -> memref<1x10000x128xf32, #tpu.memory_space<hbm>>
          %dma_start3A_94 = tpu.memref_squeeze %dma_start3A_93 : memref<1x10000x128xf32, #tpu.memory_space<hbm>> -> memref<10000x128xf32, #tpu.memory_space<hbm>>
          %dma_start3A_95 = arith.constant 0 : i32
          %dma_start3A_96 = arith.constant 0 : i32
          %dma_start3A_97 = tpu.memref_slice %dma_start3A_94[%dma_start3A_95, %dma_start3A_96] : memref<10000x128xf32, #tpu.memory_space<hbm>> -> memref<10000x128xf32, #tpu.memory_space<hbm>>
          tpu.enqueue_indirect_dma source(%dma_start3A_97 : memref<10000x128xf32, #tpu.memory_space<hbm>>) target(%arg9 : memref<125x128xf32, #tpu.memory_space<vmem>>) offsets(%dma_start3A_90 : memref<125xi32, #tpu.memory_space<vmem>>) semaphore(%arg12 : memref<!tpu.dma_semaphore, #tpu.memory_space<semaphore_mem>>)
        } else {
        }
      }
      %scan3A_45 = arith.constant 20 : i32
    }
    %scan3A_7 = arith.constant 2 : i32
    %barrier3A_8 = arith.constant 0 : index
    tpu.barrier barrier_id(%barrier3A_8)
    %lt3A = arith.constant 15 : i32
    %lt3A_9 = arith.cmpi slt, %arg1, %lt3A : i32
    %convert_element_type3A = arith.extui %lt3A_9 : i1 to i32
    %cond3A = arith.constant 0 : i32
    %cond3A_10 = arith.cmpi ne, %convert_element_type3A, %cond3A : i32
    scf.if %cond3A_10 {
      %mul3A_15 = arith.constant 640 : i32
      %mul3A_16 = arith.muli %arg1, %mul3A_15 : i32
      %mul3A_17 = arith.constant 640 : i32
      %mul3A_18 = arith.muli %arg1, %mul3A_17 : i32
      "tpu.region"() ({
        %run_scoped3A = tpu.sem_alloc : memref<!tpu.dma_semaphore, #tpu.memory_space<semaphore_mem>>
        %dma_start3A = arith.constant 0 : i32
        %dma_start3A_19 = arith.constant 0 : i32
        %dma_start3A_20 = tpu.memref_slice %arg5[%arg0, %dma_start3A, %dma_start3A_19] : memref<2x10000x128xf32, #tpu.memory_space<hbm>> -> memref<1x10000x128xf32, #tpu.memory_space<hbm>>
        %dma_start3A_21 = tpu.memref_squeeze %dma_start3A_20 : memref<1x10000x128xf32, #tpu.memory_space<hbm>> -> memref<10000x128xf32, #tpu.memory_space<hbm>>
        %dma_start3A_22 = arith.constant 0 : i32
        %dma_start3A_23 = tpu.memref_slice %dma_start3A_21[%mul3A_18, %dma_start3A_22] : memref<10000x128xf32, #tpu.memory_space<hbm>> -> memref<640x128xf32, #tpu.memory_space<hbm>>
        %dma_start3A_24 = arith.constant 0 : i32
        %dma_start3A_25 = tpu.memref_slice %arg10[%mul3A_16, %dma_start3A_24] : memref<10240x128xf32, #tpu.memory_space<vmem_shared>> -> memref<640x128xf32, #tpu.memory_space<vmem_shared>>
        tpu.enqueue_dma source(%dma_start3A_25 : memref<640x128xf32, #tpu.memory_space<vmem_shared>>) target(%dma_start3A_23 : memref<640x128xf32, #tpu.memory_space<hbm>>) target_semaphore(%run_scoped3A : memref<!tpu.dma_semaphore, #tpu.memory_space<semaphore_mem>>)
        %dma_wait3A = arith.constant 0 : i32
        %dma_wait3A_26 = arith.constant 0 : i32
        %dma_wait3A_27 = tpu.memref_slice %arg5[%arg0, %dma_wait3A, %dma_wait3A_26] : memref<2x10000x128xf32, #tpu.memory_space<hbm>> -> memref<1x10000x128xf32, #tpu.memory_space<hbm>>
        %dma_wait3A_28 = tpu.memref_squeeze %dma_wait3A_27 : memref<1x10000x128xf32, #tpu.memory_space<hbm>> -> memref<10000x128xf32, #tpu.memory_space<hbm>>
        %dma_wait3A_29 = arith.constant 0 : i32
        %dma_wait3A_30 = tpu.memref_slice %dma_wait3A_28[%mul3A_18, %dma_wait3A_29] : memref<10000x128xf32, #tpu.memory_space<hbm>> -> memref<640x128xf32, #tpu.memory_space<hbm>>
        %dma_wait3A_31 = arith.constant 0 : i32
        %dma_wait3A_32 = tpu.memref_slice %arg10[%mul3A_16, %dma_wait3A_31] : memref<10240x128xf32, #tpu.memory_space<vmem_shared>> -> memref<640x128xf32, #tpu.memory_space<vmem_shared>>
        tpu.wait_dma2 semaphore(%run_scoped3A : memref<!tpu.dma_semaphore, #tpu.memory_space<semaphore_mem>>) src(%dma_wait3A_32 : memref<640x128xf32, #tpu.memory_space<vmem_shared>>) dst(%dma_wait3A_30 : memref<640x128xf32, #tpu.memory_space<hbm>>)
        tpu.yield
      }) : () -> ()
    } else {
    }
    %eq3A = arith.constant 15 : i32
    %eq3A_11 = arith.cmpi eq, %arg1, %eq3A : i32
    %convert_element_type3A_12 = arith.extui %eq3A_11 : i1 to i32
    %cond3A_13 = arith.constant 0 : i32
    %cond3A_14 = arith.cmpi ne, %convert_element_type3A_12, %cond3A_13 : i32
    scf.if %cond3A_14 {
      "tpu.region"() ({
        %run_scoped3A = tpu.sem_alloc : memref<!tpu.dma_semaphore, #tpu.memory_space<semaphore_mem>>
        %dma_start3A = arith.constant 0 : i32
        %dma_start3A_15 = arith.constant 0 : i32
        %dma_start3A_16 = tpu.memref_slice %arg5[%arg0, %dma_start3A, %dma_start3A_15] : memref<2x10000x128xf32, #tpu.memory_space<hbm>> -> memref<1x10000x128xf32, #tpu.memory_space<hbm>>
        %dma_start3A_17 = tpu.memref_squeeze %dma_start3A_16 : memref<1x10000x128xf32, #tpu.memory_space<hbm>> -> memref<10000x128xf32, #tpu.memory_space<hbm>>
        %dma_start3A_18 = arith.constant 9600 : i32
        %dma_start3A_19 = arith.constant 0 : i32
        %dma_start3A_20 = tpu.memref_slice %dma_start3A_17[%dma_start3A_18, %dma_start3A_19] : memref<10000x128xf32, #tpu.memory_space<hbm>> -> memref<400x128xf32, #tpu.memory_space<hbm>>
        %dma_start3A_21 = arith.constant 9600 : i32
        %dma_start3A_22 = arith.constant 0 : i32
        %dma_start3A_23 = tpu.memref_slice %arg10[%dma_start3A_21, %dma_start3A_22] : memref<10240x128xf32, #tpu.memory_space<vmem_shared>> -> memref<400x128xf32, #tpu.memory_space<vmem_shared>>
        tpu.enqueue_dma source(%dma_start3A_23 : memref<400x128xf32, #tpu.memory_space<vmem_shared>>) target(%dma_start3A_20 : memref<400x128xf32, #tpu.memory_space<hbm>>) target_semaphore(%run_scoped3A : memref<!tpu.dma_semaphore, #tpu.memory_space<semaphore_mem>>)
        %dma_wait3A = arith.constant 0 : i32
        %dma_wait3A_24 = arith.constant 0 : i32
        %dma_wait3A_25 = tpu.memref_slice %arg5[%arg0, %dma_wait3A, %dma_wait3A_24] : memref<2x10000x128xf32, #tpu.memory_space<hbm>> -> memref<1x10000x128xf32, #tpu.memory_space<hbm>>
        %dma_wait3A_26 = tpu.memref_squeeze %dma_wait3A_25 : memref<1x10000x128xf32, #tpu.memory_space<hbm>> -> memref<10000x128xf32, #tpu.memory_space<hbm>>
        %dma_wait3A_27 = arith.constant 9600 : i32
        %dma_wait3A_28 = arith.constant 0 : i32
        %dma_wait3A_29 = tpu.memref_slice %dma_wait3A_26[%dma_wait3A_27, %dma_wait3A_28] : memref<10000x128xf32, #tpu.memory_space<hbm>> -> memref<400x128xf32, #tpu.memory_space<hbm>>
        %dma_wait3A_30 = arith.constant 9600 : i32
        %dma_wait3A_31 = arith.constant 0 : i32
        %dma_wait3A_32 = tpu.memref_slice %arg10[%dma_wait3A_30, %dma_wait3A_31] : memref<10240x128xf32, #tpu.memory_space<vmem_shared>> -> memref<400x128xf32, #tpu.memory_space<vmem_shared>>
        tpu.wait_dma2 semaphore(%run_scoped3A : memref<!tpu.dma_semaphore, #tpu.memory_space<semaphore_mem>>) src(%dma_wait3A_32 : memref<400x128xf32, #tpu.memory_space<vmem_shared>>) dst(%dma_wait3A_29 : memref<400x128xf32, #tpu.memory_space<hbm>>)
        tpu.yield
      }) : () -> ()
    } else {
    }
    return
  }
}

module attributes {stable_mosaic.version = 14 : i64} {
  func.func @_tc_first_body(%arg0: memref<10000x256xf32, #tpu.memory_space<vmem>>, %arg1: memref<256x32xf32, #tpu.memory_space<vmem>>, %arg2: memref<256x32xf32, #tpu.memory_space<vmem>>, %arg3: memref<2x2500x128xf32, #tpu.memory_space<vmem>>, %arg4: memref<2x2500x128xf32, #tpu.memory_space<vmem>>, %arg5: memref<2500x512xf32, #tpu.memory_space<vmem>>) attributes {dimension_semantics = [], scalar_prefetch = 0 : i64, scratch_operands = 0 : i64, tpu.core_type = #tpu.core_type<tc>} {
    %get3A = arith.constant 0 : index
    %get3A_0 = arith.constant 0 : index
    %get3A_1 = arith.constant 0 : index
    %get3A_2 = vector.load %arg3[%get3A, %get3A_0, %get3A_1] : memref<2x2500x128xf32, #tpu.memory_space<vmem>>, vector<1x2500x128xf32>
    %get3A_3 = vector.shape_cast %get3A_2 : vector<1x2500x128xf32> to vector<2500x128xf32>
    %get3A_4 = arith.constant 1 : index
    %get3A_5 = arith.constant 0 : index
    %get3A_6 = arith.constant 0 : index
    %get3A_7 = vector.load %arg3[%get3A_4, %get3A_5, %get3A_6] : memref<2x2500x128xf32, #tpu.memory_space<vmem>>, vector<1x2500x128xf32>
    %get3A_8 = vector.shape_cast %get3A_7 : vector<1x2500x128xf32> to vector<2500x128xf32>
    %add3A = arith.addf %get3A_3, %get3A_8 : vector<2500x128xf32>
    %add3A_9 = arith.constant 1.000000e+00 : f32
    %add3A_10 = vector.broadcast %add3A_9 : f32 to vector<2500x128xf32>
    %add3A_11 = arith.addf %add3A, %add3A_10 : vector<2500x128xf32>
    %rsqrt3A = math.rsqrt %add3A_11 : vector<2500x128xf32>
    %get3A_12 = arith.constant 0 : index
    %get3A_13 = arith.constant 0 : index
    %get3A_14 = vector.load %arg0[%get3A_12, %get3A_13] : memref<10000x256xf32, #tpu.memory_space<vmem>>, vector<10000x256xf32>
    %reshape3A = vector.shape_cast %get3A_14 : vector<10000x256xf32> to vector<2500x4x256xf32>
    %slice3A = vector.extract_strided_slice %reshape3A {offsets = [0, 0, 0], sizes = [2500, 1, 256], strides = [1, 1, 1]} : vector<2500x4x256xf32> to vector<2500x1x256xf32>
    %squeeze3A = vector.shape_cast %slice3A : vector<2500x1x256xf32> to vector<2500x256xf32>
    %slice3A_15 = vector.extract_strided_slice %reshape3A {offsets = [0, 1, 0], sizes = [2500, 1, 256], strides = [1, 1, 1]} : vector<2500x4x256xf32> to vector<2500x1x256xf32>
    %squeeze3A_16 = vector.shape_cast %slice3A_15 : vector<2500x1x256xf32> to vector<2500x256xf32>
    %slice3A_17 = vector.extract_strided_slice %reshape3A {offsets = [0, 2, 0], sizes = [2500, 1, 256], strides = [1, 1, 1]} : vector<2500x4x256xf32> to vector<2500x1x256xf32>
    %squeeze3A_18 = vector.shape_cast %slice3A_17 : vector<2500x1x256xf32> to vector<2500x256xf32>
    %slice3A_19 = vector.extract_strided_slice %reshape3A {offsets = [0, 3, 0], sizes = [2500, 1, 256], strides = [1, 1, 1]} : vector<2500x4x256xf32> to vector<2500x1x256xf32>
    %squeeze3A_20 = vector.shape_cast %slice3A_19 : vector<2500x1x256xf32> to vector<2500x256xf32>
    %get3A_21 = arith.constant 0 : index
    %get3A_22 = arith.constant 0 : index
    %get3A_23 = vector.load %arg1[%get3A_21, %get3A_22] : memref<256x32xf32, #tpu.memory_space<vmem>>, vector<256x32xf32>
    %dot_general3A = arith.constant dense<0.000000e+00> : vector<2500x32xf32>
    %dot_general3A_24 = tpu.matmul %squeeze3A, %get3A_23, %dot_general3A {dimension_numbers = #tpu.dot_dimension_numbers<[1], [0], [0], [1], [0, 0, 1, 1], [], []>, transpose_lhs_hint = false} : vector<2500x256xf32>, vector<256x32xf32>, vector<2500x32xf32> -> vector<2500x32xf32>
    %dot_general3A_25 = arith.constant dense<0.000000e+00> : vector<2500x32xf32>
    %dot_general3A_26 = tpu.matmul %squeeze3A_16, %get3A_23, %dot_general3A_25 {dimension_numbers = #tpu.dot_dimension_numbers<[1], [0], [0], [1], [0, 0, 1, 1], [], []>, transpose_lhs_hint = false} : vector<2500x256xf32>, vector<256x32xf32>, vector<2500x32xf32> -> vector<2500x32xf32>
    %dot_general3A_27 = arith.constant dense<0.000000e+00> : vector<2500x32xf32>
    %dot_general3A_28 = tpu.matmul %squeeze3A_18, %get3A_23, %dot_general3A_27 {dimension_numbers = #tpu.dot_dimension_numbers<[1], [0], [0], [1], [0, 0, 1, 1], [], []>, transpose_lhs_hint = false} : vector<2500x256xf32>, vector<256x32xf32>, vector<2500x32xf32> -> vector<2500x32xf32>
    %dot_general3A_29 = arith.constant dense<0.000000e+00> : vector<2500x32xf32>
    %dot_general3A_30 = tpu.matmul %squeeze3A_20, %get3A_23, %dot_general3A_29 {dimension_numbers = #tpu.dot_dimension_numbers<[1], [0], [0], [1], [0, 0, 1, 1], [], []>, transpose_lhs_hint = false} : vector<2500x256xf32>, vector<256x32xf32>, vector<2500x32xf32> -> vector<2500x32xf32>
    %concatenate3A = tpu.concatenate %dot_general3A_24, %dot_general3A_26, %dot_general3A_28, %dot_general3A_30 in 1 : vector<2500x32xf32>, vector<2500x32xf32>, vector<2500x32xf32>, vector<2500x32xf32> -> vector<2500x128xf32>
    %mul3A = arith.mulf %concatenate3A, %rsqrt3A : vector<2500x128xf32>
    %swap3A = arith.constant 0 : index
    %swap3A_31 = arith.constant 0 : index
    %swap3A_32 = arith.constant 0 : index
    %swap3A_33 = vector.load %arg4[%swap3A, %swap3A_31, %swap3A_32] : memref<2x2500x128xf32, #tpu.memory_space<vmem>>, vector<1x2500x128xf32>
    %swap3A_34 = vector.shape_cast %swap3A_33 : vector<1x2500x128xf32> to vector<2500x128xf32>
    %swap3A_35 = vector.shape_cast %mul3A : vector<2500x128xf32> to vector<1x2500x128xf32>
    tpu.vector_store %arg4[%swap3A, %swap3A_31, %swap3A_32], %swap3A_35 {strides = array<i32>} : memref<2x2500x128xf32, #tpu.memory_space<vmem>>, vector<1x2500x128xf32>,
    %get3A_36 = arith.constant 0 : index
    %get3A_37 = arith.constant 0 : index
    %get3A_38 = vector.load %arg2[%get3A_36, %get3A_37] : memref<256x32xf32, #tpu.memory_space<vmem>>, vector<256x32xf32>
    %dot_general3A_39 = arith.constant dense<0.000000e+00> : vector<2500x32xf32>
    %dot_general3A_40 = tpu.matmul %squeeze3A, %get3A_38, %dot_general3A_39 {dimension_numbers = #tpu.dot_dimension_numbers<[1], [0], [0], [1], [0, 0, 1, 1], [], []>, transpose_lhs_hint = false} : vector<2500x256xf32>, vector<256x32xf32>, vector<2500x32xf32> -> vector<2500x32xf32>
    %dot_general3A_41 = arith.constant dense<0.000000e+00> : vector<2500x32xf32>
    %dot_general3A_42 = tpu.matmul %squeeze3A_16, %get3A_38, %dot_general3A_41 {dimension_numbers = #tpu.dot_dimension_numbers<[1], [0], [0], [1], [0, 0, 1, 1], [], []>, transpose_lhs_hint = false} : vector<2500x256xf32>, vector<256x32xf32>, vector<2500x32xf32> -> vector<2500x32xf32>
    %dot_general3A_43 = arith.constant dense<0.000000e+00> : vector<2500x32xf32>
    %dot_general3A_44 = tpu.matmul %squeeze3A_18, %get3A_38, %dot_general3A_43 {dimension_numbers = #tpu.dot_dimension_numbers<[1], [0], [0], [1], [0, 0, 1, 1], [], []>, transpose_lhs_hint = false} : vector<2500x256xf32>, vector<256x32xf32>, vector<2500x32xf32> -> vector<2500x32xf32>
    %dot_general3A_45 = arith.constant dense<0.000000e+00> : vector<2500x32xf32>
    %dot_general3A_46 = tpu.matmul %squeeze3A_20, %get3A_38, %dot_general3A_45 {dimension_numbers = #tpu.dot_dimension_numbers<[1], [0], [0], [1], [0, 0, 1, 1], [], []>, transpose_lhs_hint = false} : vector<2500x256xf32>, vector<256x32xf32>, vector<2500x32xf32> -> vector<2500x32xf32>
    %concatenate3A_47 = tpu.concatenate %dot_general3A_40, %dot_general3A_42, %dot_general3A_44, %dot_general3A_46 in 1 : vector<2500x32xf32>, vector<2500x32xf32>, vector<2500x32xf32>, vector<2500x32xf32> -> vector<2500x128xf32>
    %mul3A_48 = arith.mulf %concatenate3A_47, %rsqrt3A : vector<2500x128xf32>
    %swap3A_49 = arith.constant 1 : index
    %swap3A_50 = arith.constant 0 : index
    %swap3A_51 = arith.constant 0 : index
    %swap3A_52 = vector.load %arg4[%swap3A_49, %swap3A_50, %swap3A_51] : memref<2x2500x128xf32, #tpu.memory_space<vmem>>, vector<1x2500x128xf32>
    %swap3A_53 = vector.shape_cast %swap3A_52 : vector<1x2500x128xf32> to vector<2500x128xf32>
    %swap3A_54 = vector.shape_cast %mul3A_48 : vector<2500x128xf32> to vector<1x2500x128xf32>
    tpu.vector_store %arg4[%swap3A_49, %swap3A_50, %swap3A_51], %swap3A_54 {strides = array<i32>} : memref<2x2500x128xf32, #tpu.memory_space<vmem>>, vector<1x2500x128xf32>,
    %iota3A = tpu.iota {dimensions = array<i32: 0>} : vector<128x512xi32>
    %iota3A_55 = tpu.iota {dimensions = array<i32: 1>} : vector<128x512xi32>
    %jit3A = arith.constant 32 : i32
    %eq3A = arith.constant 0 : i32
    %eq3A_56 = arith.cmpi eq, %jit3A, %eq3A : i32
    %jit3A_57 = arith.constant 1 : i32
    %select_n3A = arith.select %eq3A_56, %jit3A_57, %jit3A : i32
    %rem3A = vector.broadcast %select_n3A : i32 to vector<128x512xi32>
    %rem3A_58 = arith.remsi %iota3A, %rem3A : vector<128x512xi32>
    %ne3A = arith.constant 0 : i32
    %ne3A_59 = vector.broadcast %ne3A : i32 to vector<128x512xi32>
    %ne3A_60 = arith.cmpi ne, %rem3A_58, %ne3A_59 : vector<128x512xi32>
    %lt3A = arith.constant 0 : i32
    %lt3A_61 = vector.broadcast %lt3A : i32 to vector<128x512xi32>
    %lt3A_62 = arith.cmpi slt, %rem3A_58, %lt3A_61 : vector<128x512xi32>
    %lt3A_63 = arith.constant 0 : i32
    %lt3A_64 = arith.cmpi slt, %select_n3A, %lt3A_63 : i32
    %ne3A_65 = vector.broadcast %lt3A_64 : i1 to vector<128x512xi1>
    %ne3A_66 = vector.broadcast %ne3A_65 : vector<128x512xi1> to vector<128x512xi1>
    %ne3A_67 = arith.xori %lt3A_62, %ne3A_66 : vector<128x512xi1>
    %and3A = arith.andi %ne3A_67, %ne3A_60 : vector<128x512xi1>
    %add3A_68 = vector.broadcast %select_n3A : i32 to vector<128x512xi32>
    %add3A_69 = arith.addi %rem3A_58, %add3A_68 : vector<128x512xi32>
    %select_n3A_70 = arith.select %and3A, %add3A_69, %rem3A_58 : vector<128x512xi1>, vector<128x512xi32>
    %eq3A_71 = arith.constant 0 : i32
    %eq3A_72 = vector.broadcast %eq3A_71 : i32 to vector<128x512xi32>
    %eq3A_73 = arith.cmpi eq, %select_n3A_70, %eq3A_72 : vector<128x512xi32>
    %jit3A_74 = arith.constant 128 : i32
    %div3A = vector.broadcast %jit3A_74 : i32 to vector<128x512xi32>
    %div3A_75 = arith.divsi %iota3A_55, %div3A : vector<128x512xi32>
    %sign3A = arith.constant 0 : i32
    %sign3A_76 = vector.broadcast %sign3A : i32 to vector<128x512xi32>
    %sign3A_77 = arith.cmpi sgt, %iota3A_55, %sign3A_76 : vector<128x512xi32>
    %sign3A_78 = arith.extui %sign3A_77 : vector<128x512xi1> to vector<128x512xi32>
    %sign3A_79 = arith.constant 0 : i32
    %sign3A_80 = vector.broadcast %sign3A_79 : i32 to vector<128x512xi32>
    %sign3A_81 = arith.cmpi slt, %iota3A_55, %sign3A_80 : vector<128x512xi32>
    %sign3A_82 = arith.extui %sign3A_81 : vector<128x512xi1> to vector<128x512xi32>
    %sign3A_83 = arith.subi %sign3A_78, %sign3A_82 : vector<128x512xi32>
    %sign3A_84 = arith.constant 0 : i32
    %sign3A_85 = arith.cmpi sgt, %jit3A_74, %sign3A_84 : i32
    %sign3A_86 = arith.extui %sign3A_85 : i1 to i32
    %sign3A_87 = arith.constant 0 : i32
    %sign3A_88 = arith.cmpi slt, %jit3A_74, %sign3A_87 : i32
    %sign3A_89 = arith.extui %sign3A_88 : i1 to i32
    %sign3A_90 = arith.subi %sign3A_86, %sign3A_89 : i32
    %ne3A_91 = vector.broadcast %sign3A_90 : i32 to vector<128x512xi32>
    %ne3A_92 = arith.cmpi ne, %sign3A_83, %ne3A_91 : vector<128x512xi32>
    %rem3A_93 = vector.broadcast %jit3A_74 : i32 to vector<128x512xi32>
    %rem3A_94 = arith.remsi %iota3A_55, %rem3A_93 : vector<128x512xi32>
    %ne3A_95 = arith.constant 0 : i32
    %ne3A_96 = vector.broadcast %ne3A_95 : i32 to vector<128x512xi32>
    %ne3A_97 = arith.cmpi ne, %rem3A_94, %ne3A_96 : vector<128x512xi32>
    %and3A_98 = arith.andi %ne3A_92, %ne3A_97 : vector<128x512xi1>
    %sub3A = arith.constant 1 : i32
    %sub3A_99 = vector.broadcast %sub3A : i32 to vector<128x512xi32>
    %sub3A_100 = arith.subi %div3A_75, %sub3A_99 : vector<128x512xi32>
    %select_n3A_101 = arith.select %and3A_98, %sub3A_100, %div3A_75 : vector<128x512xi1>, vector<128x512xi32>
    %jit3A_102 = arith.constant 32 : i32
    %div3A_103 = vector.broadcast %jit3A_102 : i32 to vector<128x512xi32>
    %div3A_104 = arith.divsi %iota3A, %div3A_103 : vector<128x512xi32>
    %sign3A_105 = arith.constant 0 : i32
    %sign3A_106 = vector.broadcast %sign3A_105 : i32 to vector<128x512xi32>
    %sign3A_107 = arith.cmpi sgt, %iota3A, %sign3A_106 : vector<128x512xi32>
    %sign3A_108 = arith.extui %sign3A_107 : vector<128x512xi1> to vector<128x512xi32>
    %sign3A_109 = arith.constant 0 : i32
    %sign3A_110 = vector.broadcast %sign3A_109 : i32 to vector<128x512xi32>
    %sign3A_111 = arith.cmpi slt, %iota3A, %sign3A_110 : vector<128x512xi32>
    %sign3A_112 = arith.extui %sign3A_111 : vector<128x512xi1> to vector<128x512xi32>
    %sign3A_113 = arith.subi %sign3A_108, %sign3A_112 : vector<128x512xi32>
    %sign3A_114 = arith.constant 0 : i32
    %sign3A_115 = arith.cmpi sgt, %jit3A_102, %sign3A_114 : i32
    %sign3A_116 = arith.extui %sign3A_115 : i1 to i32
    %sign3A_117 = arith.constant 0 : i32
    %sign3A_118 = arith.cmpi slt, %jit3A_102, %sign3A_117 : i32
    %sign3A_119 = arith.extui %sign3A_118 : i1 to i32
    %sign3A_120 = arith.subi %sign3A_116, %sign3A_119 : i32
    %ne3A_121 = vector.broadcast %sign3A_120 : i32 to vector<128x512xi32>
    %ne3A_122 = arith.cmpi ne, %sign3A_113, %ne3A_121 : vector<128x512xi32>
    %rem3A_123 = vector.broadcast %jit3A_102 : i32 to vector<128x512xi32>
    %rem3A_124 = arith.remsi %iota3A, %rem3A_123 : vector<128x512xi32>
    %ne3A_125 = arith.constant 0 : i32
    %ne3A_126 = vector.broadcast %ne3A_125 : i32 to vector<128x512xi32>
    %ne3A_127 = arith.cmpi ne, %rem3A_124, %ne3A_126 : vector<128x512xi32>
    %and3A_128 = arith.andi %ne3A_122, %ne3A_127 : vector<128x512xi1>
    %sub3A_129 = arith.constant 1 : i32
    %sub3A_130 = vector.broadcast %sub3A_129 : i32 to vector<128x512xi32>
    %sub3A_131 = arith.subi %div3A_104, %sub3A_130 : vector<128x512xi32>
    %select_n3A_132 = arith.select %and3A_128, %sub3A_131, %div3A_104 : vector<128x512xi1>, vector<128x512xi32>
    %eq3A_133 = arith.cmpi eq, %select_n3A_101, %select_n3A_132 : vector<128x512xi32>
    %and3A_134 = arith.andi %eq3A_73, %eq3A_133 : vector<128x512xi1>
    %convert_element_type3A = arith.extui %and3A_134 : vector<128x512xi1> to vector<128x512xi32>
    %convert_element_type3A_135 = arith.sitofp %convert_element_type3A : vector<128x512xi32> to vector<128x512xf32>
    %dot_general3A_136 = arith.constant dense<0.000000e+00> : vector<2500x512xf32>
    %dot_general3A_137 = tpu.matmul %rsqrt3A, %convert_element_type3A_135, %dot_general3A_136 {dimension_numbers = #tpu.dot_dimension_numbers<[1], [0], [0], [1], [0, 0, 1, 1], [], []>, transpose_lhs_hint = false} : vector<2500x128xf32>, vector<128x512xf32>, vector<2500x512xf32> -> vector<2500x512xf32>
    %swap3A_138 = arith.constant 0 : index
    %swap3A_139 = arith.constant 0 : index
    %swap3A_140 = vector.load %arg5[%swap3A_138, %swap3A_139] : memref<2500x512xf32, #tpu.memory_space<vmem>>, vector<2500x512xf32>
    tpu.vector_store %arg5[%swap3A_138, %swap3A_139], %dot_general3A_137 {strides = array<i32>} : memref<2500x512xf32, #tpu.memory_space<vmem>>, vector<2500x512xf32>,
    return
  }
}

module attributes {stable_mosaic.version = 14 : i64} {
  func.func @_tc_mid2_body(%arg0: memref<2x2500x128xf32, #tpu.memory_space<vmem>>, %arg1: memref<2x2500x128xf32, #tpu.memory_space<vmem>>, %arg2: memref<2x2500x128xf32, #tpu.memory_space<vmem>>, %arg3: memref<1x128xf32, #tpu.memory_space<vmem>>, %arg4: memref<1x128xf32, #tpu.memory_space<vmem>>, %arg5: memref<128x512xf32, #tpu.memory_space<vmem>>, %arg6: memref<128x512xf32, #tpu.memory_space<vmem>>, %arg7: memref<2500x512xf32, #tpu.memory_space<vmem>>) attributes {dimension_semantics = [], scalar_prefetch = 0 : i64, scratch_operands = 0 : i64, tpu.core_type = #tpu.core_type<tc>} {
    %get3A = arith.constant 0 : index
    %get3A_0 = arith.constant 0 : index
    %get3A_1 = arith.constant 0 : index
    %get3A_2 = vector.load %arg2[%get3A, %get3A_0, %get3A_1] : memref<2x2500x128xf32, #tpu.memory_space<vmem>>, vector<1x2500x128xf32>
    %get3A_3 = vector.shape_cast %get3A_2 : vector<1x2500x128xf32> to vector<2500x128xf32>
    %get3A_4 = arith.constant 1 : index
    %get3A_5 = arith.constant 0 : index
    %get3A_6 = arith.constant 0 : index
    %get3A_7 = vector.load %arg2[%get3A_4, %get3A_5, %get3A_6] : memref<2x2500x128xf32, #tpu.memory_space<vmem>>, vector<1x2500x128xf32>
    %get3A_8 = vector.shape_cast %get3A_7 : vector<1x2500x128xf32> to vector<2500x128xf32>
    %add3A = arith.addf %get3A_3, %get3A_8 : vector<2500x128xf32>
    %add3A_9 = arith.constant 1.000000e+00 : f32
    %add3A_10 = vector.broadcast %add3A_9 : f32 to vector<2500x128xf32>
    %add3A_11 = arith.addf %add3A, %add3A_10 : vector<2500x128xf32>
    %rsqrt3A = math.rsqrt %add3A_11 : vector<2500x128xf32>
    %get3A_12 = arith.constant 0 : index
    %get3A_13 = arith.constant 0 : index
    %get3A_14 = arith.constant 0 : index
    %get3A_15 = vector.load %arg0[%get3A_12, %get3A_13, %get3A_14] : memref<2x2500x128xf32, #tpu.memory_space<vmem>>, vector<1x2500x128xf32>
    %get3A_16 = vector.shape_cast %get3A_15 : vector<1x2500x128xf32> to vector<2500x128xf32>
    %get3A_17 = arith.constant 0 : index
    %get3A_18 = arith.constant 0 : index
    %get3A_19 = arith.constant 0 : index
    %get3A_20 = vector.load %arg1[%get3A_17, %get3A_18, %get3A_19] : memref<2x2500x128xf32, #tpu.memory_space<vmem>>, vector<1x2500x128xf32>
    %get3A_21 = vector.shape_cast %get3A_20 : vector<1x2500x128xf32> to vector<2500x128xf32>
    %add3A_22 = arith.addf %get3A_16, %get3A_21 : vector<2500x128xf32>
    %mul3A = arith.mulf %rsqrt3A, %add3A_22 : vector<2500x128xf32>
    %get3A_23 = arith.constant 0 : index
    %get3A_24 = arith.constant 0 : index
    %get3A_25 = vector.load %arg3[%get3A_23, %get3A_24] : memref<1x128xf32, #tpu.memory_space<vmem>>, vector<1x128xf32>
    %add3A_26 = vector.broadcast %get3A_25 : vector<1x128xf32> to vector<2500x128xf32>
    %add3A_27 = arith.addf %mul3A, %add3A_26 : vector<2500x128xf32>
    %max3A = arith.constant 0.000000e+00 : f32
    %max3A_28 = vector.broadcast %max3A : f32 to vector<2500x128xf32>
    %max3A_29 = arith.maximumf %add3A_27, %max3A_28 : vector<2500x128xf32>
    %mul3A_30 = arith.mulf %max3A_29, %rsqrt3A : vector<2500x128xf32>
    %get3A_31 = arith.constant 1 : index
    %get3A_32 = arith.constant 0 : index
    %get3A_33 = arith.constant 0 : index
    %get3A_34 = vector.load %arg0[%get3A_31, %get3A_32, %get3A_33] : memref<2x2500x128xf32, #tpu.memory_space<vmem>>, vector<1x2500x128xf32>
    %get3A_35 = vector.shape_cast %get3A_34 : vector<1x2500x128xf32> to vector<2500x128xf32>
    %get3A_36 = arith.constant 1 : index
    %get3A_37 = arith.constant 0 : index
    %get3A_38 = arith.constant 0 : index
    %get3A_39 = vector.load %arg1[%get3A_36, %get3A_37, %get3A_38] : memref<2x2500x128xf32, #tpu.memory_space<vmem>>, vector<1x2500x128xf32>
    %get3A_40 = vector.shape_cast %get3A_39 : vector<1x2500x128xf32> to vector<2500x128xf32>
    %add3A_41 = arith.addf %get3A_35, %get3A_40 : vector<2500x128xf32>
    %mul3A_42 = arith.mulf %rsqrt3A, %add3A_41 : vector<2500x128xf32>
    %get3A_43 = arith.constant 0 : index
    %get3A_44 = arith.constant 0 : index
    %get3A_45 = vector.load %arg4[%get3A_43, %get3A_44] : memref<1x128xf32, #tpu.memory_space<vmem>>, vector<1x128xf32>
    %add3A_46 = vector.broadcast %get3A_45 : vector<1x128xf32> to vector<2500x128xf32>
    %add3A_47 = arith.addf %mul3A_42, %add3A_46 : vector<2500x128xf32>
    %max3A_48 = arith.constant 0.000000e+00 : f32
    %max3A_49 = vector.broadcast %max3A_48 : f32 to vector<2500x128xf32>
    %max3A_50 = arith.maximumf %add3A_47, %max3A_49 : vector<2500x128xf32>
    %mul3A_51 = arith.mulf %max3A_50, %rsqrt3A : vector<2500x128xf32>
    %get3A_52 = arith.constant 0 : index
    %get3A_53 = arith.constant 0 : index
    %get3A_54 = vector.load %arg5[%get3A_52, %get3A_53] : memref<128x512xf32, #tpu.memory_space<vmem>>, vector<128x512xf32>
    %dot_general3A = arith.constant dense<0.000000e+00> : vector<2500x512xf32>
    %dot_general3A_55 = tpu.matmul %mul3A_30, %get3A_54, %dot_general3A {dimension_numbers = #tpu.dot_dimension_numbers<[1], [0], [0], [1], [0, 0, 1, 1], [], []>, transpose_lhs_hint = false} : vector<2500x128xf32>, vector<128x512xf32>, vector<2500x512xf32> -> vector<2500x512xf32>
    %get3A_56 = arith.constant 0 : index
    %get3A_57 = arith.constant 0 : index
    %get3A_58 = vector.load %arg6[%get3A_56, %get3A_57] : memref<128x512xf32, #tpu.memory_space<vmem>>, vector<128x512xf32>
    %dot_general3A_59 = arith.constant dense<0.000000e+00> : vector<2500x512xf32>
    %dot_general3A_60 = tpu.matmul %mul3A_51, %get3A_58, %dot_general3A_59 {dimension_numbers = #tpu.dot_dimension_numbers<[1], [0], [0], [1], [0, 0, 1, 1], [], []>, transpose_lhs_hint = false} : vector<2500x128xf32>, vector<128x512xf32>, vector<2500x512xf32> -> vector<2500x512xf32>
    %add3A_61 = arith.addf %dot_general3A_55, %dot_general3A_60 : vector<2500x512xf32>
    %swap3A = arith.constant 0 : index
    %swap3A_62 = arith.constant 0 : index
    %swap3A_63 = vector.load %arg7[%swap3A, %swap3A_62] : memref<2500x512xf32, #tpu.memory_space<vmem>>, vector<2500x512xf32>
    tpu.vector_store %arg7[%swap3A, %swap3A_62], %add3A_61 {strides = array<i32>} : memref<2500x512xf32, #tpu.memory_space<vmem>>, vector<2500x512xf32>,
    return
  }
}

module attributes {stable_mosaic.version = 14 : i64} {
  func.func @_tc_mid3_body(%arg0: i32, %arg1: memref<2x400x128xf32, #tpu.memory_space<vmem>>, %arg2: memref<400x128xf32, #tpu.memory_space<vmem>>, %arg3: memref<400x128xf32, #tpu.memory_space<vmem>>, %arg4: memref<1x128xf32, #tpu.memory_space<vmem>>, %arg5: memref<128x256xf32, #tpu.memory_space<vmem>>, %arg6: memref<2x400x128xf32, #tpu.memory_space<vmem>>) attributes {dimension_semantics = [#tpu.dimension_semantics<arbitrary>], iteration_bounds = array<i64: 25>, scalar_prefetch = 0 : i64, scratch_operands = 0 : i64, tpu.core_type = #tpu.core_type<tc>, window_params = [{transform_indices = @transform_0, window_bounds = array<i64: 2, 400, 128>}, {transform_indices = @transform_1, window_bounds = array<i64: 400, 128>}, {transform_indices = @transform_2, window_bounds = array<i64: 400, 128>}, {pipeline_mode = #tpu.pipeline_mode<synchronous>, transform_indices = @transform_3, window_bounds = array<i64: 1, 128>}, {pipeline_mode = #tpu.pipeline_mode<synchronous>, transform_indices = @transform_4, window_bounds = array<i64: 128, 256>}, {transform_indices = @transform_5, window_bounds = array<i64: 2, 400, 128>}]} {
    %get3A = arith.constant 0 : index
    %get3A_0 = arith.constant 0 : index
    %get3A_1 = vector.load %arg3[%get3A, %get3A_0] : memref<400x128xf32, #tpu.memory_space<vmem>>, vector<400x128xf32>
    %get3A_2 = arith.constant 0 : index
    %get3A_3 = arith.constant 0 : index
    %get3A_4 = arith.constant 0 : index
    %get3A_5 = vector.load %arg1[%get3A_2, %get3A_3, %get3A_4] : memref<2x400x128xf32, #tpu.memory_space<vmem>>, vector<1x400x128xf32>
    %get3A_6 = vector.shape_cast %get3A_5 : vector<1x400x128xf32> to vector<400x128xf32>
    %get3A_7 = arith.constant 1 : index
    %get3A_8 = arith.constant 0 : index
    %get3A_9 = arith.constant 0 : index
    %get3A_10 = vector.load %arg1[%get3A_7, %get3A_8, %get3A_9] : memref<2x400x128xf32, #tpu.memory_space<vmem>>, vector<1x400x128xf32>
    %get3A_11 = vector.shape_cast %get3A_10 : vector<1x400x128xf32> to vector<400x128xf32>
    %add3A = arith.addf %get3A_6, %get3A_11 : vector<400x128xf32>
    %get3A_12 = arith.constant 0 : index
    %get3A_13 = arith.constant 0 : index
    %get3A_14 = vector.load %arg2[%get3A_12, %get3A_13] : memref<400x128xf32, #tpu.memory_space<vmem>>, vector<400x128xf32>
    %add3A_15 = arith.addf %add3A, %get3A_14 : vector<400x128xf32>
    %mul3A = arith.mulf %get3A_1, %add3A_15 : vector<400x128xf32>
    %get3A_16 = arith.constant 0 : index
    %get3A_17 = arith.constant 0 : index
    %get3A_18 = vector.load %arg4[%get3A_16, %get3A_17] : memref<1x128xf32, #tpu.memory_space<vmem>>, vector<1x128xf32>
    %add3A_19 = vector.broadcast %get3A_18 : vector<1x128xf32> to vector<400x128xf32>
    %add3A_20 = arith.addf %mul3A, %add3A_19 : vector<400x128xf32>
    %max3A = arith.constant 0.000000e+00 : f32
    %max3A_21 = vector.broadcast %max3A : f32 to vector<400x128xf32>
    %max3A_22 = arith.maximumf %add3A_20, %max3A_21 : vector<400x128xf32>
    %mul3A_23 = arith.mulf %max3A_22, %get3A_1 : vector<400x128xf32>
    %get3A_24 = arith.constant 0 : index
    %get3A_25 = arith.constant 0 : index
    %get3A_26 = vector.load %arg5[%get3A_24, %get3A_25] : memref<128x256xf32, #tpu.memory_space<vmem>>, vector<128x256xf32>
    %dot_general3A = arith.constant dense<0.000000e+00> : vector<400x256xf32>
    %dot_general3A_27 = tpu.matmul %mul3A_23, %get3A_26, %dot_general3A {dimension_numbers = #tpu.dot_dimension_numbers<[1], [0], [0], [1], [0, 0, 1, 1], [], []>, transpose_lhs_hint = false} : vector<400x128xf32>, vector<128x256xf32>, vector<400x256xf32> -> vector<400x256xf32>
    %slice3A = vector.extract_strided_slice %dot_general3A_27 {offsets = [0, 0], sizes = [400, 128], strides = [1, 1]} : vector<400x256xf32> to vector<400x128xf32>
    %swap3A = arith.constant 0 : index
    %swap3A_28 = arith.constant 0 : index
    %swap3A_29 = arith.constant 0 : index
    %swap3A_30 = vector.load %arg6[%swap3A, %swap3A_28, %swap3A_29] : memref<2x400x128xf32, #tpu.memory_space<vmem>>, vector<1x400x128xf32>
    %swap3A_31 = vector.shape_cast %swap3A_30 : vector<1x400x128xf32> to vector<400x128xf32>
    %swap3A_32 = vector.shape_cast %slice3A : vector<400x128xf32> to vector<1x400x128xf32>
    tpu.vector_store %arg6[%swap3A, %swap3A_28, %swap3A_29], %swap3A_32 {strides = array<i32>} : memref<2x400x128xf32, #tpu.memory_space<vmem>>, vector<1x400x128xf32>,
    %slice3A_33 = vector.extract_strided_slice %dot_general3A_27 {offsets = [0, 128], sizes = [400, 128], strides = [1, 1]} : vector<400x256xf32> to vector<400x128xf32>
    %swap3A_34 = arith.constant 1 : index
    %swap3A_35 = arith.constant 0 : index
    %swap3A_36 = arith.constant 0 : index
    %swap3A_37 = vector.load %arg6[%swap3A_34, %swap3A_35, %swap3A_36] : memref<2x400x128xf32, #tpu.memory_space<vmem>>, vector<1x400x128xf32>
    %swap3A_38 = vector.shape_cast %swap3A_37 : vector<1x400x128xf32> to vector<400x128xf32>
    %swap3A_39 = vector.shape_cast %slice3A_33 : vector<400x128xf32> to vector<1x400x128xf32>
    tpu.vector_store %arg6[%swap3A_34, %swap3A_35, %swap3A_36], %swap3A_39 {strides = array<i32>} : memref<2x400x128xf32, #tpu.memory_space<vmem>>, vector<1x400x128xf32>,
    return
  }
  func.func @transform_0(%arg0: i32) -> (i32, i32, i32) {
    %c0_i32 = arith.constant 0 : i32
    %c0_i32_0 = arith.constant 0 : i32
    %c0_i32_1 = arith.constant 0 : i32
    return %c0_i32, %arg0, %c0_i32_0 : i32, i32, i32
  }
  func.func @transform_1(%arg0: i32) -> (i32, i32) {
    %c0_i32 = arith.constant 0 : i32
    %c0_i32_0 = arith.constant 0 : i32
    return %arg0, %c0_i32 : i32, i32
  }
  func.func @transform_2(%arg0: i32) -> (i32, i32) {
    %c0_i32 = arith.constant 0 : i32
    %c0_i32_0 = arith.constant 0 : i32
    return %arg0, %c0_i32 : i32, i32
  }
  func.func @transform_3(%arg0: i32) -> (i32, i32) {
    %c0_i32 = arith.constant 0 : i32
    %c0_i32_0 = arith.constant 0 : i32
    %c0_i32_1 = arith.constant 0 : i32
    return %c0_i32, %c0_i32_0 : i32, i32
  }
  func.func @transform_4(%arg0: i32) -> (i32, i32) {
    %c0_i32 = arith.constant 0 : i32
    %c0_i32_0 = arith.constant 0 : i32
    %c0_i32_1 = arith.constant 0 : i32
    return %c0_i32, %c0_i32_0 : i32, i32
  }
  func.func @transform_5(%arg0: i32) -> (i32, i32, i32) {
    %c0_i32 = arith.constant 0 : i32
    %c0_i32_0 = arith.constant 0 : i32
    %c0_i32_1 = arith.constant 0 : i32
    return %c0_i32, %arg0, %c0_i32_0 : i32, i32, i32
  }
}

module attributes {stable_mosaic.version = 14 : i64} {
  func.func @_tc_head_body(%arg0: i32, %arg1: memref<2x400x128xf32, #tpu.memory_space<vmem>>, %arg2: memref<2x400x128xf32, #tpu.memory_space<vmem>>, %arg3: memref<400x128xf32, #tpu.memory_space<vmem>>, %arg4: memref<1x256xf32, #tpu.memory_space<vmem>>, %arg5: memref<1x8xi32, #tpu.memory_space<vmem>>, %arg6: memref<1x8xi32, #tpu.memory_space<vmem>>, %arg7: memref<8x1xf32, #tpu.memory_space<vmem>>, %arg8: memref<256x128xf32, #tpu.memory_space<vmem>>, %arg9: memref<1x128xf32, #tpu.memory_space<vmem>>, %arg10: memref<128x64xf32, #tpu.memory_space<vmem>>, %arg11: memref<1x64xf32, #tpu.memory_space<vmem>>, %arg12: memref<64x128xf32, #tpu.memory_space<vmem>>, %arg13: memref<1x128xf32, #tpu.memory_space<vmem>>, %arg14: memref<8x128xf32, #tpu.memory_space<vmem>>, %arg15: memref<8x256xf32, #tpu.memory_space<vmem>>) attributes {dimension_semantics = [#tpu.dimension_semantics<arbitrary>], iteration_bounds = array<i64: 25>, scalar_prefetch = 0 : i64, scratch_operands = 1 : i64, tpu.core_type = #tpu.core_type<tc>, window_params = [{transform_indices = @transform_0, window_bounds = array<i64: 2, 400, 128>}, {transform_indices = @transform_1, window_bounds = array<i64: 2, 400, 128>}, {transform_indices = @transform_2, window_bounds = array<i64: 400, 128>}, {pipeline_mode = #tpu.pipeline_mode<synchronous>, transform_indices = @transform_3, window_bounds = array<i64: 1, 256>}, {pipeline_mode = #tpu.pipeline_mode<synchronous>, transform_indices = @transform_4, window_bounds = array<i64: 1, 8>}, {pipeline_mode = #tpu.pipeline_mode<synchronous>, transform_indices = @transform_5, window_bounds = array<i64: 1, 8>}, {pipeline_mode = #tpu.pipeline_mode<synchronous>, transform_indices = @transform_6, window_bounds = array<i64: 8, 1>}, {pipeline_mode = #tpu.pipeline_mode<synchronous>, transform_indices = @transform_7, window_bounds = array<i64: 256, 128>}, {pipeline_mode = #tpu.pipeline_mode<synchronous>, transform_indices = @transform_8, window_bounds = array<i64: 1, 128>}, {pipeline_mode = #tpu.pipeline_mode<synchronous>, transform_indices = @transform_9, window_bounds = array<i64: 128, 64>}, {pipeline_mode = #tpu.pipeline_mode<synchronous>, transform_indices = @transform_10, window_bounds = array<i64: 1, 64>}, {pipeline_mode = #tpu.pipeline_mode<synchronous>, transform_indices = @transform_11, window_bounds = array<i64: 64, 128>}, {pipeline_mode = #tpu.pipeline_mode<synchronous>, transform_indices = @transform_12, window_bounds = array<i64: 1, 128>}, {pipeline_mode = #tpu.pipeline_mode<synchronous>, transform_indices = @transform_13, window_bounds = array<i64: 8, 128>}]} {
    %eq3A = arith.constant 0 : i32
    %eq3A_0 = arith.cmpi eq, %arg0, %eq3A : i32
    %convert_element_type3A = arith.extui %eq3A_0 : i1 to i32
    %cond3A = arith.constant 0 : i32
    %cond3A_1 = arith.cmpi ne, %convert_element_type3A, %cond3A : i32
    scf.if %cond3A_1 {
      %broadcast_in_dim3A = arith.constant 0.000000e+00 : f32
      %broadcast_in_dim3A_59 = vector.broadcast %broadcast_in_dim3A : f32 to vector<8x256xf32>
      %swap3A_60 = arith.constant 0 : index
      %swap3A_61 = arith.constant 0 : index
      %swap3A_62 = vector.load %arg15[%swap3A_60, %swap3A_61] : memref<8x256xf32, #tpu.memory_space<vmem>>, vector<8x256xf32>
      tpu.vector_store %arg15[%swap3A_60, %swap3A_61], %broadcast_in_dim3A_59 {strides = array<i32>} : memref<8x256xf32, #tpu.memory_space<vmem>>, vector<8x256xf32>,
    } else {
    }
    %get3A = arith.constant 0 : index
    %get3A_2 = arith.constant 0 : index
    %get3A_3 = arith.constant 0 : index
    %get3A_4 = vector.load %arg1[%get3A, %get3A_2, %get3A_3] : memref<2x400x128xf32, #tpu.memory_space<vmem>>, vector<1x400x128xf32>
    %get3A_5 = vector.shape_cast %get3A_4 : vector<1x400x128xf32> to vector<400x128xf32>
    %get3A_6 = arith.constant 0 : index
    %get3A_7 = arith.constant 0 : index
    %get3A_8 = arith.constant 0 : index
    %get3A_9 = vector.load %arg2[%get3A_6, %get3A_7, %get3A_8] : memref<2x400x128xf32, #tpu.memory_space<vmem>>, vector<1x400x128xf32>
    %get3A_10 = vector.shape_cast %get3A_9 : vector<1x400x128xf32> to vector<400x128xf32>
    %add3A = arith.addf %get3A_5, %get3A_10 : vector<400x128xf32>
    %get3A_11 = arith.constant 1 : index
    %get3A_12 = arith.constant 0 : index
    %get3A_13 = arith.constant 0 : index
    %get3A_14 = vector.load %arg1[%get3A_11, %get3A_12, %get3A_13] : memref<2x400x128xf32, #tpu.memory_space<vmem>>, vector<1x400x128xf32>
    %get3A_15 = vector.shape_cast %get3A_14 : vector<1x400x128xf32> to vector<400x128xf32>
    %get3A_16 = arith.constant 1 : index
    %get3A_17 = arith.constant 0 : index
    %get3A_18 = arith.constant 0 : index
    %get3A_19 = vector.load %arg2[%get3A_16, %get3A_17, %get3A_18] : memref<2x400x128xf32, #tpu.memory_space<vmem>>, vector<1x400x128xf32>
    %get3A_20 = vector.shape_cast %get3A_19 : vector<1x400x128xf32> to vector<400x128xf32>
    %add3A_21 = arith.addf %get3A_15, %get3A_20 : vector<400x128xf32>
    %concatenate3A = tpu.concatenate %add3A, %add3A_21 in 1 : vector<400x128xf32>, vector<400x128xf32> -> vector<400x256xf32>
    %get3A_22 = arith.constant 0 : index
    %get3A_23 = arith.constant 0 : index
    %get3A_24 = vector.load %arg3[%get3A_22, %get3A_23] : memref<400x128xf32, #tpu.memory_space<vmem>>, vector<400x1xf32>
    %mul3A = vector.broadcast %get3A_24 : vector<400x1xf32> to vector<400x256xf32>
    %mul3A_25 = arith.mulf %mul3A, %concatenate3A : vector<400x256xf32>
    %get3A_26 = arith.constant 0 : index
    %get3A_27 = arith.constant 0 : index
    %get3A_28 = vector.load %arg4[%get3A_26, %get3A_27] : memref<1x256xf32, #tpu.memory_space<vmem>>, vector<1x256xf32>
    %add3A_29 = vector.broadcast %get3A_28 : vector<1x256xf32> to vector<400x256xf32>
    %add3A_30 = arith.addf %mul3A_25, %add3A_29 : vector<400x256xf32>
    %max3A = arith.constant 0.000000e+00 : f32
    %max3A_31 = vector.broadcast %max3A : f32 to vector<400x256xf32>
    %max3A_32 = arith.maximumf %add3A_30, %max3A_31 : vector<400x256xf32>
    %iota3A = tpu.iota {dimensions = array<i32: 0>} : vector<400x8xi32>
    %mul3A_33 = arith.constant 400 : i32
    %mul3A_34 = arith.muli %arg0, %mul3A_33 : i32
    %add3A_35 = vector.broadcast %mul3A_34 : i32 to vector<400x8xi32>
    %add3A_36 = arith.addi %iota3A, %add3A_35 : vector<400x8xi32>
    %get3A_37 = arith.constant 0 : index
    %get3A_38 = arith.constant 0 : index
    %get3A_39 = vector.load %arg5[%get3A_37, %get3A_38] : memref<1x8xi32, #tpu.memory_space<vmem>>, vector<1x8xi32>
    %ge3A = vector.broadcast %get3A_39 : vector<1x8xi32> to vector<400x8xi32>
    %ge3A_40 = arith.cmpi sge, %add3A_36, %ge3A : vector<400x8xi32>
    %get3A_41 = arith.constant 0 : index
    %get3A_42 = arith.constant 0 : index
    %get3A_43 = vector.load %arg6[%get3A_41, %get3A_42] : memref<1x8xi32, #tpu.memory_space<vmem>>, vector<1x8xi32>
    %lt3A = vector.broadcast %get3A_43 : vector<1x8xi32> to vector<400x8xi32>
    %lt3A_44 = arith.cmpi slt, %add3A_36, %lt3A : vector<400x8xi32>
    %and3A = arith.andi %ge3A_40, %lt3A_44 : vector<400x8xi1>
    %convert_element_type3A_45 = arith.extui %and3A : vector<400x8xi1> to vector<400x8xi32>
    %convert_element_type3A_46 = arith.sitofp %convert_element_type3A_45 : vector<400x8xi32> to vector<400x8xf32>
    %get3A_47 = arith.constant 0 : index
    %get3A_48 = arith.constant 0 : index
    %get3A_49 = vector.load %arg15[%get3A_47, %get3A_48] : memref<8x256xf32, #tpu.memory_space<vmem>>, vector<8x256xf32>
    %dot_general3A = arith.constant dense<0.000000e+00> : vector<8x256xf32>
    %dot_general3A_50 = tpu.matmul %convert_element_type3A_46, %max3A_32, %dot_general3A {dimension_numbers = #tpu.dot_dimension_numbers<[0], [0], [1], [1], [0, 1, 1, 1], [], []>, transpose_lhs_hint = false} : vector<400x8xf32>, vector<400x256xf32>, vector<8x256xf32> -> vector<8x256xf32>
    %add3A_51 = arith.addf %get3A_49, %dot_general3A_50 : vector<8x256xf32>
    %swap3A = arith.constant 0 : index
    %swap3A_52 = arith.constant 0 : index
    %swap3A_53 = vector.load %arg15[%swap3A, %swap3A_52] : memref<8x256xf32, #tpu.memory_space<vmem>>, vector<8x256xf32>
    tpu.vector_store %arg15[%swap3A, %swap3A_52], %add3A_51 {strides = array<i32>} : memref<8x256xf32, #tpu.memory_space<vmem>>, vector<8x256xf32>,
    %eq3A_54 = arith.constant 24 : i32
    %eq3A_55 = arith.cmpi eq, %arg0, %eq3A_54 : i32
    %convert_element_type3A_56 = arith.extui %eq3A_55 : i1 to i32
    %cond3A_57 = arith.constant 0 : i32
    %cond3A_58 = arith.cmpi ne, %convert_element_type3A_56, %cond3A_57 : i32
    scf.if %cond3A_58 {
      %get3A_59 = arith.constant 0 : index
      %get3A_60 = arith.constant 0 : index
      %get3A_61 = vector.load %arg15[%get3A_59, %get3A_60] : memref<8x256xf32, #tpu.memory_space<vmem>>, vector<8x256xf32>
      %get3A_62 = arith.constant 0 : index
      %get3A_63 = arith.constant 0 : index
      %get3A_64 = vector.load %arg7[%get3A_62, %get3A_63] : memref<8x1xf32, #tpu.memory_space<vmem>>, vector<8x1xf32>
      %div3A = vector.broadcast %get3A_64 : vector<8x1xf32> to vector<8x256xf32>
      %div3A_65 = arith.divf %get3A_61, %div3A : vector<8x256xf32>
      %get3A_66 = arith.constant 0 : index
      %get3A_67 = arith.constant 0 : index
      %get3A_68 = vector.load %arg8[%get3A_66, %get3A_67] : memref<256x128xf32, #tpu.memory_space<vmem>>, vector<256x128xf32>
      %dot_general3A_69 = arith.constant dense<0.000000e+00> : vector<8x128xf32>
      %dot_general3A_70 = tpu.matmul %div3A_65, %get3A_68, %dot_general3A_69 {dimension_numbers = #tpu.dot_dimension_numbers<[1], [0], [0], [1], [0, 0, 1, 1], [], []>, transpose_lhs_hint = false} : vector<8x256xf32>, vector<256x128xf32>, vector<8x128xf32> -> vector<8x128xf32>
      %get3A_71 = arith.constant 0 : index
      %get3A_72 = arith.constant 0 : index
      %get3A_73 = vector.load %arg9[%get3A_71, %get3A_72] : memref<1x128xf32, #tpu.memory_space<vmem>>, vector<1x128xf32>
      %add3A_74 = vector.broadcast %get3A_73 : vector<1x128xf32> to vector<8x128xf32>
      %add3A_75 = arith.addf %dot_general3A_70, %add3A_74 : vector<8x128xf32>
      %max3A_76 = arith.constant 0.000000e+00 : f32
      %max3A_77 = vector.broadcast %max3A_76 : f32 to vector<8x128xf32>
      %max3A_78 = arith.maximumf %add3A_75, %max3A_77 : vector<8x128xf32>
      %get3A_79 = arith.constant 0 : index
      %get3A_80 = arith.constant 0 : index
      %get3A_81 = vector.load %arg10[%get3A_79, %get3A_80] : memref<128x64xf32, #tpu.memory_space<vmem>>, vector<128x64xf32>
      %dot_general3A_82 = arith.constant dense<0.000000e+00> : vector<8x64xf32>
      %dot_general3A_83 = tpu.matmul %max3A_78, %get3A_81, %dot_general3A_82 {dimension_numbers = #tpu.dot_dimension_numbers<[1], [0], [0], [1], [0, 0, 1, 1], [], []>, transpose_lhs_hint = false} : vector<8x128xf32>, vector<128x64xf32>, vector<8x64xf32> -> vector<8x64xf32>
      %get3A_84 = arith.constant 0 : index
      %get3A_85 = arith.constant 0 : index
      %get3A_86 = vector.load %arg11[%get3A_84, %get3A_85] : memref<1x64xf32, #tpu.memory_space<vmem>>, vector<1x64xf32>
      %add3A_87 = vector.broadcast %get3A_86 : vector<1x64xf32> to vector<8x64xf32>
      %add3A_88 = arith.addf %dot_general3A_83, %add3A_87 : vector<8x64xf32>
      %max3A_89 = arith.constant 0.000000e+00 : f32
      %max3A_90 = vector.broadcast %max3A_89 : f32 to vector<8x64xf32>
      %max3A_91 = arith.maximumf %add3A_88, %max3A_90 : vector<8x64xf32>
      %get3A_92 = arith.constant 0 : index
      %get3A_93 = arith.constant 0 : index
      %get3A_94 = vector.load %arg12[%get3A_92, %get3A_93] : memref<64x128xf32, #tpu.memory_space<vmem>>, vector<64x128xf32>
      %dot_general3A_95 = arith.constant dense<0.000000e+00> : vector<8x128xf32>
      %dot_general3A_96 = tpu.matmul %max3A_91, %get3A_94, %dot_general3A_95 {dimension_numbers = #tpu.dot_dimension_numbers<[1], [0], [0], [1], [0, 0, 1, 1], [], []>, transpose_lhs_hint = false} : vector<8x64xf32>, vector<64x128xf32>, vector<8x128xf32> -> vector<8x128xf32>
      %get3A_97 = arith.constant 0 : index
      %get3A_98 = arith.constant 0 : index
      %get3A_99 = vector.load %arg13[%get3A_97, %get3A_98] : memref<1x128xf32, #tpu.memory_space<vmem>>, vector<1x128xf32>
      %add3A_100 = vector.broadcast %get3A_99 : vector<1x128xf32> to vector<8x128xf32>
      %add3A_101 = arith.addf %dot_general3A_96, %add3A_100 : vector<8x128xf32>
      %swap3A_102 = arith.constant 0 : index
      %swap3A_103 = arith.constant 0 : index
      %swap3A_104 = vector.load %arg14[%swap3A_102, %swap3A_103] : memref<8x128xf32, #tpu.memory_space<vmem>>, vector<8x128xf32>
      tpu.vector_store %arg14[%swap3A_102, %swap3A_103], %add3A_101 {strides = array<i32>} : memref<8x128xf32, #tpu.memory_space<vmem>>, vector<8x128xf32>,
    } else {
    }
    return
  }
  func.func @transform_0(%arg0: i32) -> (i32, i32, i32) {
    %c0_i32 = arith.constant 0 : i32
    %c0_i32_0 = arith.constant 0 : i32
    %c0_i32_1 = arith.constant 0 : i32
    return %c0_i32, %arg0, %c0_i32_0 : i32, i32, i32
  }
  func.func @transform_1(%arg0: i32) -> (i32, i32, i32) {
    %c0_i32 = arith.constant 0 : i32
    %c0_i32_0 = arith.constant 0 : i32
    %c0_i32_1 = arith.constant 0 : i32
    return %c0_i32, %arg0, %c0_i32_0 : i32, i32, i32
  }
  func.func @transform_2(%arg0: i32) -> (i32, i32) {
    %c0_i32 = arith.constant 0 : i32
    %c0_i32_0 = arith.constant 0 : i32
    return %arg0, %c0_i32 : i32, i32
  }
  func.func @transform_3(%arg0: i32) -> (i32, i32) {
    %c0_i32 = arith.constant 0 : i32
    %c0_i32_0 = arith.constant 0 : i32
    %c0_i32_1 = arith.constant 0 : i32
    return %c0_i32, %c0_i32_0 : i32, i32
  }
  func.func @transform_4(%arg0: i32) -> (i32, i32) {
    %c0_i32 = arith.constant 0 : i32
    %c0_i32_0 = arith.constant 0 : i32
    %c0_i32_1 = arith.constant 0 : i32
    return %c0_i32, %c0_i32_0 : i32, i32
  }
  func.func @transform_5(%arg0: i32) -> (i32, i32) {
    %c0_i32 = arith.constant 0 : i32
    %c0_i32_0 = arith.constant 0 : i32
    %c0_i32_1 = arith.constant 0 : i32
    return %c0_i32, %c0_i32_0 : i32, i32
  }
  func.func @transform_6(%arg0: i32) -> (i32, i32) {
    %c0_i32 = arith.constant 0 : i32
    %c0_i32_0 = arith.constant 0 : i32
    %c0_i32_1 = arith.constant 0 : i32
    return %c0_i32, %c0_i32_0 : i32, i32
  }
  func.func @transform_7(%arg0: i32) -> (i32, i32) {
    %c0_i32 = arith.constant 0 : i32
    %c0_i32_0 = arith.constant 0 : i32
    %c0_i32_1 = arith.constant 0 : i32
    return %c0_i32, %c0_i32_0 : i32, i32
  }
  func.func @transform_8(%arg0: i32) -> (i32, i32) {
    %c0_i32 = arith.constant 0 : i32
    %c0_i32_0 = arith.constant 0 : i32
    %c0_i32_1 = arith.constant 0 : i32
    return %c0_i32, %c0_i32_0 : i32, i32
  }
  func.func @transform_9(%arg0: i32) -> (i32, i32) {
    %c0_i32 = arith.constant 0 : i32
    %c0_i32_0 = arith.constant 0 : i32
    %c0_i32_1 = arith.constant 0 : i32
    return %c0_i32, %c0_i32_0 : i32, i32
  }
  func.func @transform_10(%arg0: i32) -> (i32, i32) {
    %c0_i32 = arith.constant 0 : i32
    %c0_i32_0 = arith.constant 0 : i32
    %c0_i32_1 = arith.constant 0 : i32
    return %c0_i32, %c0_i32_0 : i32, i32
  }
  func.func @transform_11(%arg0: i32) -> (i32, i32) {
    %c0_i32 = arith.constant 0 : i32
    %c0_i32_0 = arith.constant 0 : i32
    %c0_i32_1 = arith.constant 0 : i32
    return %c0_i32, %c0_i32_0 : i32, i32
  }
  func.func @transform_12(%arg0: i32) -> (i32, i32) {
    %c0_i32 = arith.constant 0 : i32
    %c0_i32_0 = arith.constant 0 : i32
    %c0_i32_1 = arith.constant 0 : i32
    return %c0_i32, %c0_i32_0 : i32, i32
  }
  func.func @transform_13(%arg0: i32) -> (i32, i32) {
    %c0_i32 = arith.constant 0 : i32
    %c0_i32_0 = arith.constant 0 : i32
    %c0_i32_1 = arith.constant 0 : i32
    return %c0_i32, %c0_i32_0 : i32, i32
  }
}

</mosaic_0001>

<sc_bundles>
// kernel: kernel.10.cloned.1.call-start
scs
__scs_entry_jumppad:
0x0: {  	(pc) =	sbr.rel $0x88, $3  }
0x1: {  	(tag) =	ssettag $0x0;
	lr =	simm.s32 $0x1  }
0x2: {  	[smem:$0x3F92] =	sst lr;
	_ =	strace $0xD0000000  }
0x3: {  	_ = 	snop  }
0x4: {  	_ = 	snop  }
0x5: {  	_ = 	snop  }
0x6: {  	_ = 	snop  }
0x7: {  	_ = 	snop  }
__scs_overlays_trampoline_lowered:
0x8: {  	[smem:$0x3FA1] =	sst s0  }
0x9: {  	[smem:$0x3FA2] =	sst s1  }
0xa: {  	[smem:$0x3FA3] =	sst s2  }
0xb: {  	[smem:$0x3FA4] =	sst s3  }
0xc: {  	[smem:$0x3FA5] =	sst s4  }
0xd: {  	[smem:$0x3FA6] =	sst s5  }
0xe: {  	[smem:$0x3FA7] =	sst s6  }
0xf: {  	[smem:$0x3FA8] =	sst s7  }
0x10: {  	[smem:$0x3FA9] =	sst s8  }
0x11: {  	[smem:$0x3FAA] =	sst s9;
	s0 =	simm.s32 @!p0 $0x0  }
0x12: {  	s1 =	sld [smem:$0x3F90];
	s0 =	simm.s32 @p0 $0x1  }
0x13: {  	[smem:$0x3FAB] =	sst s0;
	s0 =	simm.s32 @!p1 $0x0  }
0x14: {  	s2 =	sld [smem:$0x3F8F];
	s0 =	simm.s32 @p1 $0x1  }
0x15: {  	[smem:$0x3FAC] =	sst s0;
	s0 =	simm.s32 @!p2 $0x0  }
0x16: {  	s3 =	sld [smem:$0x3FDB];
	s0 =	simm.s32 @p2 $0x1  }
0x17: {  	s4 =	simm.s32 $0x1BF5;
	[smem:$0x3FAE] =	sst s0  }
0x18: {  	s0 =	sld [smem:$0x3F91];
	_ =	swait.ge [sflag:s4], $0x0  }
0x19: {  	s7 =	sld [smem:$0x3F92]  }
0x1a: {  	s8 =	sadd.s32 $0xFFFFE003, lr  }
0x1b: {  	s9 =	sadd.s32 $0xFFFFFEF7, lr;
	s5 =	simm.s32 $0xFFFFFFFF;
	p2 =	slt.u32 s8, $0xFFFFF086  }
0x1c: {  	p1 =	slt.u32 s9, $0xF7A;
	s5 =	simm.s32 @!p2 $0x0  }
0x1d: {  	s5 =	simm.s32 @p1 $0x1;
	p0 =	seq.s32 s7, s2  }
0x1e: {  	s7 =	smul.u32 @!p0 $0xF7A, s2;
	p2 =	seq.s32 @!p0 s5, $0x0  }
0x1f: {  	s9 =	smul.u32 $0xF7A, s1;
	s8 =	simm.s32 @!p0 $0x1BF5;
	p2 =	por !p2, p0  }
0x20: {  	[sflag:s8] =	ssyncset.s32 @!p0 $0xFFFFF086;
	s6 =	sadd.s32 @!p0 s3, s7;
	s7 =	simm.s32 @!p0 $0x108  }
0x21: {  	s3 =	sadd.s32 s3, s9;
	s6 =	sadd.s32 @!p0 $0x88, s6;
	s7 =	simm.s32 @p2 $0x1082  }
0x22: {  	[simem:s7], [sflag:s8] =	dma.local @!p0 [hbm:s6], $0xF7A  }
0x23: {  	s9 =	sor.u32 $0xD0000000, s2;
	s6 =	simm.s32 $0x108;
	_ =	swait.ge @!p0 [sflag:s8], $0x0  }
0x24: {  	s3 =	sadd.s32 $0x88, s3;
	s6 =	simm.s32 @!p1 $0x1082;
	[sflag:s4] =	ssyncset.s32 $0xFFFFF086  }
0x25: {  	[simem:s6], [sflag:s4] =	dma.local [hbm:s3], $0xF7A  }
0x26: {  	[smem:$0x3F92] =	sst s1;
	(tag) =	ssettag s2;
	_ =	strace s9  }
0x27: {  	s1 =	sld [smem:$0x3FA2]  }
0x28: {  	s2 =	sld [smem:$0x3FA3]  }
0x29: {  	s4 =	sld [smem:$0x3FA5]  }
0x2a: {  	p0 =	seq.s32 s5, $0x0;
	s5 =	sld [smem:$0x3FA6]  }
0x2b: {  	s6 =	sld [smem:$0x3FA7]  }
0x2c: {  	s7 =	sld [smem:$0x3FA8]  }
0x2d: {  	s3 =	simm.s32 $0x108;
	s8 =	sld [smem:$0x3FA9]  }
0x2e: {  	s3 =	simm.s32 @!p0 $0x1082;
	s9 =	sld [smem:$0x3FAA]  }
0x2f: {  	lr =	sadd.s32 s0, s3;
	s0 =	sld [smem:$0x3FA1]  }
0x30: {  	s3 =	sld [smem:$0x3FA4]  }
0x31: {  	[smem:$0x3FAD] =	sst s10  }
0x32: {  	s10 =	sld [smem:$0x3FAB];
	_ =	sdelay $0x3  }
0x33: {  	p0 =	seq.s32 s10, $0x1;
	s10 =	sld [smem:$0x3FAD];
	_ =	sdelay $0x3  }
0x34: {  	[smem:$0x3FAD] =	sst s10  }
0x35: {  	s10 =	sld [smem:$0x3FAC];
	_ =	sdelay $0x3  }
0x36: {  	p1 =	seq.s32 s10, $0x1;
	s10 =	sld [smem:$0x3FAD];
	_ =	sdelay $0x3  }
0x37: {  	[smem:$0x3FAD] =	sst s10  }
0x38: {  	s10 =	sld [smem:$0x3FAE]  }
0x39: {  	_ = 	snop;
	(pc) =	sbr.ind lr, $3  }
0x3a: {  	_ = 	snop  }
0x3b: {  	_ = 	snop  }
0x3c: {  	p2 =	seq.s32 s10, $0x1;
	s10 =	sld [smem:$0x3FAD]  }
0x3d: {  	_ =	shalt  }
0x3e: {  	_ =	shalt  }
0x3f: {  	_ =	shalt  }
0x40: {  	_ =	shalt  }
0x41: {  	_ =	shalt  }
0x42: {  	_ =	shalt  }
0x43: {  	_ =	shalt  }
0x44: {  	_ =	shalt  }
0x45: {  	_ =	shalt  }
0x46: {  	_ =	shalt  }
0x47: {  	_ =	shalt  }
0x48: {  	_ =	shalt  }
0x49: {  	_ =	shalt  }
0x4a: {  	_ =	shalt  }
0x4b: {  	_ =	shalt  }
0x4c: {  	_ =	shalt  }
0x4d: {  	_ =	shalt  }
0x4e: {  	_ =	shalt  }
0x4f: {  	_ =	shalt  }
0x50: {  	_ =	shalt  }
0x51: {  	_ =	shalt  }
0x52: {  	_ =	shalt  }
0x53: {  	_ =	shalt  }
0x54: {  	_ =	shalt  }
0x55: {  	_ =	shalt  }
0x56: {  	_ =	shalt  }
0x57: {  	_ =	shalt  }
0x58: {  	_ =	shalt  }
0x59: {  	_ =	shalt  }
0x5a: {  	_ =	shalt  }
0x5b: {  	_ =	shalt  }
0x5c: {  	_ =	shalt  }
0x5d: {  	_ =	shalt  }
0x5e: {  	_ =	shalt  }
0x5f: {  	_ =	shalt  }
0x60: {  	_ =	shalt  }
0x61: {  	_ =	shalt  }
0x62: {  	_ =	shalt  }
0x63: {  	_ =	shalt  }
0x64: {  	_ =	shalt  }
0x65: {  	_ =	shalt  }
0x66: {  	_ =	shalt  }
0x67: {  	_ =	shalt  }
0x68: {  	_ =	shalt  }
0x69: {  	_ =	shalt  }
0x6a: {  	_ =	shalt  }
0x6b: {  	_ =	shalt  }
0x6c: {  	_ =	shalt  }
0x6d: {  	_ =	shalt  }
0x6e: {  	_ =	shalt  }
0x6f: {  	_ =	shalt  }
0x70: {  	_ =	shalt  }
0x71: {  	_ =	shalt  }
0x72: {  	_ =	shalt  }
0x73: {  	_ =	shalt  }
0x74: {  	_ =	shalt  }
0x75: {  	_ =	shalt  }
0x76: {  	_ =	shalt  }
0x77: {  	_ =	shalt  }
0x78: {  	_ =	shalt  }
0x79: {  	_ =	shalt  }
0x7a: {  	_ =	shalt  }
0x7b: {  	_ =	shalt  }
0x7c: {  	_ =	shalt  }
0x7d: {  	_ =	shalt  }
0x7e: {  	_ =	shalt  }
0x7f: {  	_ =	shalt  }
0x80: {  	_ =	shalt  }
0x81: {  	_ =	shalt  }
0x82: {  	_ =	shalt  }
0x83: {  	_ =	shalt  }
0x84: {  	_ =	shalt  }
0x85: {  	_ =	shalt  }
0x86: {  	_ =	shalt  }
0x87: {  	_ =	shalt  }
.Lfunc_end0:
.L_simem_size_0:
called_computation_lowered:
.L_overlay_start_0:
0x88: {  	s2 =	sld [smem:$0x3FD9]  }
0x89: {  	s3 =	sld [smem:$0x3FFE];
	_ =	sdelay $0x1  }
0x8a: {  	s1 =	srdreg.scid  }
0x8b: {  	s0 =	sand.u32 $0x1, s1  }
0x8c: {  	s16 =	sshll.u32 s0, $0xA;
	s2 =	sadd.s32 s3, s2  }
0x8d: {  	s2 =	sadd.s32 s2, s16  }
0x8e: {  	[smem:$0x3FB9] =	sst s2  }
0x8f: {  	_ = 	snop  }
0x90: {  	(tm) =	ssettm $0x1  }
0x91: {  	s17 =	sld [smem:$0x3FFB];
	_ =	sdelay $0x3  }
0x92: {  	_ =	strace s17  }
0x93: {  	s2 =	sld [smem:$0x3FFC];
	_ =	sdelay $0x3  }
0x94: {  	_ =	strace s2  }
0x95: {  	s2 =	sld [smem:$0x3FFD];
	_ =	sdelay $0x3  }
0x96: {  	_ =	strace s2  }
0x97: {  	_ =	strace $0x8FFFFFFF  }
0x98: {  	s18 =	sld [smem:$0x3FDB];
	_ =	sdelay $0x1  }
0x99: {  	s19 =	simm.s32 $_scs_section_size  }
0x9a: {  	s4 =	simm.s32 $_size__tile_overlayer_lowered;
	s5 =	simm.s32 $_tile_overlayer_lowered  }
0x9b: {  	s22 =	simm.s32 $0x1BFF;
	s21 =	sshll.u32 s5, $0x1;
	s2 =	sadd.s32 s19, s18  }
0x9c: {  	s6 =	simm.s32 $0x0;
	s20 =	sshll.u32 s4, $0x1;
	s4 =	sadd.s32 s21, s2  }
0x9d: {  	[timem:s6], [sflag:s22] =	dma.local [hbm:s4], s20  }
0x9e: {  	_ =	swait.ge [sflag:s22], s20  }
0x9f: {  	s3 =	ssub.s32 $0x0, s20;
	[sflag:s22] =	ssyncset.done $0x0  }
0xa0: {  	[sflag:s22] =	ssyncadd.s32 s3;
	_ =	sdelay $0x1  }
0xa1: {  	s23 =	simm.s32 $0x1B8B  }
0xa2: {  	_ =	swait.ge [sflag:s23], $0x1  }
0xa3: {  	[sflag:s23] =	ssyncset.done $0x0  }
0xa4: {  	s25 =	simm.s32 $0x1B8E;
	s24 =	sld [smem:$0x3FFE];
	[sflag:s23] =	ssyncadd.s32 $0xFFFFFFFF  }
0xa5: {  	s26 =	simm.s32 $execute0_lowered;
	[smem:$0x3FD2] =	sst s25  }
0xa6: {  	s4 =	sshll.u32 s26, $0x1;
	_ =	strace $0x80000046;
	[dreg:$0x1] =	wrdreg $0xFFFFFFFF  }
0xa7: {  	s28 =	simm.s32 $_size_execute0_lowered;
	s2 =	sadd.s32 s2, s4;
	[dreg:$0x0] =	wrdreg $0x0  }
0xa8: {  	s4 =	sshll.u32 s28, $0x1;
	[dreg:$0x2] =	wrdreg s2  }
0xa9: {  	[dreg:$0x3] =	wrdreg s4  }
0xaa: {  	[dreg:$0x4] =	wrdreg $0xC0  }
0xab: {  	_ =	task [dreg:s6], $0x5FFFF  }
0xac: {  	[dreg:$0x1] =	wrdreg $0xFFFFFFFF  }
0xad: {  	[dreg:$0x0] =	wrdreg $0x60  }
0xae: {  	[dreg:$0x2] =	wrdreg s24  }
0xaf: {  	[dreg:$0x3] =	wrdreg $0x23A00  }
0xb0: {  	[dreg:$0x4] =	wrdreg $0x9  }
0xb1: {  	_ =	task.clear_ibuf [dreg:s6], $0x5FFFF;
	_ =	strace $0x90000046  }
0xb2: {  	s29 =	simm.s32 $0x9;
	_ =	strace $0x80000048  }
0xb3: {  	_ =	swait.ge [sflag:s29], $0x1  }
0xb4: {  	[sflag:s29] =	ssyncadd.s32 $0xFFFFFFFF  }
0xb5: {  	_ =	strace $0x90000048  }
0xb6: {  	_ =	sfence  }
0xb7: {  	s30 =	sld [smem:$0x0];
	_ =	sdelay $0x2  }
0xb8: {  	s31 =	sshll.u32 s1, $0xD;
	s1 =	sshrl.u32 s1, $0x2  }
0xb9: {  	s3 =	sand.u32 $0x4000, s31;
	s1 =	sadd.s32 s1, s30  }
0xba: {  	s0 =	sor.u32 s3, s0;
	s1 =	sshll.u32 s1, $0x11  }
0xbb: {  	s0 =	sor.u32 s1, s0  }
0xbc: {  	s0 =	sadd.s32 $0x8F2B, s0  }
0xbd: {  	[sflag:s0] =	ssyncadd.remote.s32 $0x1  }
0xbe: {  	_ =	sfence.sel $0xFFFF  }
0xbf: {  	[dreg:$0x0] =	wrdreg $0xFFFFFFFF;
	(pc) =	sbr.abs _section_cstart, $3  }
0xc0: {  	[dreg:$0x1] =	wrdreg $0xFFFFFFFF  }
0xc1: {  	_ =	task.clear_ibuf [dreg:s6], $0x2FFFF;
	_ =	strace $0x9FFFFFFF  }
0xc2: {  	(tm) =	ssettm $0x7FFFFFFF  }
0xc3: {  	_ =	shalt  }
tec
execute0_lowered:
.L_overlay_start_1:
0x0: {  	(tag) =	ssettag $0x1  }
0x1: {  	s7 =	rddreg [dreg:$0x0]  }
0x2: {  	s1 =	rddreg [dreg:$0x1]  }
0x3: {  	s0 =	rddreg [dreg:$0x2];
	s2 =	simm.s32 $0x0  }
0x4: {  	s3 =	srdreg.scid;
	[smem:$0x7FF] =	sst s2  }
0x5: {  	s4 =	sadd.s32 $0xF000, s7;
	s6 =	sand.u32 $0x1, s3;
	s3 =	stileid.u32  }
0x6: {  	s5 =	sadd.s32 $0xE600, s7;
	s31 =	sadd.s32 $0x9600, s7;
	s14 =	sadd.s32 $0x4B000, s1  }
0x7: {  	_ =	strace $0x80000047;
	s8 =	smul.u32 $0x9C40, s6;
	s9 =	ssub.s32 $0x2, s6  }
0x8: {  	s11 =	smul.u32 $0x5000, s3;
	s6 =	sshll.u32 s6, $0x4;
	s30 =	sshll.u32 s3, $0x6  }
0x9: {  	p0 =	seq.s32 s3, $0xF;
	s10 =	sshrl.u32 s9, $0x1;
	s12 =	sor.u32 s3, s6  }
0xa: {  	s6 =	sor.u32 $0x1C01, s30;
	s14 =	sshrl.u32 @p0 s14, $0x3;
	s8 =	sadd.s32 s8, s7  }
0xb: {  	s9 =	ssub.s32 s9, s10;
	s16 =	sadd.s32 s11, s1;
	s12 =	smul.u32 $0x280, s12  }
0xc: {  	s17 =	sshrl.u32 s11, $0x3;
	s11 =	simm.s32 $0x1400;
	s15 =	sadd.s32 $0xF200, s8  }
0xd: {  	s7 =	smax.u32 s9, $0x1;
	s8 =	sshrl.u32 s16, $0x3;
	s9 =	simm.s32 $0x1  }
0xe: {  	s16 =	sshrl.u32 @!p0 s16, $0x3;
	s10 =	sadd.s32 s12, s31;
	s12 =	simm.s32 $0x7D  }
0xf: {  	s13 =	sadd.s32 @p0 $0x9600, s15;
	s15 =	sadd.s32 @!p0 s17, s15;
	s17 =	simm.s32 $0x0  }
.LBB2_1:
0x10: {  	[spmem:s8], [sflag:s6] =	dma.local [hbm:s5], $0xA00  }
0x11: {  	_ =	swait.ge [sflag:s9], $0xA00  }
0x12: {  	[sflag:s9] =	ssyncset.done $0x0  }
0x13: {  	[sflag:s9] =	ssyncadd.s32 $0xFFFFF600  }
0x14: {  	[tilespmem:s2], [sflag:$0x1] =	stream.linear.gather [hbm4b:s10+s2], $0x1400, $0x38;
	[tilespmem:$0x73A0] =	vst v63  }
0x15: {  	_ =	swait.ge [sflag:s9], $0x1400  }
0x16: {  	[sflag:s9] =	ssyncset.done $0x0  }
0x17: {  	[sflag:s9] =	ssyncadd.s32 $0xFFFFEC00  }
0x18: {  	[tilespmem:s11], [sflag:$0x1] =	stream.linear.gather [hbm4b:s4+s2], $0xFA0, $0x38;
	[tilespmem:$0x73A0] =	vst v63  }
0x19: {  	_ =	swait.ge [sflag:s9], $0xFA0  }
0x1a: {  	[sflag:s9] =	ssyncset.done $0x0  }
0x1b: {  	[sflag:s9] =	ssyncadd.s32 $0xFFFFF060  }
0x1c: {  	s18 =	simm.s32 $0x0;
	[bflag:$0x0] =	sbarrier.arrive $0xFFFF  }
0x1d: {  	[spmem:s1] =	stream.indirect.scatter.add.f32 [tilespmem:s11], [sflag:$0x1], $0x20, s18, s12, $0xb8;
	[tilespmem:$0x73A0] =	vst v63  }
0x1e: {  	_ =	swait.ge [sflag:s9], $0xFA0  }
0x1f: {  	s18 =	simm.s32 $0x200;
	[sflag:s9] =	ssyncset.done $0x0  }
.LBB2_2:
0x20: {  	s19 =	sshra.s32 s18, $0x2;
	[sflag:s9] =	ssyncadd.s32 $0xFFFFF060;
	p1 =	sne.s32 s18, $0x4E00  }
0x21: {  	[spmem:s1] =	stream.indirect.scatter.add.f32 [tilespmem:s11], [sflag:$0x1], $0x20, s19, s12, $0xb8;
	[tilespmem:$0x73A0] =	vst v63  }
.Ltmp0:
0x22: {  	_ = 	snop;
	(pc) =	sbr.rel @p1 .LBB2_2-.Ltmp0, $4  }
0x23: {  	_ = 	snop  }
0x24: {  	s18 =	sadd.s32 $0x200, s18  }
0x25: {  	_ =	swait.ge [sflag:s9], $0xFA0  }
0x26: {  	[sflag:s9] =	ssyncset.done $0x0  }
0x27: {  	[sflag:s9] =	ssyncadd.s32 $0xFFFFF060  }
0x28: {  	s18 =	simm.s32 @p0 $0x1;
	[bflag:$0x0] =	sbarrier.arrive $0xFFFF  }
0x29: {  	[hbm:s13], [sflag:s6] =	dma.local @p0 [spmem:s14], $0x640  }
0x2a: {  	s17 =	sadd.s32 $0x1, s17;
	_ =	swait.ge @p0 [sflag:s18], $0x640  }
0x2b: {  	p1 =	sne.s32 s17, s7;
	[sflag:s18] =	ssyncset.done @p0 $0x0  }
.Ltmp1:
0x2c: {  	[sflag:s18] =	ssyncadd.s32 @p0 $0xFFFFF9C0;
	s18 =	simm.s32 @!p0 $0x1;
	(pc) =	sbr.rel @p1 .LBB2_1-.Ltmp1, $4  }
0x2d: {  	[hbm:s15], [sflag:s6] =	dma.local @!p0 [spmem:s16], $0xA00  }
0x2e: {  	_ =	swait.ge @!p0 [sflag:s18], $0xA00  }
0x2f: {  	[sflag:s18] =	ssyncset.done @!p0 $0x0  }
0x30: {  	[sflag:s18] =	ssyncadd.s32 @!p0 $0xFFFFF600  }
0x31: {  	_ =	sfence.sel $0x180000  }
0x32: {  	[bflag:$0x0] =	sbarrier.arrive $0xFFFF  }
0x33: {  	p0 =	sne.s32 s3, $0x0;
	_ =	strace $0x90000047  }
0x34: {  	s0 =	sadd.s32 @!p0 $0x100000, s0;
	[bflag:$0x2] =	sbarrier.arrive $0xFFFF  }
0x35: {  	[sflag:s0] =	ssyncadd.tile.s32 @!p0 $0x1;
	_ =	shalt  }
.Lfunc_end2:
_tile_overlayer_lowered:
.L_overlay_start_2:
0x36: {  	(tag) =	ssettag $0x2  }
0x37: {  	s0 =	rddreg [dreg:$0x0];
	s2 =	stileid.u32  }
0x38: {  	s1 =	rddreg [dreg:$0x1];
	p0 =	sne.s32 s2, $0x0  }
0x39: {  	s3 =	rddreg [dreg:$0x2];
	[bflag:$0x3] =	sbarrier.arrive $0xFFFF;
	s2 =	simm.s32 @!p0 $0x1C01  }
0x3a: {  	[timem:s3], [sflag:s2] =	dma.local @!p0 [hbm:s0], s1  }
0x3b: {  	s0 =	simm.s32 @!p0 $0x1  }
0x3c: {  	_ =	swait.ge @!p0 [sflag:s0], s1  }
0x3d: {  	s1 =	ssub.s32 @!p0 $0x0, s1;
	[sflag:s0] =	ssyncset.done @!p0 $0x0  }
0x3e: {  	[sflag:s0] =	ssyncadd.s32 @!p0 s1  }
0x3f: {  	[bflag:$0x3] =	sbarrier.arrive $0xFFFF  }
0x40: {  	_ =	shalt  }

// kernel: kernel.13.cloned.1.call-start
scs
__scs_entry_jumppad:
0x0: {  	(pc) =	sbr.rel $0x88, $3  }
0x1: {  	(tag) =	ssettag $0x0;
	lr =	simm.s32 $0x1  }
0x2: {  	[smem:$0x3F92] =	sst lr;
	_ =	strace $0xD0000000  }
0x3: {  	_ = 	snop  }
0x4: {  	_ = 	snop  }
0x5: {  	_ = 	snop  }
0x6: {  	_ = 	snop  }
0x7: {  	_ = 	snop  }
__scs_overlays_trampoline_lowered:
0x8: {  	[smem:$0x3FA1] =	sst s0  }
0x9: {  	[smem:$0x3FA2] =	sst s1  }
0xa: {  	[smem:$0x3FA3] =	sst s2  }
0xb: {  	[smem:$0x3FA4] =	sst s3  }
0xc: {  	[smem:$0x3FA5] =	sst s4  }
0xd: {  	[smem:$0x3FA6] =	sst s5  }
0xe: {  	[smem:$0x3FA7] =	sst s6  }
0xf: {  	[smem:$0x3FA8] =	sst s7  }
0x10: {  	[smem:$0x3FA9] =	sst s8  }
0x11: {  	[smem:$0x3FAA] =	sst s9;
	s0 =	simm.s32 @!p0 $0x0  }
0x12: {  	s1 =	sld [smem:$0x3F90];
	s0 =	simm.s32 @p0 $0x1  }
0x13: {  	[smem:$0x3FAB] =	sst s0;
	s0 =	simm.s32 @!p1 $0x0  }
0x14: {  	s2 =	sld [smem:$0x3F8F];
	s0 =	simm.s32 @p1 $0x1  }
0x15: {  	[smem:$0x3FAC] =	sst s0;
	s0 =	simm.s32 @!p2 $0x0  }
0x16: {  	s3 =	sld [smem:$0x3FDB];
	s0 =	simm.s32 @p2 $0x1  }
0x17: {  	s4 =	simm.s32 $0x1BF5;
	[smem:$0x3FAE] =	sst s0  }
0x18: {  	s0 =	sld [smem:$0x3F91];
	_ =	swait.ge [sflag:s4], $0x0  }
0x19: {  	s7 =	sld [smem:$0x3F92]  }
0x1a: {  	s8 =	sadd.s32 $0xFFFFE003, lr  }
0x1b: {  	s9 =	sadd.s32 $0xFFFFFEF7, lr;
	s5 =	simm.s32 $0xFFFFFFFF;
	p2 =	slt.u32 s8, $0xFFFFF086  }
0x1c: {  	p1 =	slt.u32 s9, $0xF7A;
	s5 =	simm.s32 @!p2 $0x0  }
0x1d: {  	s5 =	simm.s32 @p1 $0x1;
	p0 =	seq.s32 s7, s2  }
0x1e: {  	s7 =	smul.u32 @!p0 $0xF7A, s2;
	p2 =	seq.s32 @!p0 s5, $0x0  }
0x1f: {  	s9 =	smul.u32 $0xF7A, s1;
	s8 =	simm.s32 @!p0 $0x1BF5;
	p2 =	por !p2, p0  }
0x20: {  	[sflag:s8] =	ssyncset.s32 @!p0 $0xFFFFF086;
	s6 =	sadd.s32 @!p0 s3, s7;
	s7 =	simm.s32 @!p0 $0x108  }
0x21: {  	s3 =	sadd.s32 s3, s9;
	s6 =	sadd.s32 @!p0 $0x88, s6;
	s7 =	simm.s32 @p2 $0x1082  }
0x22: {  	[simem:s7], [sflag:s8] =	dma.local @!p0 [hbm:s6], $0xF7A  }
0x23: {  	s9 =	sor.u32 $0xD0000000, s2;
	s6 =	simm.s32 $0x108;
	_ =	swait.ge @!p0 [sflag:s8], $0x0  }
0x24: {  	s3 =	sadd.s32 $0x88, s3;
	s6 =	simm.s32 @!p1 $0x1082;
	[sflag:s4] =	ssyncset.s32 $0xFFFFF086  }
0x25: {  	[simem:s6], [sflag:s4] =	dma.local [hbm:s3], $0xF7A  }
0x26: {  	[smem:$0x3F92] =	sst s1;
	(tag) =	ssettag s2;
	_ =	strace s9  }
0x27: {  	s1 =	sld [smem:$0x3FA2]  }
0x28: {  	s2 =	sld [smem:$0x3FA3]  }
0x29: {  	s4 =	sld [smem:$0x3FA5]  }
0x2a: {  	p0 =	seq.s32 s5, $0x0;
	s5 =	sld [smem:$0x3FA6]  }
0x2b: {  	s6 =	sld [smem:$0x3FA7]  }
0x2c: {  	s7 =	sld [smem:$0x3FA8]  }
0x2d: {  	s3 =	simm.s32 $0x108;
	s8 =	sld [smem:$0x3FA9]  }
0x2e: {  	s3 =	simm.s32 @!p0 $0x1082;
	s9 =	sld [smem:$0x3FAA]  }
0x2f: {  	lr =	sadd.s32 s0, s3;
	s0 =	sld [smem:$0x3FA1]  }
0x30: {  	s3 =	sld [smem:$0x3FA4]  }
0x31: {  	[smem:$0x3FAD] =	sst s10  }
0x32: {  	s10 =	sld [smem:$0x3FAB];
	_ =	sdelay $0x3  }
0x33: {  	p0 =	seq.s32 s10, $0x1;
	s10 =	sld [smem:$0x3FAD];
	_ =	sdelay $0x3  }
0x34: {  	[smem:$0x3FAD] =	sst s10  }
0x35: {  	s10 =	sld [smem:$0x3FAC];
	_ =	sdelay $0x3  }
0x36: {  	p1 =	seq.s32 s10, $0x1;
	s10 =	sld [smem:$0x3FAD];
	_ =	sdelay $0x3  }
0x37: {  	[smem:$0x3FAD] =	sst s10  }
0x38: {  	s10 =	sld [smem:$0x3FAE]  }
0x39: {  	_ = 	snop;
	(pc) =	sbr.ind lr, $3  }
0x3a: {  	_ = 	snop  }
0x3b: {  	_ = 	snop  }
0x3c: {  	p2 =	seq.s32 s10, $0x1;
	s10 =	sld [smem:$0x3FAD]  }
0x3d: {  	_ =	shalt  }
0x3e: {  	_ =	shalt  }
0x3f: {  	_ =	shalt  }
0x40: {  	_ =	shalt  }
0x41: {  	_ =	shalt  }
0x42: {  	_ =	shalt  }
0x43: {  	_ =	shalt  }
0x44: {  	_ =	shalt  }
0x45: {  	_ =	shalt  }
0x46: {  	_ =	shalt  }
0x47: {  	_ =	shalt  }
0x48: {  	_ =	shalt  }
0x49: {  	_ =	shalt  }
0x4a: {  	_ =	shalt  }
0x4b: {  	_ =	shalt  }
0x4c: {  	_ =	shalt  }
0x4d: {  	_ =	shalt  }
0x4e: {  	_ =	shalt  }
0x4f: {  	_ =	shalt  }
0x50: {  	_ =	shalt  }
0x51: {  	_ =	shalt  }
0x52: {  	_ =	shalt  }
0x53: {  	_ =	shalt  }
0x54: {  	_ =	shalt  }
0x55: {  	_ =	shalt  }
0x56: {  	_ =	shalt  }
0x57: {  	_ =	shalt  }
0x58: {  	_ =	shalt  }
0x59: {  	_ =	shalt  }
0x5a: {  	_ =	shalt  }
0x5b: {  	_ =	shalt  }
0x5c: {  	_ =	shalt  }
0x5d: {  	_ =	shalt  }
0x5e: {  	_ =	shalt  }
0x5f: {  	_ =	shalt  }
0x60: {  	_ =	shalt  }
0x61: {  	_ =	shalt  }
0x62: {  	_ =	shalt  }
0x63: {  	_ =	shalt  }
0x64: {  	_ =	shalt  }
0x65: {  	_ =	shalt  }
0x66: {  	_ =	shalt  }
0x67: {  	_ =	shalt  }
0x68: {  	_ =	shalt  }
0x69: {  	_ =	shalt  }
0x6a: {  	_ =	shalt  }
0x6b: {  	_ =	shalt  }
0x6c: {  	_ =	shalt  }
0x6d: {  	_ =	shalt  }
0x6e: {  	_ =	shalt  }
0x6f: {  	_ =	shalt  }
0x70: {  	_ =	shalt  }
0x71: {  	_ =	shalt  }
0x72: {  	_ =	shalt  }
0x73: {  	_ =	shalt  }
0x74: {  	_ =	shalt  }
0x75: {  	_ =	shalt  }
0x76: {  	_ =	shalt  }
0x77: {  	_ =	shalt  }
0x78: {  	_ =	shalt  }
0x79: {  	_ =	shalt  }
0x7a: {  	_ =	shalt  }
0x7b: {  	_ =	shalt  }
0x7c: {  	_ =	shalt  }
0x7d: {  	_ =	shalt  }
0x7e: {  	_ =	shalt  }
0x7f: {  	_ =	shalt  }
0x80: {  	_ =	shalt  }
0x81: {  	_ =	shalt  }
0x82: {  	_ =	shalt  }
0x83: {  	_ =	shalt  }
0x84: {  	_ =	shalt  }
0x85: {  	_ =	shalt  }
0x86: {  	_ =	shalt  }
0x87: {  	_ =	shalt  }
.Lfunc_end0:
.L_simem_size_0:
called_computation.1_lowered:
.L_overlay_start_0:
0x88: {  	s2 =	sld [smem:$0x3FD9]  }
0x89: {  	s3 =	sld [smem:$0x3FFE];
	_ =	sdelay $0x1  }
0x8a: {  	s1 =	srdreg.scid  }
0x8b: {  	s0 =	sand.u32 $0x1, s1  }
0x8c: {  	s16 =	sshll.u32 s0, $0xA;
	s2 =	sadd.s32 s3, s2  }
0x8d: {  	s2 =	sadd.s32 s2, s16  }
0x8e: {  	[smem:$0x3FB9] =	sst s2  }
0x8f: {  	_ = 	snop  }
0x90: {  	(tm) =	ssettm $0x1  }
0x91: {  	s17 =	sld [smem:$0x3FFB];
	_ =	sdelay $0x3  }
0x92: {  	_ =	strace s17  }
0x93: {  	s2 =	sld [smem:$0x3FFC];
	_ =	sdelay $0x3  }
0x94: {  	_ =	strace s2  }
0x95: {  	s2 =	sld [smem:$0x3FFD];
	_ =	sdelay $0x3  }
0x96: {  	_ =	strace s2  }
0x97: {  	_ =	strace $0x8FFFFFFF  }
0x98: {  	s18 =	sld [smem:$0x3FDB];
	_ =	sdelay $0x1  }
0x99: {  	s19 =	simm.s32 $_scs_section_size  }
0x9a: {  	s4 =	simm.s32 $_size__tile_overlayer_lowered;
	s5 =	simm.s32 $_tile_overlayer_lowered  }
0x9b: {  	s22 =	simm.s32 $0x1BFF;
	s21 =	sshll.u32 s5, $0x1;
	s2 =	sadd.s32 s19, s18  }
0x9c: {  	s6 =	simm.s32 $0x0;
	s20 =	sshll.u32 s4, $0x1;
	s4 =	sadd.s32 s21, s2  }
0x9d: {  	[timem:s6], [sflag:s22] =	dma.local [hbm:s4], s20  }
0x9e: {  	_ =	swait.ge [sflag:s22], s20  }
0x9f: {  	s3 =	ssub.s32 $0x0, s20;
	[sflag:s22] =	ssyncset.done $0x0  }
0xa0: {  	[sflag:s22] =	ssyncadd.s32 s3;
	_ =	sdelay $0x1  }
0xa1: {  	s23 =	simm.s32 $0x1B8B  }
0xa2: {  	_ =	swait.ge [sflag:s23], $0x1  }
0xa3: {  	[sflag:s23] =	ssyncset.done $0x0  }
0xa4: {  	s25 =	simm.s32 $0x1B8E;
	s24 =	sld [smem:$0x3FFE];
	[sflag:s23] =	ssyncadd.s32 $0xFFFFFFFF  }
0xa5: {  	s26 =	simm.s32 $execute0_lowered;
	[smem:$0x3FD2] =	sst s25  }
0xa6: {  	s4 =	sshll.u32 s26, $0x1;
	_ =	strace $0x80000049;
	[dreg:$0x1] =	wrdreg $0xFFFFFFFF  }
0xa7: {  	s28 =	simm.s32 $_size_execute0_lowered;
	s2 =	sadd.s32 s2, s4;
	[dreg:$0x0] =	wrdreg $0x0  }
0xa8: {  	s4 =	sshll.u32 s28, $0x1;
	[dreg:$0x2] =	wrdreg s2  }
0xa9: {  	[dreg:$0x3] =	wrdreg s4  }
0xaa: {  	[dreg:$0x4] =	wrdreg $0xC0  }
0xab: {  	_ =	task [dreg:s6], $0x5FFFF  }
0xac: {  	[dreg:$0x1] =	wrdreg $0xFFFFFFFF  }
0xad: {  	[dreg:$0x0] =	wrdreg $0x60  }
0xae: {  	[dreg:$0x2] =	wrdreg s24  }
0xaf: {  	[dreg:$0x3] =	wrdreg $0x66800  }
0xb0: {  	[dreg:$0x4] =	wrdreg $0x9  }
0xb1: {  	_ =	task.clear_ibuf [dreg:s6], $0x5FFFF;
	_ =	strace $0x90000049  }
0xb2: {  	s29 =	simm.s32 $0x9;
	_ =	strace $0x8000004B  }
0xb3: {  	_ =	swait.ge [sflag:s29], $0x1  }
0xb4: {  	[sflag:s29] =	ssyncadd.s32 $0xFFFFFFFF  }
0xb5: {  	_ =	strace $0x9000004B  }
0xb6: {  	_ =	sfence  }
0xb7: {  	s30 =	sld [smem:$0x0];
	_ =	sdelay $0x2  }
0xb8: {  	s31 =	sshll.u32 s1, $0xD;
	s1 =	sshrl.u32 s1, $0x2  }
0xb9: {  	s3 =	sand.u32 $0x4000, s31;
	s1 =	sadd.s32 s1, s30  }
0xba: {  	s0 =	sor.u32 s3, s0;
	s1 =	sshll.u32 s1, $0x11  }
0xbb: {  	s0 =	sor.u32 s1, s0  }
0xbc: {  	s0 =	sadd.s32 $0x8F2B, s0  }
0xbd: {  	[sflag:s0] =	ssyncadd.remote.s32 $0x1  }
0xbe: {  	_ =	sfence.sel $0xFFFF  }
0xbf: {  	[dreg:$0x0] =	wrdreg $0xFFFFFFFF;
	(pc) =	sbr.abs _section_cstart, $3  }
0xc0: {  	[dreg:$0x1] =	wrdreg $0xFFFFFFFF  }
0xc1: {  	_ =	task.clear_ibuf [dreg:s6], $0x2FFFF;
	_ =	strace $0x9FFFFFFF  }
0xc2: {  	(tm) =	ssettm $0x7FFFFFFF  }
0xc3: {  	_ =	shalt  }
tec
execute0_lowered:
.L_overlay_start_1:
0x0: {  	(tag) =	ssettag $0x1  }
0x1: {  	s0 =	rddreg [dreg:$0x0]  }
0x2: {  	s1 =	rddreg [dreg:$0x1];
	s2 =	simm.s32 $0x0;
	s3 =	srdreg.scid  }
0x3: {  	s12 =	stileid.u32;
	s14 =	simm.s32 $0x5;
	s15 =	simm.s32 $0x1400  }
0x4: {  	s16 =	simm.s32 $0x7D;
	s17 =	simm.s32 $0x2800;
	s18 =	simm.s32 $0x80  }
0x5: {  	s19 =	simm.s32 $0x37A0;
	s20 =	simm.s32 $0x100;
	s21 =	simm.s32 $0x4740  }
0x6: {  	s22 =	simm.s32 $0x180;
	s23 =	simm.s32 $0x56E0;
	s28 =	simm.s32 $0x2  }
0x7: {  	s29 =	simm.s32 $0x3;
	s30 =	simm.s32 $0x4;
	s31 =	simm.s32 $0x2600  }
0x8: {  	[smem:$0x7FF] =	sst s2;
	s3 =	sand.u32 $0x1, s3;
	s4 =	sadd.s32 $0x4600, s0  }
0x9: {  	s6 =	smul.u32 $0x5000, s12;
	s7 =	sadd.s32 $0xE600, s0;
	s25 =	sshll.u32 s12, $0x6  }
0xa: {  	s8 =	smul.u32 $0x50, s12;
	s9 =	sadd.s32 $0x9600, s0;
	p0 =	seq.s32 s12, $0xF  }
0xb: {  	_ =	strace $0x8000004A;
	s5 =	smul.u32 $0x9C40, s3;
	s3 =	ssub.s32 $0x2, s3  }
0xc: {  	[dreg:$0x3] =	wrdreg s7;
	s7 =	sor.u32 $0x1C05, s25;
	s24 =	sshrl.u32 s3, $0x1  }
0xd: {  	s13 =	sadd.s32 s6, s1;
	s5 =	sadd.s32 s5, s0;
	s3 =	ssub.s32 s3, s24  }
0xe: {  	s0 =	sshrl.u32 s6, $0x3;
	[dreg:$0x4] =	wrdreg s13;
	s26 =	sshrl.u32 s13, $0x3  }
0xf: {  	s10 =	sadd.s32 $0xF000, s5;
	s11 =	sadd.s32 $0x22A00, s5;
	s5 =	sadd.s32 $0x4B000, s1  }
0x10: {  	s3 =	smax.u32 s3, $0x1;
	[dreg:$0x6] =	wrdreg s26;
	s26 =	simm.s32 $0x1  }
0x11: {  	[dreg:$0x5] =	wrdreg s3;
	s24 =	sshrl.u32 @p0 s5, $0x3;
	s25 =	sadd.s32 @!p0 s0, s11  }
0x12: {  	s0 =	simm.s32 $0x2680;
	s3 =	simm.s32 $0x2700;
	s5 =	simm.s32 $0x2780  }
.LBB2_1:
0x13: {  	s6 =	rddreg [dreg:$0x3]  }
0x14: {  	s12 =	rddreg [dreg:$0x6]  }
0x15: {  	[spmem:s12], [sflag:s7] =	dma.local [hbm:s6], $0xA00  }
0x16: {  	_ =	swait.ge [sflag:s14], $0xA00  }
0x17: {  	[sflag:s14] =	ssyncset.done $0x0  }
0x18: {  	[sflag:s14] =	ssyncadd.s32 $0xFFFFF600  }
0x19: {  	p2 =	por $0x1, $0x1;
	s6 =	simm.s32 $0x0;
	[bflag:$0x0] =	sbarrier.arrive $0xFFFF  }
.LBB2_2:
0x1a: {  	s6 =	sadd.s32 s8, s6  }
0x1b: {  	s6 =	sshll.u32 s6, $0x4  }
0x1c: {  	s13 =	simm.s32 $0x0;
	s12 =	sadd.s32 s4, s6  }
0x1d: {  	[tilespmem:s13], [sflag:$0x5] =	stream.linear.gather [hbm4b:s12+s13], $0x1400, $0x38;
	[tilespmem:$0xB680] =	vst v63  }
0x1e: {  	_ =	swait.ge [sflag:s14], $0x1400  }
0x1f: {  	[sflag:s14] =	ssyncset.done $0x0  }
0x20: {  	s6 =	sadd.s32 s6, s9;
	[sflag:s14] =	ssyncadd.s32 $0xFFFFEC00  }
0x21: {  	[tilespmem:s15], [sflag:$0x5] =	stream.linear.gather [hbm4b:s6+s13], $0x1400, $0x38;
	[tilespmem:$0xB680] =	vst v63  }
0x22: {  	_ =	swait.ge [sflag:s14], $0x1400  }
0x23: {  	[sflag:s14] =	ssyncset.done $0x0  }
0x24: {  	[sflag:s14] =	ssyncadd.s32 $0xFFFFEC00  }
0x25: {  	[tilespmem:s17], [sflag:$0x1] =	stream.indirect.gather [hbm4b:s10+s16], $0x20, s13, s16, $0xb8;
	[tilespmem:$0xB680] =	vst v63  }
0x26: {  	_ = 	snop  }
0x27: {  	[tilespmem:s19], [sflag:$0x2] =	stream.indirect.gather [hbm4b:s10+s16], $0x20, s18, s16, $0xb8;
	[tilespmem:$0xB680] =	vst v63  }
0x28: {  	_ = 	snop  }
0x29: {  	[tilespmem:s21], [sflag:$0x3] =	stream.indirect.gather [hbm4b:s10+s16], $0x20, s20, s16, $0xb8;
	[tilespmem:$0xB680] =	vst v63  }
0x2a: {  	_ = 	snop  }
0x2b: {  	[tilespmem:s23], [sflag:$0x4] =	stream.indirect.gather [hbm4b:s10+s16], $0x20, s22, s16, $0xb8;
	[tilespmem:$0xB680] =	vst v63  }
0x2c: {  	_ =	swait.ge [sflag:s26], $0xFA0  }
0x2d: {  	[sflag:s26] =	ssyncset.done $0x0  }
0x2e: {  	s13 =	simm.s32 $0x1400;
	[sflag:s26] =	ssyncadd.s32 $0xFFFFF060  }
0x2f: {  	[spmem:s1] =	stream.indirect.scatter.add.f32 [tilespmem:s17], [sflag:$0x5], $0x20, s13, s16, $0xb8;
	[tilespmem:$0xB680] =	vst v63  }
0x30: {  	_ =	swait.ge [sflag:s14], $0xFA0  }
0x31: {  	[sflag:s14] =	ssyncset.done $0x0  }
0x32: {  	s12 =	simm.s32 $0x200;
	[sflag:s14] =	ssyncadd.s32 $0xFFFFF060  }
0x33: {  	[tilespmem:s17], [sflag:$0x1] =	stream.indirect.gather [hbm4b:s10+s16], $0x20, s12, s16, $0xb8;
	[tilespmem:$0xB680] =	vst v63  }
0x34: {  	_ =	swait.ge [sflag:s28], $0xFA0  }
0x35: {  	[sflag:s28] =	ssyncset.done $0x0  }
0x36: {  	s13 =	simm.s32 $0x1480;
	[sflag:s28] =	ssyncadd.s32 $0xFFFFF060  }
0x37: {  	[spmem:s1] =	stream.indirect.scatter.add.f32 [tilespmem:s19], [sflag:$0x5], $0x20, s13, s16, $0xb8;
	[tilespmem:$0xB680] =	vst v63  }
0x38: {  	_ =	swait.ge [sflag:s14], $0xFA0  }
0x39: {  	[sflag:s14] =	ssyncset.done $0x0  }
0x3a: {  	s12 =	simm.s32 $0x280;
	[sflag:s14] =	ssyncadd.s32 $0xFFFFF060  }
0x3b: {  	[tilespmem:s19], [sflag:$0x2] =	stream.indirect.gather [hbm4b:s10+s16], $0x20, s12, s16, $0xb8;
	[tilespmem:$0xB680] =	vst v63  }
0x3c: {  	_ =	swait.ge [sflag:s29], $0xFA0  }
0x3d: {  	[sflag:s29] =	ssyncset.done $0x0  }
0x3e: {  	s13 =	simm.s32 $0x1500;
	[sflag:s29] =	ssyncadd.s32 $0xFFFFF060  }
0x3f: {  	[spmem:s1] =	stream.indirect.scatter.add.f32 [tilespmem:s21], [sflag:$0x5], $0x20, s13, s16, $0xb8;
	[tilespmem:$0xB680] =	vst v63  }
0x40: {  	_ =	swait.ge [sflag:s14], $0xFA0  }
0x41: {  	[sflag:s14] =	ssyncset.done $0x0  }
0x42: {  	s12 =	simm.s32 $0x300;
	[sflag:s14] =	ssyncadd.s32 $0xFFFFF060  }
0x43: {  	[tilespmem:s21], [sflag:$0x3] =	stream.indirect.gather [hbm4b:s10+s16], $0x20, s12, s16, $0xb8;
	[tilespmem:$0xB680] =	vst v63  }
0x44: {  	_ =	swait.ge [sflag:s30], $0xFA0  }
0x45: {  	[sflag:s30] =	ssyncset.done $0x0  }
0x46: {  	s13 =	simm.s32 $0x1580;
	[sflag:s30] =	ssyncadd.s32 $0xFFFFF060  }
0x47: {  	[spmem:s1] =	stream.indirect.scatter.add.f32 [tilespmem:s23], [sflag:$0x5], $0x20, s13, s16, $0xb8;
	[tilespmem:$0xB680] =	vst v63  }
0x48: {  	_ =	swait.ge [sflag:s14], $0xFA0  }
0x49: {  	p1 =	por p2, p2;
	[sflag:s14] =	ssyncset.done $0x0  }
0x4a: {  	s6 =	simm.s32 $0x800;
	s12 =	simm.s32 $0x380;
	[sflag:s14] =	ssyncadd.s32 $0xFFFFF060  }
.LBB2_3:
0x4b: {  	[tilespmem:s23], [sflag:$0x4] =	stream.indirect.gather [hbm4b:s10+s16], $0x20, s12, s16, $0xb8;
	[tilespmem:$0xB680] =	vst v63  }
0x4c: {  	s12 =	smov.u32 s6  }
0x4d: {  	p2 =	sne.s32 s6, $0x4000;
	s6 =	sadd.s32 $0x800, s6;
	_ =	swait.ge [sflag:s26], $0xFA0  }
0x4e: {  	s12 =	sshra.s32 s12, $0x2;
	[sflag:s26] =	ssyncset.done $0x0  }
0x4f: {  	s13 =	sadd.s32 $0x1400, s12;
	[sflag:s26] =	ssyncadd.s32 $0xFFFFF060  }
0x50: {  	[spmem:s1] =	stream.indirect.scatter.add.f32 [tilespmem:s17], [sflag:$0x5], $0x20, s13, s16, $0xb8;
	[tilespmem:$0xB680] =	vst v63  }
0x51: {  	_ =	swait.ge [sflag:s14], $0xFA0  }
0x52: {  	[sflag:s14] =	ssyncset.done $0x0  }
0x53: {  	s13 =	sadd.s32 $0x200, s12;
	[sflag:s14] =	ssyncadd.s32 $0xFFFFF060  }
0x54: {  	[tilespmem:s17], [sflag:$0x1] =	stream.indirect.gather [hbm4b:s10+s16], $0x20, s13, s16, $0xb8;
	[tilespmem:$0xB680] =	vst v63  }
0x55: {  	_ =	swait.ge [sflag:s28], $0xFA0  }
0x56: {  	[sflag:s28] =	ssyncset.done $0x0  }
0x57: {  	s13 =	sadd.s32 $0x1480, s12;
	[sflag:s28] =	ssyncadd.s32 $0xFFFFF060  }
0x58: {  	[spmem:s1] =	stream.indirect.scatter.add.f32 [tilespmem:s19], [sflag:$0x5], $0x20, s13, s16, $0xb8;
	[tilespmem:$0xB680] =	vst v63  }
0x59: {  	_ =	swait.ge [sflag:s14], $0xFA0  }
0x5a: {  	[sflag:s14] =	ssyncset.done $0x0  }
0x5b: {  	s13 =	sadd.s32 $0x280, s12;
	[sflag:s14] =	ssyncadd.s32 $0xFFFFF060  }
0x5c: {  	[tilespmem:s19], [sflag:$0x2] =	stream.indirect.gather [hbm4b:s10+s16], $0x20, s13, s16, $0xb8;
	[tilespmem:$0xB680] =	vst v63  }
0x5d: {  	_ =	swait.ge [sflag:s29], $0xFA0  }
0x5e: {  	[sflag:s29] =	ssyncset.done $0x0  }
0x5f: {  	s13 =	sadd.s32 $0x1500, s12;
	[sflag:s29] =	ssyncadd.s32 $0xFFFFF060  }
0x60: {  	[spmem:s1] =	stream.indirect.scatter.add.f32 [tilespmem:s21], [sflag:$0x5], $0x20, s13, s16, $0xb8;
	[tilespmem:$0xB680] =	vst v63  }
0x61: {  	_ =	swait.ge [sflag:s14], $0xFA0  }
0x62: {  	[sflag:s14] =	ssyncset.done $0x0  }
0x63: {  	s13 =	sadd.s32 $0x300, s12;
	[sflag:s14] =	ssyncadd.s32 $0xFFFFF060  }
0x64: {  	[tilespmem:s21], [sflag:$0x3] =	stream.indirect.gather [hbm4b:s10+s16], $0x20, s13, s16, $0xb8;
	[tilespmem:$0xB680] =	vst v63  }
0x65: {  	_ =	swait.ge [sflag:s30], $0xFA0  }
0x66: {  	[sflag:s30] =	ssyncset.done $0x0  }
.Ltmp0:
0x67: {  	s13 =	sadd.s32 $0x1580, s12;
	[sflag:s30] =	ssyncadd.s32 $0xFFFFF060;
	(pc) =	sbr.rel @p2 .LBB2_3-.Ltmp0, $4  }
0x68: {  	[spmem:s1] =	stream.indirect.scatter.add.f32 [tilespmem:s23], [sflag:$0x5], $0x20, s13, s16, $0xb8;
	[tilespmem:$0xB680] =	vst v63  }
0x69: {  	_ =	swait.ge [sflag:s14], $0xFA0  }
0x6a: {  	[sflag:s14] =	ssyncset.done $0x0  }
0x6b: {  	s12 =	sadd.s32 $0x380, s12;
	[sflag:s14] =	ssyncadd.s32 $0xFFFFF060  }
0x6c: {  	[tilespmem:s23], [sflag:$0x4] =	stream.indirect.gather [hbm4b:s10+s16], $0x20, s12, s16, $0xb8;
	[tilespmem:$0xB680] =	vst v63  }
0x6d: {  	_ =	swait.ge [sflag:s26], $0xFA0  }
0x6e: {  	[sflag:s26] =	ssyncset.done $0x0  }
0x6f: {  	[sflag:s26] =	ssyncadd.s32 $0xFFFFF060  }
0x70: {  	[spmem:s1] =	stream.indirect.scatter.add.f32 [tilespmem:s17], [sflag:$0x5], $0x20, s31, s16, $0xb8;
	[tilespmem:$0xB680] =	vst v63  }
0x71: {  	_ =	swait.ge [sflag:s14], $0xFA0  }
0x72: {  	[sflag:s14] =	ssyncset.done $0x0  }
0x73: {  	[sflag:s14] =	ssyncadd.s32 $0xFFFFF060  }
0x74: {  	_ =	swait.ge [sflag:s28], $0xFA0  }
0x75: {  	[sflag:s28] =	ssyncset.done $0x0  }
0x76: {  	[sflag:s28] =	ssyncadd.s32 $0xFFFFF060  }
0x77: {  	[spmem:s1] =	stream.indirect.scatter.add.f32 [tilespmem:s19], [sflag:$0x5], $0x20, s0, s16, $0xb8;
	[tilespmem:$0xB680] =	vst v63  }
0x78: {  	_ =	swait.ge [sflag:s14], $0xFA0  }
0x79: {  	[sflag:s14] =	ssyncset.done $0x0  }
0x7a: {  	[sflag:s14] =	ssyncadd.s32 $0xFFFFF060  }
0x7b: {  	_ =	swait.ge [sflag:s29], $0xFA0  }
0x7c: {  	[sflag:s29] =	ssyncset.done $0x0  }
0x7d: {  	[sflag:s29] =	ssyncadd.s32 $0xFFFFF060  }
0x7e: {  	[spmem:s1] =	stream.indirect.scatter.add.f32 [tilespmem:s21], [sflag:$0x5], $0x20, s3, s16, $0xb8;
	[tilespmem:$0xB680] =	vst v63  }
0x7f: {  	_ =	swait.ge [sflag:s14], $0xFA0  }
0x80: {  	[sflag:s14] =	ssyncset.done $0x0  }
0x81: {  	[sflag:s14] =	ssyncadd.s32 $0xFFFFF060  }
0x82: {  	_ =	swait.ge [sflag:s30], $0xFA0  }
0x83: {  	[sflag:s30] =	ssyncset.done $0x0  }
.Ltmp1:
0x84: {  	[sflag:s30] =	ssyncadd.s32 $0xFFFFF060;
	(pc) =	sbr.rel @p1 .LBB2_2-.Ltmp1, $4  }
0x85: {  	[spmem:s1] =	stream.indirect.scatter.add.f32 [tilespmem:s23], [sflag:$0x5], $0x20, s5, s16, $0xb8;
	[tilespmem:$0xB680] =	vst v63  }
0x86: {  	_ =	swait.ge [sflag:s14], $0xFA0  }
0x87: {  	[sflag:s14] =	ssyncset.done $0x0  }
0x88: {  	s6 =	simm.s32 $0x28;
	p2 =	por $0x0, $0x0;
	[sflag:s14] =	ssyncadd.s32 $0xFFFFF060  }
0x89: {  	[bflag:$0x0] =	sbarrier.arrive $0xFFFF;
	s6 =	sadd.s32 @p0 $0x9600, s11  }
0x8a: {  	[hbm:s6], [sflag:s7] =	dma.local @p0 [spmem:s24], $0x640  }
0x8b: {  	s6 =	simm.s32 @p0 $0x5  }
0x8c: {  	_ =	swait.ge @p0 [sflag:s6], $0x640  }
0x8d: {  	[sflag:s6] =	ssyncset.done @p0 $0x0  }
0x8e: {  	[sflag:s6] =	ssyncadd.s32 @p0 $0xFFFFF9C0;
	s6 =	rddreg [dreg:$0x4]  }
0x8f: {  	s6 =	sshrl.u32 @!p0 s6, $0x3  }
0x90: {  	[hbm:s25], [sflag:s7] =	dma.local @!p0 [spmem:s6], $0xA00  }
0x91: {  	s6 =	simm.s32 @!p0 $0x5  }
0x92: {  	_ =	swait.ge @!p0 [sflag:s6], $0xA00  }
0x93: {  	s2 =	sadd.s32 $0x1, s2;
	s12 =	rddreg [dreg:$0x5]  }
0x94: {  	p1 =	sne.s32 s2, s12  }
.Ltmp2:
0x95: {  	_ = 	snop;
	(pc) =	sbr.rel @p1 .LBB2_1-.Ltmp2, $3  }
0x96: {  	_ =	sdelay $0x1  }
0x97: {  	[sflag:s6] =	ssyncset.done @!p0 $0x0  }
0x98: {  	[sflag:s6] =	ssyncadd.s32 @!p0 $0xFFFFF600  }
0x99: {  	_ =	sfence.sel $0x180000  }
0x9a: {  	[bflag:$0x0] =	sbarrier.arrive $0xFFFF  }
0x9b: {  	_ =	strace $0x9000004A  }
0x9c: {  	s0 =	stileid.u32;
	[bflag:$0x2] =	sbarrier.arrive $0xFFFF  }
0x9d: {  	p0 =	sne.s32 s0, $0x0;
	s0 =	rddreg [dreg:$0x2]  }
0x9e: {  	s0 =	sadd.s32 @!p0 $0x100000, s0  }
0x9f: {  	[sflag:s0] =	ssyncadd.tile.s32 @!p0 $0x1;
	_ =	shalt  }
.Lfunc_end2:
_tile_overlayer_lowered:
.L_overlay_start_2:
0xa0: {  	(tag) =	ssettag $0x2  }
0xa1: {  	s0 =	rddreg [dreg:$0x0];
	s2 =	stileid.u32  }
0xa2: {  	s1 =	rddreg [dreg:$0x1];
	p0 =	sne.s32 s2, $0x0  }
0xa3: {  	s3 =	rddreg [dreg:$0x2];
	[bflag:$0x3] =	sbarrier.arrive $0xFFFF;
	s2 =	simm.s32 @!p0 $0x1C05  }
0xa4: {  	[timem:s3], [sflag:s2] =	dma.local @!p0 [hbm:s0], s1  }
0xa5: {  	s0 =	simm.s32 @!p0 $0x5  }
0xa6: {  	_ =	swait.ge @!p0 [sflag:s0], s1  }
0xa7: {  	s1 =	ssub.s32 @!p0 $0x0, s1;
	[sflag:s0] =	ssyncset.done @!p0 $0x0  }
0xa8: {  	[sflag:s0] =	ssyncadd.s32 @!p0 s1  }
0xa9: {  	[bflag:$0x3] =	sbarrier.arrive $0xFFFF  }
0xaa: {  	_ =	shalt  }

// kernel: kernel.16.cloned.1.call-start
scs
__scs_entry_jumppad:
0x0: {  	(pc) =	sbr.rel $0x88, $3  }
0x1: {  	(tag) =	ssettag $0x0;
	lr =	simm.s32 $0x1  }
0x2: {  	[smem:$0x3F92] =	sst lr;
	_ =	strace $0xD0000000  }
0x3: {  	_ = 	snop  }
0x4: {  	_ = 	snop  }
0x5: {  	_ = 	snop  }
0x6: {  	_ = 	snop  }
0x7: {  	_ = 	snop  }
__scs_overlays_trampoline_lowered:
0x8: {  	[smem:$0x3FA1] =	sst s0  }
0x9: {  	[smem:$0x3FA2] =	sst s1  }
0xa: {  	[smem:$0x3FA3] =	sst s2  }
0xb: {  	[smem:$0x3FA4] =	sst s3  }
0xc: {  	[smem:$0x3FA5] =	sst s4  }
0xd: {  	[smem:$0x3FA6] =	sst s5  }
0xe: {  	[smem:$0x3FA7] =	sst s6  }
0xf: {  	[smem:$0x3FA8] =	sst s7  }
0x10: {  	[smem:$0x3FA9] =	sst s8  }
0x11: {  	[smem:$0x3FAA] =	sst s9;
	s0 =	simm.s32 @!p0 $0x0  }
0x12: {  	s1 =	sld [smem:$0x3F90];
	s0 =	simm.s32 @p0 $0x1  }
0x13: {  	[smem:$0x3FAB] =	sst s0;
	s0 =	simm.s32 @!p1 $0x0  }
0x14: {  	s2 =	sld [smem:$0x3F8F];
	s0 =	simm.s32 @p1 $0x1  }
0x15: {  	[smem:$0x3FAC] =	sst s0;
	s0 =	simm.s32 @!p2 $0x0  }
0x16: {  	s3 =	sld [smem:$0x3FDB];
	s0 =	simm.s32 @p2 $0x1  }
0x17: {  	s4 =	simm.s32 $0x1BF5;
	[smem:$0x3FAE] =	sst s0  }
0x18: {  	s0 =	sld [smem:$0x3F91];
	_ =	swait.ge [sflag:s4], $0x0  }
0x19: {  	s7 =	sld [smem:$0x3F92]  }
0x1a: {  	s8 =	sadd.s32 $0xFFFFE003, lr  }
0x1b: {  	s9 =	sadd.s32 $0xFFFFFEF7, lr;
	s5 =	simm.s32 $0xFFFFFFFF;
	p2 =	slt.u32 s8, $0xFFFFF086  }
0x1c: {  	p1 =	slt.u32 s9, $0xF7A;
	s5 =	simm.s32 @!p2 $0x0  }
0x1d: {  	s5 =	simm.s32 @p1 $0x1;
	p0 =	seq.s32 s7, s2  }
0x1e: {  	s7 =	smul.u32 @!p0 $0xF7A, s2;
	p2 =	seq.s32 @!p0 s5, $0x0  }
0x1f: {  	s9 =	smul.u32 $0xF7A, s1;
	s8 =	simm.s32 @!p0 $0x1BF5;
	p2 =	por !p2, p0  }
0x20: {  	[sflag:s8] =	ssyncset.s32 @!p0 $0xFFFFF086;
	s6 =	sadd.s32 @!p0 s3, s7;
	s7 =	simm.s32 @!p0 $0x108  }
0x21: {  	s3 =	sadd.s32 s3, s9;
	s6 =	sadd.s32 @!p0 $0x88, s6;
	s7 =	simm.s32 @p2 $0x1082  }
0x22: {  	[simem:s7], [sflag:s8] =	dma.local @!p0 [hbm:s6], $0xF7A  }
0x23: {  	s9 =	sor.u32 $0xD0000000, s2;
	s6 =	simm.s32 $0x108;
	_ =	swait.ge @!p0 [sflag:s8], $0x0  }
0x24: {  	s3 =	sadd.s32 $0x88, s3;
	s6 =	simm.s32 @!p1 $0x1082;
	[sflag:s4] =	ssyncset.s32 $0xFFFFF086  }
0x25: {  	[simem:s6], [sflag:s4] =	dma.local [hbm:s3], $0xF7A  }
0x26: {  	[smem:$0x3F92] =	sst s1;
	(tag) =	ssettag s2;
	_ =	strace s9  }
0x27: {  	s1 =	sld [smem:$0x3FA2]  }
0x28: {  	s2 =	sld [smem:$0x3FA3]  }
0x29: {  	s4 =	sld [smem:$0x3FA5]  }
0x2a: {  	p0 =	seq.s32 s5, $0x0;
	s5 =	sld [smem:$0x3FA6]  }
0x2b: {  	s6 =	sld [smem:$0x3FA7]  }
0x2c: {  	s7 =	sld [smem:$0x3FA8]  }
0x2d: {  	s3 =	simm.s32 $0x108;
	s8 =	sld [smem:$0x3FA9]  }
0x2e: {  	s3 =	simm.s32 @!p0 $0x1082;
	s9 =	sld [smem:$0x3FAA]  }
0x2f: {  	lr =	sadd.s32 s0, s3;
	s0 =	sld [smem:$0x3FA1]  }
0x30: {  	s3 =	sld [smem:$0x3FA4]  }
0x31: {  	[smem:$0x3FAD] =	sst s10  }
0x32: {  	s10 =	sld [smem:$0x3FAB];
	_ =	sdelay $0x3  }
0x33: {  	p0 =	seq.s32 s10, $0x1;
	s10 =	sld [smem:$0x3FAD];
	_ =	sdelay $0x3  }
0x34: {  	[smem:$0x3FAD] =	sst s10  }
0x35: {  	s10 =	sld [smem:$0x3FAC];
	_ =	sdelay $0x3  }
0x36: {  	p1 =	seq.s32 s10, $0x1;
	s10 =	sld [smem:$0x3FAD];
	_ =	sdelay $0x3  }
0x37: {  	[smem:$0x3FAD] =	sst s10  }
0x38: {  	s10 =	sld [smem:$0x3FAE]  }
0x39: {  	_ = 	snop;
	(pc) =	sbr.ind lr, $3  }
0x3a: {  	_ = 	snop  }
0x3b: {  	_ = 	snop  }
0x3c: {  	p2 =	seq.s32 s10, $0x1;
	s10 =	sld [smem:$0x3FAD]  }
0x3d: {  	_ =	shalt  }
0x3e: {  	_ =	shalt  }
0x3f: {  	_ =	shalt  }
0x40: {  	_ =	shalt  }
0x41: {  	_ =	shalt  }
0x42: {  	_ =	shalt  }
0x43: {  	_ =	shalt  }
0x44: {  	_ =	shalt  }
0x45: {  	_ =	shalt  }
0x46: {  	_ =	shalt  }
0x47: {  	_ =	shalt  }
0x48: {  	_ =	shalt  }
0x49: {  	_ =	shalt  }
0x4a: {  	_ =	shalt  }
0x4b: {  	_ =	shalt  }
0x4c: {  	_ =	shalt  }
0x4d: {  	_ =	shalt  }
0x4e: {  	_ =	shalt  }
0x4f: {  	_ =	shalt  }
0x50: {  	_ =	shalt  }
0x51: {  	_ =	shalt  }
0x52: {  	_ =	shalt  }
0x53: {  	_ =	shalt  }
0x54: {  	_ =	shalt  }
0x55: {  	_ =	shalt  }
0x56: {  	_ =	shalt  }
0x57: {  	_ =	shalt  }
0x58: {  	_ =	shalt  }
0x59: {  	_ =	shalt  }
0x5a: {  	_ =	shalt  }
0x5b: {  	_ =	shalt  }
0x5c: {  	_ =	shalt  }
0x5d: {  	_ =	shalt  }
0x5e: {  	_ =	shalt  }
0x5f: {  	_ =	shalt  }
0x60: {  	_ =	shalt  }
0x61: {  	_ =	shalt  }
0x62: {  	_ =	shalt  }
0x63: {  	_ =	shalt  }
0x64: {  	_ =	shalt  }
0x65: {  	_ =	shalt  }
0x66: {  	_ =	shalt  }
0x67: {  	_ =	shalt  }
0x68: {  	_ =	shalt  }
0x69: {  	_ =	shalt  }
0x6a: {  	_ =	shalt  }
0x6b: {  	_ =	shalt  }
0x6c: {  	_ =	shalt  }
0x6d: {  	_ =	shalt  }
0x6e: {  	_ =	shalt  }
0x6f: {  	_ =	shalt  }
0x70: {  	_ =	shalt  }
0x71: {  	_ =	shalt  }
0x72: {  	_ =	shalt  }
0x73: {  	_ =	shalt  }
0x74: {  	_ =	shalt  }
0x75: {  	_ =	shalt  }
0x76: {  	_ =	shalt  }
0x77: {  	_ =	shalt  }
0x78: {  	_ =	shalt  }
0x79: {  	_ =	shalt  }
0x7a: {  	_ =	shalt  }
0x7b: {  	_ =	shalt  }
0x7c: {  	_ =	shalt  }
0x7d: {  	_ =	shalt  }
0x7e: {  	_ =	shalt  }
0x7f: {  	_ =	shalt  }
0x80: {  	_ =	shalt  }
0x81: {  	_ =	shalt  }
0x82: {  	_ =	shalt  }
0x83: {  	_ =	shalt  }
0x84: {  	_ =	shalt  }
0x85: {  	_ =	shalt  }
0x86: {  	_ =	shalt  }
0x87: {  	_ =	shalt  }
.Lfunc_end0:
.L_simem_size_0:
called_computation.2_lowered:
.L_overlay_start_0:
0x88: {  	s2 =	sld [smem:$0x3FD9]  }
0x89: {  	s3 =	sld [smem:$0x3FFE];
	_ =	sdelay $0x1  }
0x8a: {  	s1 =	srdreg.scid  }
0x8b: {  	s0 =	sand.u32 $0x1, s1  }
0x8c: {  	s16 =	sshll.u32 s0, $0xA;
	s2 =	sadd.s32 s3, s2  }
0x8d: {  	s2 =	sadd.s32 s2, s16  }
0x8e: {  	[smem:$0x3FB9] =	sst s2  }
0x8f: {  	_ = 	snop  }
0x90: {  	(tm) =	ssettm $0x1  }
0x91: {  	s17 =	sld [smem:$0x3FFB];
	_ =	sdelay $0x3  }
0x92: {  	_ =	strace s17  }
0x93: {  	s2 =	sld [smem:$0x3FFC];
	_ =	sdelay $0x3  }
0x94: {  	_ =	strace s2  }
0x95: {  	s2 =	sld [smem:$0x3FFD];
	_ =	sdelay $0x3  }
0x96: {  	_ =	strace s2  }
0x97: {  	_ =	strace $0x8FFFFFFF  }
0x98: {  	s18 =	sld [smem:$0x3FDB];
	_ =	sdelay $0x1  }
0x99: {  	s19 =	simm.s32 $_scs_section_size  }
0x9a: {  	s4 =	simm.s32 $_size__tile_overlayer_lowered;
	s5 =	simm.s32 $_tile_overlayer_lowered  }
0x9b: {  	s22 =	simm.s32 $0x1BFF;
	s21 =	sshll.u32 s5, $0x1;
	s2 =	sadd.s32 s19, s18  }
0x9c: {  	s6 =	simm.s32 $0x0;
	s20 =	sshll.u32 s4, $0x1;
	s4 =	sadd.s32 s21, s2  }
0x9d: {  	[timem:s6], [sflag:s22] =	dma.local [hbm:s4], s20  }
0x9e: {  	_ =	swait.ge [sflag:s22], s20  }
0x9f: {  	s3 =	ssub.s32 $0x0, s20;
	[sflag:s22] =	ssyncset.done $0x0  }
0xa0: {  	[sflag:s22] =	ssyncadd.s32 s3;
	_ =	sdelay $0x1  }
0xa1: {  	s23 =	simm.s32 $0x1B8B  }
0xa2: {  	_ =	swait.ge [sflag:s23], $0x1  }
0xa3: {  	[sflag:s23] =	ssyncset.done $0x0  }
0xa4: {  	s25 =	simm.s32 $0x1B8E;
	s24 =	sld [smem:$0x3FFE];
	[sflag:s23] =	ssyncadd.s32 $0xFFFFFFFF  }
0xa5: {  	s26 =	simm.s32 $execute0_lowered;
	[smem:$0x3FD2] =	sst s25  }
0xa6: {  	s4 =	sshll.u32 s26, $0x1;
	_ =	strace $0x8000004C;
	[dreg:$0x1] =	wrdreg $0xFFFFFFFF  }
0xa7: {  	s28 =	simm.s32 $_size_execute0_lowered;
	s2 =	sadd.s32 s2, s4;
	[dreg:$0x0] =	wrdreg $0x0  }
0xa8: {  	s4 =	sshll.u32 s28, $0x1;
	[dreg:$0x2] =	wrdreg s2  }
0xa9: {  	[dreg:$0x3] =	wrdreg s4  }
0xaa: {  	[dreg:$0x4] =	wrdreg $0xC0  }
0xab: {  	_ =	task [dreg:s6], $0x5FFFF  }
0xac: {  	[dreg:$0x1] =	wrdreg $0xFFFFFFFF  }
0xad: {  	[dreg:$0x0] =	wrdreg $0x60  }
0xae: {  	[dreg:$0x2] =	wrdreg s24  }
0xaf: {  	[dreg:$0x3] =	wrdreg $0xA5000  }
0xb0: {  	[dreg:$0x4] =	wrdreg $0x9  }
0xb1: {  	_ =	task.clear_ibuf [dreg:s6], $0x5FFFF;
	_ =	strace $0x9000004C  }
0xb2: {  	s29 =	simm.s32 $0x9;
	_ =	strace $0x8000004E  }
0xb3: {  	_ =	swait.ge [sflag:s29], $0x1  }
0xb4: {  	[sflag:s29] =	ssyncadd.s32 $0xFFFFFFFF  }
0xb5: {  	_ =	strace $0x9000004E  }
0xb6: {  	_ =	sfence  }
0xb7: {  	s30 =	sld [smem:$0x0];
	_ =	sdelay $0x2  }
0xb8: {  	s31 =	sshll.u32 s1, $0xD;
	s1 =	sshrl.u32 s1, $0x2  }
0xb9: {  	s3 =	sand.u32 $0x4000, s31;
	s1 =	sadd.s32 s1, s30  }
0xba: {  	s0 =	sor.u32 s3, s0;
	s1 =	sshll.u32 s1, $0x11  }
0xbb: {  	s0 =	sor.u32 s1, s0  }
0xbc: {  	s0 =	sadd.s32 $0x8F2B, s0  }
0xbd: {  	[sflag:s0] =	ssyncadd.remote.s32 $0x1  }
0xbe: {  	_ =	sfence.sel $0xFFFF  }
0xbf: {  	[dreg:$0x0] =	wrdreg $0xFFFFFFFF;
	(pc) =	sbr.abs _section_cstart, $3  }
0xc0: {  	[dreg:$0x1] =	wrdreg $0xFFFFFFFF  }
0xc1: {  	_ =	task.clear_ibuf [dreg:s6], $0x2FFFF;
	_ =	strace $0x9FFFFFFF  }
0xc2: {  	(tm) =	ssettm $0x7FFFFFFF  }
0xc3: {  	_ =	shalt  }
tec
execute0_lowered:
.L_overlay_start_1:
0x0: {  	(tag) =	ssettag $0x1  }
0x1: {  	s0 =	srdreg.scid;
	s9 =	rddreg [dreg:$0x0]  }
0x2: {  	s2 =	rddreg [dreg:$0x1];
	s3 =	simm.s32 $0x0;
	s15 =	simm.s32 $0x2800  }
0x3: {  	s16 =	simm.s32 $0x80;
	s17 =	simm.s32 $0x6680;
	s18 =	simm.s32 $0x1  }
0x4: {  	s19 =	simm.s32 $0x2;
	s20 =	simm.s32 $0x2700;
	s21 =	simm.s32 $0x2780  }
0x5: {  	s5 =	sand.u32 $0x1, s0;
	s0 =	stileid.u32;
	[smem:$0x7FF] =	sst s3  }
0x6: {  	s14 =	sadd.s32 $0x9600, s9;
	s23 =	sadd.s32 $0x12C000, s2;
	s6 =	smul.u32 $0x27100, s5  }
0x7: {  	s1 =	sshll.u32 s5, $0x4;
	s7 =	ssub.s32 $0x2, s5;
	s10 =	smul.u32 $0x14000, s0  }
0x8: {  	s5 =	sadd.s32 $0x35800, s9;
	s31 =	sshll.u32 s0, $0x6;
	p0 =	seq.s32 s0, $0xF  }
0x9: {  	s4 =	sor.u32 s0, s1;
	s1 =	rddreg [dreg:$0x2];
	_ =	strace $0x8000004D  }
0xa: {  	s30 =	sshrl.u32 s7, $0x1;
	s23 =	sshrl.u32 @p0 s23, $0x3;
	s12 =	smul.u32 $0x280, s4  }
0xb: {  	s4 =	sadd.s32 $0xE600, s9;
	s11 =	sadd.s32 s6, s9;
	s13 =	ssub.s32 s7, s30  }
0xc: {  	s6 =	sadd.s32 s10, s2;
	s7 =	sor.u32 $0x1C03, s31;
	s25 =	sshrl.u32 s10, $0x3  }
0xd: {  	s24 =	sadd.s32 $0x38000, s11;
	s10 =	sshrl.u32 s6, $0x3;
	s11 =	simm.s32 $0x3  }
0xe: {  	s8 =	sadd.s32 s12, s9;
	s9 =	smax.u32 s13, $0x1;
	s12 =	sadd.s32 s12, s14  }
0xf: {  	s13 =	simm.s32 $0x1400;
	s14 =	simm.s32 $0x7D;
	s22 =	sadd.s32 @p0 $0x25800, s24  }
0x10: {  	s24 =	sadd.s32 @!p0 s25, s24;
	s25 =	simm.s32 $0x0;
	s8 =	sadd.s32 $0x4600, s8  }
.LBB2_1:
0x11: {  	[spmem:s10], [sflag:s7] =	dma.local [hbm:s5], $0x2800  }
0x12: {  	_ =	swait.ge [sflag:s11], $0x2800  }
0x13: {  	[sflag:s11] =	ssyncset.done $0x0  }
0x14: {  	[sflag:s11] =	ssyncadd.s32 $0xFFFFD800  }
0x15: {  	[bflag:$0x0] =	sbarrier.arrive $0xFFFF  }
0x16: {  	[tilespmem:s3], [sflag:$0x3] =	stream.linear.gather [hbm4b:s8+s3], $0x1400, $0x38;
	[tilespmem:$0x1E500] =	vst v63  }
0x17: {  	_ =	swait.ge [sflag:s11], $0x1400  }
0x18: {  	[sflag:s11] =	ssyncset.done $0x0  }
0x19: {  	[sflag:s11] =	ssyncadd.s32 $0xFFFFEC00  }
0x1a: {  	[tilespmem:s13], [sflag:$0x3] =	stream.linear.gather [hbm4b:s12+s3], $0x1400, $0x38;
	[tilespmem:$0x1E500] =	vst v63  }
0x1b: {  	_ =	swait.ge [sflag:s11], $0x1400  }
0x1c: {  	[sflag:s11] =	ssyncset.done $0x0  }
0x1d: {  	[sflag:s11] =	ssyncadd.s32 $0xFFFFEC00  }
0x1e: {  	[tilespmem:s15], [sflag:$0x1] =	stream.indirect.gather [hbm4b:s4+s14], $0x80, s3, s14, $0xb8;
	[tilespmem:$0x1E500] =	vst v63  }
0x1f: {  	_ = 	snop  }
0x20: {  	[tilespmem:s17], [sflag:$0x2] =	stream.indirect.gather [hbm4b:s4+s14], $0x80, s16, s14, $0xb8;
	[tilespmem:$0x1E500] =	vst v63  }
0x21: {  	_ =	swait.ge [sflag:s18], $0x3E80  }
0x22: {  	[sflag:s18] =	ssyncset.done $0x0  }
0x23: {  	s26 =	simm.s32 $0x1400;
	[sflag:s18] =	ssyncadd.s32 $0xFFFFC180  }
0x24: {  	[spmem:s2] =	stream.indirect.scatter.add.f32 [tilespmem:s15], [sflag:$0x3], $0x80, s26, s14, $0xb8;
	[tilespmem:$0x1E500] =	vst v63  }
0x25: {  	_ =	swait.ge [sflag:s11], $0x3E80  }
0x26: {  	[sflag:s11] =	ssyncset.done $0x0  }
0x27: {  	s30 =	simm.s32 $0x100;
	[sflag:s11] =	ssyncadd.s32 $0xFFFFC180  }
0x28: {  	[tilespmem:s15], [sflag:$0x1] =	stream.indirect.gather [hbm4b:s4+s14], $0x80, s30, s14, $0xb8;
	[tilespmem:$0x1E500] =	vst v63  }
0x29: {  	_ =	swait.ge [sflag:s19], $0x3E80  }
0x2a: {  	[sflag:s19] =	ssyncset.done $0x0  }
0x2b: {  	s31 =	simm.s32 $0x1480;
	[sflag:s19] =	ssyncadd.s32 $0xFFFFC180  }
0x2c: {  	[spmem:s2] =	stream.indirect.scatter.add.f32 [tilespmem:s17], [sflag:$0x3], $0x80, s31, s14, $0xb8;
	[tilespmem:$0x1E500] =	vst v63  }
0x2d: {  	_ =	swait.ge [sflag:s11], $0x3E80  }
0x2e: {  	[sflag:s11] =	ssyncset.done $0x0  }
0x2f: {  	s28 =	simm.s32 $0x180;
	s26 =	simm.s32 $0x400;
	[sflag:s11] =	ssyncadd.s32 $0xFFFFC180  }
.LBB2_2:
0x30: {  	[tilespmem:s17], [sflag:$0x2] =	stream.indirect.gather [hbm4b:s4+s14], $0x80, s28, s14, $0xb8;
	[tilespmem:$0x1E500] =	vst v63  }
0x31: {  	s28 =	smov.u32 s26  }
0x32: {  	p1 =	sne.s32 s26, $0x4800;
	s26 =	sadd.s32 $0x400, s26;
	_ =	swait.ge [sflag:s18], $0x3E80  }
0x33: {  	s28 =	sshra.s32 s28, $0x2;
	[sflag:s18] =	ssyncset.done $0x0  }
0x34: {  	s29 =	sadd.s32 $0x1400, s28;
	[sflag:s18] =	ssyncadd.s32 $0xFFFFC180  }
0x35: {  	[spmem:s2] =	stream.indirect.scatter.add.f32 [tilespmem:s15], [sflag:$0x3], $0x80, s29, s14, $0xb8;
	[tilespmem:$0x1E500] =	vst v63  }
0x36: {  	_ =	swait.ge [sflag:s11], $0x3E80  }
0x37: {  	[sflag:s11] =	ssyncset.done $0x0  }
0x38: {  	s29 =	sadd.s32 $0x100, s28;
	[sflag:s11] =	ssyncadd.s32 $0xFFFFC180  }
0x39: {  	[tilespmem:s15], [sflag:$0x1] =	stream.indirect.gather [hbm4b:s4+s14], $0x80, s29, s14, $0xb8;
	[tilespmem:$0x1E500] =	vst v63  }
0x3a: {  	_ =	swait.ge [sflag:s19], $0x3E80  }
0x3b: {  	[sflag:s19] =	ssyncset.done $0x0  }
.Ltmp0:
0x3c: {  	s29 =	sadd.s32 $0x1480, s28;
	[sflag:s19] =	ssyncadd.s32 $0xFFFFC180;
	(pc) =	sbr.rel @p1 .LBB2_2-.Ltmp0, $4  }
0x3d: {  	[spmem:s2] =	stream.indirect.scatter.add.f32 [tilespmem:s17], [sflag:$0x3], $0x80, s29, s14, $0xb8;
	[tilespmem:$0x1E500] =	vst v63  }
0x3e: {  	_ =	swait.ge [sflag:s11], $0x3E80  }
0x3f: {  	[sflag:s11] =	ssyncset.done $0x0  }
0x40: {  	s28 =	sadd.s32 $0x180, s28;
	[sflag:s11] =	ssyncadd.s32 $0xFFFFC180  }
0x41: {  	[tilespmem:s17], [sflag:$0x2] =	stream.indirect.gather [hbm4b:s4+s14], $0x80, s28, s14, $0xb8;
	[tilespmem:$0x1E500] =	vst v63  }
0x42: {  	_ =	swait.ge [sflag:s18], $0x3E80  }
0x43: {  	[sflag:s18] =	ssyncset.done $0x0  }
0x44: {  	[sflag:s18] =	ssyncadd.s32 $0xFFFFC180  }
0x45: {  	[spmem:s2] =	stream.indirect.scatter.add.f32 [tilespmem:s15], [sflag:$0x3], $0x80, s20, s14, $0xb8;
	[tilespmem:$0x1E500] =	vst v63  }
0x46: {  	_ =	swait.ge [sflag:s11], $0x3E80  }
0x47: {  	[sflag:s11] =	ssyncset.done $0x0  }
0x48: {  	[sflag:s11] =	ssyncadd.s32 $0xFFFFC180  }
0x49: {  	_ =	swait.ge [sflag:s19], $0x3E80  }
0x4a: {  	[sflag:s19] =	ssyncset.done $0x0  }
0x4b: {  	[sflag:s19] =	ssyncadd.s32 $0xFFFFC180  }
0x4c: {  	[spmem:s2] =	stream.indirect.scatter.add.f32 [tilespmem:s17], [sflag:$0x3], $0x80, s21, s14, $0xb8;
	[tilespmem:$0x1E500] =	vst v63  }
0x4d: {  	_ =	swait.ge [sflag:s11], $0x3E80  }
0x4e: {  	[sflag:s11] =	ssyncset.done $0x0  }
0x4f: {  	[sflag:s11] =	ssyncadd.s32 $0xFFFFC180  }
0x50: {  	s26 =	simm.s32 @p0 $0x3;
	[bflag:$0x0] =	sbarrier.arrive $0xFFFF  }
0x51: {  	[hbm:s22], [sflag:s7] =	dma.local @p0 [spmem:s23], $0x1900  }
0x52: {  	_ =	swait.ge @p0 [sflag:s26], $0x1900  }
0x53: {  	s25 =	sadd.s32 $0x1, s25;
	[sflag:s26] =	ssyncset.done @p0 $0x0  }
0x54: {  	p1 =	sne.s32 s25, s9;
	[sflag:s26] =	ssyncadd.s32 @p0 $0xFFFFE700;
	s26 =	sshrl.u32 @!p0 s6, $0x3  }
0x55: {  	[hbm:s24], [sflag:s7] =	dma.local @!p0 [spmem:s26], $0x2800  }
.Ltmp1:
0x56: {  	_ = 	snop;
	(pc) =	sbr.rel @p1 .LBB2_1-.Ltmp1, $4  }
0x57: {  	s26 =	simm.s32 @!p0 $0x3  }
0x58: {  	_ =	swait.ge @!p0 [sflag:s26], $0x2800  }
0x59: {  	[sflag:s26] =	ssyncset.done @!p0 $0x0  }
0x5a: {  	[sflag:s26] =	ssyncadd.s32 @!p0 $0xFFFFD800  }
0x5b: {  	_ =	sfence.sel $0x180000  }
0x5c: {  	[bflag:$0x0] =	sbarrier.arrive $0xFFFF  }
0x5d: {  	p0 =	sne.s32 s0, $0x0;
	_ =	strace $0x9000004D  }
0x5e: {  	s0 =	sadd.s32 @!p0 $0x100000, s1;
	[bflag:$0x2] =	sbarrier.arrive $0xFFFF  }
0x5f: {  	[sflag:s0] =	ssyncadd.tile.s32 @!p0 $0x1;
	_ =	shalt  }
.Lfunc_end2:
_tile_overlayer_lowered:
.L_overlay_start_2:
0x60: {  	(tag) =	ssettag $0x2  }
0x61: {  	s0 =	rddreg [dreg:$0x0];
	s2 =	stileid.u32  }
0x62: {  	s1 =	rddreg [dreg:$0x1];
	p0 =	sne.s32 s2, $0x0  }
0x63: {  	s3 =	rddreg [dreg:$0x2];
	[bflag:$0x3] =	sbarrier.arrive $0xFFFF;
	s2 =	simm.s32 @!p0 $0x1C03  }
0x64: {  	[timem:s3], [sflag:s2] =	dma.local @!p0 [hbm:s0], s1  }
0x65: {  	s0 =	simm.s32 @!p0 $0x3  }
0x66: {  	_ =	swait.ge @!p0 [sflag:s0], s1  }
0x67: {  	s1 =	ssub.s32 @!p0 $0x0, s1;
	[sflag:s0] =	ssyncset.done @!p0 $0x0  }
0x68: {  	[sflag:s0] =	ssyncadd.s32 @!p0 s1  }
0x69: {  	[bflag:$0x3] =	sbarrier.arrive $0xFFFF  }
0x6a: {  	_ =	shalt  }

// kernel: kernel.19.cloned.1.call-start
scs
__scs_entry_jumppad:
0x0: {  	(pc) =	sbr.rel $0x88, $3  }
0x1: {  	(tag) =	ssettag $0x0;
	lr =	simm.s32 $0x1  }
0x2: {  	[smem:$0x3F92] =	sst lr;
	_ =	strace $0xD0000000  }
0x3: {  	_ = 	snop  }
0x4: {  	_ = 	snop  }
0x5: {  	_ = 	snop  }
0x6: {  	_ = 	snop  }
0x7: {  	_ = 	snop  }
__scs_overlays_trampoline_lowered:
0x8: {  	[smem:$0x3FA1] =	sst s0  }
0x9: {  	[smem:$0x3FA2] =	sst s1  }
0xa: {  	[smem:$0x3FA3] =	sst s2  }
0xb: {  	[smem:$0x3FA4] =	sst s3  }
0xc: {  	[smem:$0x3FA5] =	sst s4  }
0xd: {  	[smem:$0x3FA6] =	sst s5  }
0xe: {  	[smem:$0x3FA7] =	sst s6  }
0xf: {  	[smem:$0x3FA8] =	sst s7  }
0x10: {  	[smem:$0x3FA9] =	sst s8  }
0x11: {  	[smem:$0x3FAA] =	sst s9;
	s0 =	simm.s32 @!p0 $0x0  }
0x12: {  	s1 =	sld [smem:$0x3F90];
	s0 =	simm.s32 @p0 $0x1  }
0x13: {  	[smem:$0x3FAB] =	sst s0;
	s0 =	simm.s32 @!p1 $0x0  }
0x14: {  	s2 =	sld [smem:$0x3F8F];
	s0 =	simm.s32 @p1 $0x1  }
0x15: {  	[smem:$0x3FAC] =	sst s0;
	s0 =	simm.s32 @!p2 $0x0  }
0x16: {  	s3 =	sld [smem:$0x3FDB];
	s0 =	simm.s32 @p2 $0x1  }
0x17: {  	s4 =	simm.s32 $0x1BF5;
	[smem:$0x3FAE] =	sst s0  }
0x18: {  	s0 =	sld [smem:$0x3F91];
	_ =	swait.ge [sflag:s4], $0x0  }
0x19: {  	s7 =	sld [smem:$0x3F92]  }
0x1a: {  	s8 =	sadd.s32 $0xFFFFE003, lr  }
0x1b: {  	s9 =	sadd.s32 $0xFFFFFEF7, lr;
	s5 =	simm.s32 $0xFFFFFFFF;
	p2 =	slt.u32 s8, $0xFFFFF086  }
0x1c: {  	p1 =	slt.u32 s9, $0xF7A;
	s5 =	simm.s32 @!p2 $0x0  }
0x1d: {  	s5 =	simm.s32 @p1 $0x1;
	p0 =	seq.s32 s7, s2  }
0x1e: {  	s7 =	smul.u32 @!p0 $0xF7A, s2;
	p2 =	seq.s32 @!p0 s5, $0x0  }
0x1f: {  	s9 =	smul.u32 $0xF7A, s1;
	s8 =	simm.s32 @!p0 $0x1BF5;
	p2 =	por !p2, p0  }
0x20: {  	[sflag:s8] =	ssyncset.s32 @!p0 $0xFFFFF086;
	s6 =	sadd.s32 @!p0 s3, s7;
	s7 =	simm.s32 @!p0 $0x108  }
0x21: {  	s3 =	sadd.s32 s3, s9;
	s6 =	sadd.s32 @!p0 $0x88, s6;
	s7 =	simm.s32 @p2 $0x1082  }
0x22: {  	[simem:s7], [sflag:s8] =	dma.local @!p0 [hbm:s6], $0xF7A  }
0x23: {  	s9 =	sor.u32 $0xD0000000, s2;
	s6 =	simm.s32 $0x108;
	_ =	swait.ge @!p0 [sflag:s8], $0x0  }
0x24: {  	s3 =	sadd.s32 $0x88, s3;
	s6 =	simm.s32 @!p1 $0x1082;
	[sflag:s4] =	ssyncset.s32 $0xFFFFF086  }
0x25: {  	[simem:s6], [sflag:s4] =	dma.local [hbm:s3], $0xF7A  }
0x26: {  	[smem:$0x3F92] =	sst s1;
	(tag) =	ssettag s2;
	_ =	strace s9  }
0x27: {  	s1 =	sld [smem:$0x3FA2]  }
0x28: {  	s2 =	sld [smem:$0x3FA3]  }
0x29: {  	s4 =	sld [smem:$0x3FA5]  }
0x2a: {  	p0 =	seq.s32 s5, $0x0;
	s5 =	sld [smem:$0x3FA6]  }
0x2b: {  	s6 =	sld [smem:$0x3FA7]  }
0x2c: {  	s7 =	sld [smem:$0x3FA8]  }
0x2d: {  	s3 =	simm.s32 $0x108;
	s8 =	sld [smem:$0x3FA9]  }
0x2e: {  	s3 =	simm.s32 @!p0 $0x1082;
	s9 =	sld [smem:$0x3FAA]  }
0x2f: {  	lr =	sadd.s32 s0, s3;
	s0 =	sld [smem:$0x3FA1]  }
0x30: {  	s3 =	sld [smem:$0x3FA4]  }
0x31: {  	[smem:$0x3FAD] =	sst s10  }
0x32: {  	s10 =	sld [smem:$0x3FAB];
	_ =	sdelay $0x3  }
0x33: {  	p0 =	seq.s32 s10, $0x1;
	s10 =	sld [smem:$0x3FAD];
	_ =	sdelay $0x3  }
0x34: {  	[smem:$0x3FAD] =	sst s10  }
0x35: {  	s10 =	sld [smem:$0x3FAC];
	_ =	sdelay $0x3  }
0x36: {  	p1 =	seq.s32 s10, $0x1;
	s10 =	sld [smem:$0x3FAD];
	_ =	sdelay $0x3  }
0x37: {  	[smem:$0x3FAD] =	sst s10  }
0x38: {  	s10 =	sld [smem:$0x3FAE]  }
0x39: {  	_ = 	snop;
	(pc) =	sbr.ind lr, $3  }
0x3a: {  	_ = 	snop  }
0x3b: {  	_ = 	snop  }
0x3c: {  	p2 =	seq.s32 s10, $0x1;
	s10 =	sld [smem:$0x3FAD]  }
0x3d: {  	_ =	shalt  }
0x3e: {  	_ =	shalt  }
0x3f: {  	_ =	shalt  }
0x40: {  	_ =	shalt  }
0x41: {  	_ =	shalt  }
0x42: {  	_ =	shalt  }
0x43: {  	_ =	shalt  }
0x44: {  	_ =	shalt  }
0x45: {  	_ =	shalt  }
0x46: {  	_ =	shalt  }
0x47: {  	_ =	shalt  }
0x48: {  	_ =	shalt  }
0x49: {  	_ =	shalt  }
0x4a: {  	_ =	shalt  }
0x4b: {  	_ =	shalt  }
0x4c: {  	_ =	shalt  }
0x4d: {  	_ =	shalt  }
0x4e: {  	_ =	shalt  }
0x4f: {  	_ =	shalt  }
0x50: {  	_ =	shalt  }
0x51: {  	_ =	shalt  }
0x52: {  	_ =	shalt  }
0x53: {  	_ =	shalt  }
0x54: {  	_ =	shalt  }
0x55: {  	_ =	shalt  }
0x56: {  	_ =	shalt  }
0x57: {  	_ =	shalt  }
0x58: {  	_ =	shalt  }
0x59: {  	_ =	shalt  }
0x5a: {  	_ =	shalt  }
0x5b: {  	_ =	shalt  }
0x5c: {  	_ =	shalt  }
0x5d: {  	_ =	shalt  }
0x5e: {  	_ =	shalt  }
0x5f: {  	_ =	shalt  }
0x60: {  	_ =	shalt  }
0x61: {  	_ =	shalt  }
0x62: {  	_ =	shalt  }
0x63: {  	_ =	shalt  }
0x64: {  	_ =	shalt  }
0x65: {  	_ =	shalt  }
0x66: {  	_ =	shalt  }
0x67: {  	_ =	shalt  }
0x68: {  	_ =	shalt  }
0x69: {  	_ =	shalt  }
0x6a: {  	_ =	shalt  }
0x6b: {  	_ =	shalt  }
0x6c: {  	_ =	shalt  }
0x6d: {  	_ =	shalt  }
0x6e: {  	_ =	shalt  }
0x6f: {  	_ =	shalt  }
0x70: {  	_ =	shalt  }
0x71: {  	_ =	shalt  }
0x72: {  	_ =	shalt  }
0x73: {  	_ =	shalt  }
0x74: {  	_ =	shalt  }
0x75: {  	_ =	shalt  }
0x76: {  	_ =	shalt  }
0x77: {  	_ =	shalt  }
0x78: {  	_ =	shalt  }
0x79: {  	_ =	shalt  }
0x7a: {  	_ =	shalt  }
0x7b: {  	_ =	shalt  }
0x7c: {  	_ =	shalt  }
0x7d: {  	_ =	shalt  }
0x7e: {  	_ =	shalt  }
0x7f: {  	_ =	shalt  }
0x80: {  	_ =	shalt  }
0x81: {  	_ =	shalt  }
0x82: {  	_ =	shalt  }
0x83: {  	_ =	shalt  }
0x84: {  	_ =	shalt  }
0x85: {  	_ =	shalt  }
0x86: {  	_ =	shalt  }
0x87: {  	_ =	shalt  }
.Lfunc_end0:
.L_simem_size_0:
called_computation.3_lowered:
.L_overlay_start_0:
0x88: {  	s2 =	sld [smem:$0x3FD9]  }
0x89: {  	s3 =	sld [smem:$0x3FFE];
	_ =	sdelay $0x1  }
0x8a: {  	s1 =	srdreg.scid  }
0x8b: {  	s0 =	sand.u32 $0x1, s1  }
0x8c: {  	s16 =	sshll.u32 s0, $0xA;
	s2 =	sadd.s32 s3, s2  }
0x8d: {  	s2 =	sadd.s32 s2, s16  }
0x8e: {  	[smem:$0x3FB9] =	sst s2  }
0x8f: {  	_ = 	snop  }
0x90: {  	(tm) =	ssettm $0x1  }
0x91: {  	s17 =	sld [smem:$0x3FFB];
	_ =	sdelay $0x3  }
0x92: {  	_ =	strace s17  }
0x93: {  	s2 =	sld [smem:$0x3FFC];
	_ =	sdelay $0x3  }
0x94: {  	_ =	strace s2  }
0x95: {  	s2 =	sld [smem:$0x3FFD];
	_ =	sdelay $0x3  }
0x96: {  	_ =	strace s2  }
0x97: {  	_ =	strace $0x8FFFFFFF  }
0x98: {  	s18 =	sld [smem:$0x3FDB];
	_ =	sdelay $0x1  }
0x99: {  	s19 =	simm.s32 $_scs_section_size  }
0x9a: {  	s4 =	simm.s32 $_size__tile_overlayer_lowered;
	s5 =	simm.s32 $_tile_overlayer_lowered  }
0x9b: {  	s22 =	simm.s32 $0x1BFF;
	s21 =	sshll.u32 s5, $0x1;
	s2 =	sadd.s32 s19, s18  }
0x9c: {  	s6 =	simm.s32 $0x0;
	s20 =	sshll.u32 s4, $0x1;
	s4 =	sadd.s32 s21, s2  }
0x9d: {  	[timem:s6], [sflag:s22] =	dma.local [hbm:s4], s20  }
0x9e: {  	_ =	swait.ge [sflag:s22], s20  }
0x9f: {  	s3 =	ssub.s32 $0x0, s20;
	[sflag:s22] =	ssyncset.done $0x0  }
0xa0: {  	[sflag:s22] =	ssyncadd.s32 s3;
	_ =	sdelay $0x1  }
0xa1: {  	s23 =	simm.s32 $0x1B8B  }
0xa2: {  	_ =	swait.ge [sflag:s23], $0x1  }
0xa3: {  	[sflag:s23] =	ssyncset.done $0x0  }
0xa4: {  	s25 =	simm.s32 $0x1B8E;
	s24 =	sld [smem:$0x3FFE];
	[sflag:s23] =	ssyncadd.s32 $0xFFFFFFFF  }
0xa5: {  	s26 =	simm.s32 $execute0_lowered;
	[smem:$0x3FD2] =	sst s25  }
0xa6: {  	s4 =	sshll.u32 s26, $0x1;
	_ =	strace $0x8000004F;
	[dreg:$0x1] =	wrdreg $0xFFFFFFFF  }
0xa7: {  	s28 =	simm.s32 $_size_execute0_lowered;
	s2 =	sadd.s32 s2, s4;
	[dreg:$0x0] =	wrdreg $0x0  }
0xa8: {  	s4 =	sshll.u32 s28, $0x1;
	[dreg:$0x2] =	wrdreg s2  }
0xa9: {  	[dreg:$0x3] =	wrdreg s4  }
0xaa: {  	[dreg:$0x4] =	wrdreg $0xC0  }
0xab: {  	_ =	task [dreg:s6], $0x5FFFF  }
0xac: {  	[dreg:$0x1] =	wrdreg $0xFFFFFFFF  }
0xad: {  	[dreg:$0x0] =	wrdreg $0x60  }
0xae: {  	[dreg:$0x2] =	wrdreg s24  }
0xaf: {  	[dreg:$0x3] =	wrdreg $0xA5000  }
0xb0: {  	[dreg:$0x4] =	wrdreg $0x9  }
0xb1: {  	_ =	task.clear_ibuf [dreg:s6], $0x5FFFF;
	_ =	strace $0x9000004F  }
0xb2: {  	s29 =	simm.s32 $0x9;
	_ =	strace $0x80000051  }
0xb3: {  	_ =	swait.ge [sflag:s29], $0x1  }
0xb4: {  	[sflag:s29] =	ssyncadd.s32 $0xFFFFFFFF  }
0xb5: {  	_ =	strace $0x90000051  }
0xb6: {  	_ =	sfence  }
0xb7: {  	s30 =	sld [smem:$0x0];
	_ =	sdelay $0x2  }
0xb8: {  	s31 =	sshll.u32 s1, $0xD;
	s1 =	sshrl.u32 s1, $0x2  }
0xb9: {  	s3 =	sand.u32 $0x4000, s31;
	s1 =	sadd.s32 s1, s30  }
0xba: {  	s0 =	sor.u32 s3, s0;
	s1 =	sshll.u32 s1, $0x11  }
0xbb: {  	s0 =	sor.u32 s1, s0  }
0xbc: {  	s0 =	sadd.s32 $0x8F2B, s0  }
0xbd: {  	[sflag:s0] =	ssyncadd.remote.s32 $0x1  }
0xbe: {  	_ =	sfence.sel $0xFFFF  }
0xbf: {  	[dreg:$0x0] =	wrdreg $0xFFFFFFFF;
	(pc) =	sbr.abs _section_cstart, $3  }
0xc0: {  	[dreg:$0x1] =	wrdreg $0xFFFFFFFF  }
0xc1: {  	_ =	task.clear_ibuf [dreg:s6], $0x2FFFF;
	_ =	strace $0x9FFFFFFF  }
0xc2: {  	(tm) =	ssettm $0x7FFFFFFF  }
0xc3: {  	_ =	shalt  }
tec
execute0_lowered:
.L_overlay_start_1:
0x0: {  	(tag) =	ssettag $0x1  }
0x1: {  	s7 =	rddreg [dreg:$0x0]  }
0x2: {  	s1 =	rddreg [dreg:$0x1];
	s2 =	simm.s32 $0x0  }
0x3: {  	s3 =	srdreg.scid;
	s15 =	simm.s32 $0x3;
	s17 =	simm.s32 $0x1400  }
0x4: {  	s18 =	simm.s32 $0x7D;
	s19 =	simm.s32 $0x2800;
	s20 =	simm.s32 $0x80  }
0x5: {  	s21 =	simm.s32 $0x6680;
	s22 =	simm.s32 $0x1;
	s23 =	simm.s32 $0x2  }
0x6: {  	s26 =	simm.s32 $0x2700;
	s28 =	simm.s32 $0x2780;
	s29 =	simm.s32 $0x0  }
0x7: {  	[smem:$0x7FF] =	sst s2;
	s4 =	sand.u32 $0x1, s3;
	s3 =	stileid.u32  }
0x8: {  	s13 =	sadd.s32 $0x4600, s7;
	s24 =	sadd.s32 $0x12C000, s1;
	s5 =	smul.u32 $0x27100, s4  }
0x9: {  	_ =	strace $0x80000050;
	s6 =	ssub.s32 $0x2, s4;
	s10 =	smul.u32 $0x14000, s3  }
0xa: {  	s4 =	sadd.s32 $0x35800, s7;
	s31 =	sshll.u32 s3, $0x6;
	p0 =	seq.s32 s3, $0xF  }
0xb: {  	s16 =	smul.u32 $0x500, s3;
	s30 =	sshrl.u32 s6, $0x1;
	s24 =	sshrl.u32 @p0 s24, $0x3  }
0xc: {  	s9 =	sadd.s32 s5, s7;
	s11 =	ssub.s32 s6, s30;
	s5 =	sadd.s32 s10, s1  }
0xd: {  	s6 =	sor.u32 $0x1C03, s31;
	s7 =	sadd.s32 $0x9600, s7;
	s25 =	sshrl.u32 s10, $0x3  }
0xe: {  	s12 =	sadd.s32 s13, s16;
	s8 =	sadd.s32 $0x38000, s9;
	s9 =	sadd.s32 $0x86200, s9  }
0xf: {  	s10 =	smax.u32 s11, $0x1;
	s11 =	sadd.s32 $0x280, s16;
	s14 =	sshrl.u32 s5, $0x3  }
0x10: {  	s16 =	sadd.s32 s16, s7;
	s13 =	sadd.s32 s13, s11;
	s25 =	sadd.s32 @!p0 s25, s9  }
.LBB2_1:
0x11: {  	[spmem:s14], [sflag:s6] =	dma.local [hbm:s4], $0x2800  }
0x12: {  	_ =	swait.ge [sflag:s15], $0x2800  }
0x13: {  	[sflag:s15] =	ssyncset.done $0x0  }
0x14: {  	[sflag:s15] =	ssyncadd.s32 $0xFFFFD800  }
0x15: {  	[bflag:$0x0] =	sbarrier.arrive $0xFFFF  }
0x16: {  	[tilespmem:s2], [sflag:$0x3] =	stream.linear.gather [hbm4b:s12+s2], $0x1400, $0x38;
	[tilespmem:$0x1E500] =	vst v63  }
0x17: {  	_ =	swait.ge [sflag:s15], $0x1400  }
0x18: {  	[sflag:s15] =	ssyncset.done $0x0  }
0x19: {  	[sflag:s15] =	ssyncadd.s32 $0xFFFFEC00  }
0x1a: {  	[tilespmem:s17], [sflag:$0x3] =	stream.linear.gather [hbm4b:s16+s2], $0x1400, $0x38;
	[tilespmem:$0x1E500] =	vst v63  }
0x1b: {  	_ =	swait.ge [sflag:s15], $0x1400  }
0x1c: {  	[sflag:s15] =	ssyncset.done $0x0  }
0x1d: {  	[sflag:s15] =	ssyncadd.s32 $0xFFFFEC00  }
0x1e: {  	[tilespmem:s19], [sflag:$0x1] =	stream.indirect.gather [hbm4b:s8+s18], $0x80, s2, s18, $0xb8;
	[tilespmem:$0x1E500] =	vst v63  }
0x1f: {  	_ = 	snop  }
0x20: {  	[tilespmem:s21], [sflag:$0x2] =	stream.indirect.gather [hbm4b:s8+s18], $0x80, s20, s18, $0xb8;
	[tilespmem:$0x1E500] =	vst v63  }
0x21: {  	_ =	swait.ge [sflag:s22], $0x3E80  }
0x22: {  	[sflag:s22] =	ssyncset.done $0x0  }
0x23: {  	s30 =	simm.s32 $0x1400;
	[sflag:s22] =	ssyncadd.s32 $0xFFFFC180  }
0x24: {  	[spmem:s1] =	stream.indirect.scatter.add.f32 [tilespmem:s19], [sflag:$0x3], $0x80, s30, s18, $0xb8;
	[tilespmem:$0x1E500] =	vst v63  }
0x25: {  	_ =	swait.ge [sflag:s15], $0x3E80  }
0x26: {  	[sflag:s15] =	ssyncset.done $0x0  }
0x27: {  	s30 =	simm.s32 $0x100;
	[sflag:s15] =	ssyncadd.s32 $0xFFFFC180  }
0x28: {  	[tilespmem:s19], [sflag:$0x1] =	stream.indirect.gather [hbm4b:s8+s18], $0x80, s30, s18, $0xb8;
	[tilespmem:$0x1E500] =	vst v63  }
0x29: {  	_ =	swait.ge [sflag:s23], $0x3E80  }
0x2a: {  	[sflag:s23] =	ssyncset.done $0x0  }
0x2b: {  	s30 =	simm.s32 $0x1480;
	[sflag:s23] =	ssyncadd.s32 $0xFFFFC180  }
0x2c: {  	[spmem:s1] =	stream.indirect.scatter.add.f32 [tilespmem:s21], [sflag:$0x3], $0x80, s30, s18, $0xb8;
	[tilespmem:$0x1E500] =	vst v63  }
0x2d: {  	_ =	swait.ge [sflag:s15], $0x3E80  }
0x2e: {  	[sflag:s15] =	ssyncset.done $0x0  }
0x2f: {  	s31 =	simm.s32 $0x180;
	s30 =	simm.s32 $0x400;
	[sflag:s15] =	ssyncadd.s32 $0xFFFFC180  }
.LBB2_2:
0x30: {  	[tilespmem:s21], [sflag:$0x2] =	stream.indirect.gather [hbm4b:s8+s18], $0x80, s31, s18, $0xb8;
	[tilespmem:$0x1E500] =	vst v63  }
0x31: {  	s31 =	smov.u32 s30  }
0x32: {  	p1 =	sne.s32 s30, $0x4800;
	s30 =	sadd.s32 $0x400, s30;
	_ =	swait.ge [sflag:s22], $0x3E80  }
0x33: {  	s31 =	sshra.s32 s31, $0x2;
	[sflag:s22] =	ssyncset.done $0x0  }
0x34: {  	s0 =	sadd.s32 $0x1400, s31;
	[sflag:s22] =	ssyncadd.s32 $0xFFFFC180  }
0x35: {  	[spmem:s1] =	stream.indirect.scatter.add.f32 [tilespmem:s19], [sflag:$0x3], $0x80, s0, s18, $0xb8;
	[tilespmem:$0x1E500] =	vst v63  }
0x36: {  	_ =	swait.ge [sflag:s15], $0x3E80  }
0x37: {  	[sflag:s15] =	ssyncset.done $0x0  }
0x38: {  	s0 =	sadd.s32 $0x100, s31;
	[sflag:s15] =	ssyncadd.s32 $0xFFFFC180  }
0x39: {  	[tilespmem:s19], [sflag:$0x1] =	stream.indirect.gather [hbm4b:s8+s18], $0x80, s0, s18, $0xb8;
	[tilespmem:$0x1E500] =	vst v63  }
0x3a: {  	_ =	swait.ge [sflag:s23], $0x3E80  }
0x3b: {  	[sflag:s23] =	ssyncset.done $0x0  }
.Ltmp0:
0x3c: {  	s0 =	sadd.s32 $0x1480, s31;
	[sflag:s23] =	ssyncadd.s32 $0xFFFFC180;
	(pc) =	sbr.rel @p1 .LBB2_2-.Ltmp0, $4  }
0x3d: {  	[spmem:s1] =	stream.indirect.scatter.add.f32 [tilespmem:s21], [sflag:$0x3], $0x80, s0, s18, $0xb8;
	[tilespmem:$0x1E500] =	vst v63  }
0x3e: {  	_ =	swait.ge [sflag:s15], $0x3E80  }
0x3f: {  	[sflag:s15] =	ssyncset.done $0x0  }
0x40: {  	s31 =	sadd.s32 $0x180, s31;
	[sflag:s15] =	ssyncadd.s32 $0xFFFFC180  }
0x41: {  	[tilespmem:s21], [sflag:$0x2] =	stream.indirect.gather [hbm4b:s8+s18], $0x80, s31, s18, $0xb8;
	[tilespmem:$0x1E500] =	vst v63  }
0x42: {  	_ =	swait.ge [sflag:s22], $0x3E80  }
0x43: {  	[sflag:s22] =	ssyncset.done $0x0  }
0x44: {  	[sflag:s22] =	ssyncadd.s32 $0xFFFFC180  }
0x45: {  	[spmem:s1] =	stream.indirect.scatter.add.f32 [tilespmem:s19], [sflag:$0x3], $0x80, s26, s18, $0xb8;
	[tilespmem:$0x1E500] =	vst v63  }
0x46: {  	_ =	swait.ge [sflag:s15], $0x3E80  }
0x47: {  	[sflag:s15] =	ssyncset.done $0x0  }
0x48: {  	[sflag:s15] =	ssyncadd.s32 $0xFFFFC180  }
0x49: {  	_ =	swait.ge [sflag:s23], $0x3E80  }
0x4a: {  	[sflag:s23] =	ssyncset.done $0x0  }
0x4b: {  	[sflag:s23] =	ssyncadd.s32 $0xFFFFC180  }
0x4c: {  	[spmem:s1] =	stream.indirect.scatter.add.f32 [tilespmem:s21], [sflag:$0x3], $0x80, s28, s18, $0xb8;
	[tilespmem:$0x1E500] =	vst v63  }
0x4d: {  	_ =	swait.ge [sflag:s15], $0x3E80  }
0x4e: {  	[sflag:s15] =	ssyncset.done $0x0  }
0x4f: {  	s0 =	simm.s32 $0x0;
	[sflag:s15] =	ssyncadd.s32 $0xFFFFC180  }
0x50: {  	[tilespmem:s0], [sflag:$0x3] =	stream.linear.gather [hbm4b:s13+s0], $0x1400, $0x38;
	[tilespmem:$0x1E500] =	vst v63  }
0x51: {  	_ =	swait.ge [sflag:s15], $0x1400  }
0x52: {  	[sflag:s15] =	ssyncset.done $0x0  }
0x53: {  	s30 =	sadd.s32 s11, s7;
	[sflag:s15] =	ssyncadd.s32 $0xFFFFEC00  }
0x54: {  	[tilespmem:s17], [sflag:$0x3] =	stream.linear.gather [hbm4b:s30+s0], $0x1400, $0x38;
	[tilespmem:$0x1E500] =	vst v63  }
0x55: {  	_ =	swait.ge [sflag:s15], $0x1400  }
0x56: {  	[sflag:s15] =	ssyncset.done $0x0  }
0x57: {  	[sflag:s15] =	ssyncadd.s32 $0xFFFFEC00  }
0x58: {  	[tilespmem:s19], [sflag:$0x1] =	stream.indirect.gather [hbm4b:s8+s18], $0x80, s0, s18, $0xb8;
	[tilespmem:$0x1E500] =	vst v63  }
0x59: {  	_ = 	snop  }
0x5a: {  	[tilespmem:s21], [sflag:$0x2] =	stream.indirect.gather [hbm4b:s8+s18], $0x80, s20, s18, $0xb8;
	[tilespmem:$0x1E500] =	vst v63  }
0x5b: {  	_ =	swait.ge [sflag:s22], $0x3E80  }
0x5c: {  	[sflag:s22] =	ssyncset.done $0x0  }
0x5d: {  	s0 =	simm.s32 $0x1400;
	[sflag:s22] =	ssyncadd.s32 $0xFFFFC180  }
0x5e: {  	[spmem:s1] =	stream.indirect.scatter.add.f32 [tilespmem:s19], [sflag:$0x3], $0x80, s0, s18, $0xb8;
	[tilespmem:$0x1E500] =	vst v63  }
0x5f: {  	_ =	swait.ge [sflag:s15], $0x3E80  }
0x60: {  	[sflag:s15] =	ssyncset.done $0x0  }
0x61: {  	s0 =	simm.s32 $0x100;
	[sflag:s15] =	ssyncadd.s32 $0xFFFFC180  }
0x62: {  	[tilespmem:s19], [sflag:$0x1] =	stream.indirect.gather [hbm4b:s8+s18], $0x80, s0, s18, $0xb8;
	[tilespmem:$0x1E500] =	vst v63  }
0x63: {  	_ =	swait.ge [sflag:s23], $0x3E80  }
0x64: {  	[sflag:s23] =	ssyncset.done $0x0  }
0x65: {  	s0 =	simm.s32 $0x1480;
	[sflag:s23] =	ssyncadd.s32 $0xFFFFC180  }
0x66: {  	[spmem:s1] =	stream.indirect.scatter.add.f32 [tilespmem:s21], [sflag:$0x3], $0x80, s0, s18, $0xb8;
	[tilespmem:$0x1E500] =	vst v63  }
0x67: {  	_ =	swait.ge [sflag:s15], $0x3E80  }
0x68: {  	[sflag:s15] =	ssyncset.done $0x0  }
0x69: {  	s31 =	simm.s32 $0x180;
	s30 =	simm.s32 $0x400;
	[sflag:s15] =	ssyncadd.s32 $0xFFFFC180  }
.LBB2_4:
0x6a: {  	[tilespmem:s21], [sflag:$0x2] =	stream.indirect.gather [hbm4b:s8+s18], $0x80, s31, s18, $0xb8;
	[tilespmem:$0x1E500] =	vst v63  }
0x6b: {  	s0 =	smov.u32 s30  }
0x6c: {  	p1 =	sne.s32 s30, $0x4800;
	s30 =	sadd.s32 $0x400, s30;
	_ =	swait.ge [sflag:s22], $0x3E80  }
0x6d: {  	s0 =	sshra.s32 s0, $0x2;
	[sflag:s22] =	ssyncset.done $0x0  }
0x6e: {  	s31 =	sadd.s32 $0x1400, s0;
	[sflag:s22] =	ssyncadd.s32 $0xFFFFC180  }
0x6f: {  	[spmem:s1] =	stream.indirect.scatter.add.f32 [tilespmem:s19], [sflag:$0x3], $0x80, s31, s18, $0xb8;
	[tilespmem:$0x1E500] =	vst v63  }
0x70: {  	_ =	swait.ge [sflag:s15], $0x3E80  }
0x71: {  	[sflag:s15] =	ssyncset.done $0x0  }
0x72: {  	s31 =	sadd.s32 $0x100, s0;
	[sflag:s15] =	ssyncadd.s32 $0xFFFFC180  }
0x73: {  	[tilespmem:s19], [sflag:$0x1] =	stream.indirect.gather [hbm4b:s8+s18], $0x80, s31, s18, $0xb8;
	[tilespmem:$0x1E500] =	vst v63  }
0x74: {  	_ =	swait.ge [sflag:s23], $0x3E80  }
0x75: {  	[sflag:s23] =	ssyncset.done $0x0  }
.Ltmp1:
0x76: {  	s31 =	sadd.s32 $0x1480, s0;
	[sflag:s23] =	ssyncadd.s32 $0xFFFFC180;
	(pc) =	sbr.rel @p1 .LBB2_4-.Ltmp1, $4  }
0x77: {  	[spmem:s1] =	stream.indirect.scatter.add.f32 [tilespmem:s21], [sflag:$0x3], $0x80, s31, s18, $0xb8;
	[tilespmem:$0x1E500] =	vst v63  }
0x78: {  	_ =	swait.ge [sflag:s15], $0x3E80  }
0x79: {  	[sflag:s15] =	ssyncset.done $0x0  }
0x7a: {  	s31 =	sadd.s32 $0x180, s0;
	[sflag:s15] =	ssyncadd.s32 $0xFFFFC180  }
0x7b: {  	[tilespmem:s21], [sflag:$0x2] =	stream.indirect.gather [hbm4b:s8+s18], $0x80, s31, s18, $0xb8;
	[tilespmem:$0x1E500] =	vst v63  }
0x7c: {  	_ =	swait.ge [sflag:s22], $0x3E80  }
0x7d: {  	[sflag:s22] =	ssyncset.done $0x0  }
0x7e: {  	[sflag:s22] =	ssyncadd.s32 $0xFFFFC180  }
0x7f: {  	[spmem:s1] =	stream.indirect.scatter.add.f32 [tilespmem:s19], [sflag:$0x3], $0x80, s26, s18, $0xb8;
	[tilespmem:$0x1E500] =	vst v63  }
0x80: {  	_ =	swait.ge [sflag:s15], $0x3E80  }
0x81: {  	[sflag:s15] =	ssyncset.done $0x0  }
0x82: {  	[sflag:s15] =	ssyncadd.s32 $0xFFFFC180  }
0x83: {  	_ =	swait.ge [sflag:s23], $0x3E80  }
0x84: {  	[sflag:s23] =	ssyncset.done $0x0  }
0x85: {  	[sflag:s23] =	ssyncadd.s32 $0xFFFFC180  }
0x86: {  	[spmem:s1] =	stream.indirect.scatter.add.f32 [tilespmem:s21], [sflag:$0x3], $0x80, s28, s18, $0xb8;
	[tilespmem:$0x1E500] =	vst v63  }
0x87: {  	_ =	swait.ge [sflag:s15], $0x3E80  }
0x88: {  	[sflag:s15] =	ssyncset.done $0x0  }
0x89: {  	[sflag:s15] =	ssyncadd.s32 $0xFFFFC180  }
0x8a: {  	s0 =	sadd.s32 @p0 $0x25800, s9;
	[bflag:$0x0] =	sbarrier.arrive $0xFFFF  }
0x8b: {  	[hbm:s0], [sflag:s6] =	dma.local @p0 [spmem:s24], $0x1900  }
0x8c: {  	s0 =	simm.s32 @p0 $0x3  }
0x8d: {  	_ =	swait.ge @p0 [sflag:s0], $0x1900  }
0x8e: {  	s29 =	sadd.s32 $0x1, s29;
	[sflag:s0] =	ssyncset.done @p0 $0x0  }
0x8f: {  	p1 =	sne.s32 s29, s10;
	[sflag:s0] =	ssyncadd.s32 @p0 $0xFFFFE700;
	s0 =	sshrl.u32 @!p0 s5, $0x3  }
0x90: {  	[hbm:s25], [sflag:s6] =	dma.local @!p0 [spmem:s0], $0x2800  }
.Ltmp2:
0x91: {  	_ = 	snop;
	(pc) =	sbr.rel @p1 .LBB2_1-.Ltmp2, $4  }
0x92: {  	s0 =	simm.s32 @!p0 $0x3  }
0x93: {  	_ =	swait.ge @!p0 [sflag:s0], $0x2800  }
0x94: {  	[sflag:s0] =	ssyncset.done @!p0 $0x0  }
0x95: {  	[sflag:s0] =	ssyncadd.s32 @!p0 $0xFFFFD800  }
0x96: {  	_ =	sfence.sel $0x180000  }
0x97: {  	[bflag:$0x0] =	sbarrier.arrive $0xFFFF  }
0x98: {  	_ =	strace $0x90000050  }
0x99: {  	[bflag:$0x2] =	sbarrier.arrive $0xFFFF  }
0x9a: {  	p0 =	sne.s32 s3, $0x0;
	s0 =	rddreg [dreg:$0x2]  }
0x9b: {  	s0 =	sadd.s32 @!p0 $0x100000, s0  }
0x9c: {  	[sflag:s0] =	ssyncadd.tile.s32 @!p0 $0x1;
	_ =	shalt  }
.Lfunc_end2:
_tile_overlayer_lowered:
.L_overlay_start_2:
0x9d: {  	(tag) =	ssettag $0x2  }
0x9e: {  	s0 =	rddreg [dreg:$0x0];
	s2 =	stileid.u32  }
0x9f: {  	s1 =	rddreg [dreg:$0x1];
	p0 =	sne.s32 s2, $0x0  }
0xa0: {  	s3 =	rddreg [dreg:$0x2];
	[bflag:$0x3] =	sbarrier.arrive $0xFFFF;
	s2 =	simm.s32 @!p0 $0x1C03  }
0xa1: {  	[timem:s3], [sflag:s2] =	dma.local @!p0 [hbm:s0], s1  }
0xa2: {  	s0 =	simm.s32 @!p0 $0x3  }
0xa3: {  	_ =	swait.ge @!p0 [sflag:s0], s1  }
0xa4: {  	s1 =	ssub.s32 @!p0 $0x0, s1;
	[sflag:s0] =	ssyncset.done @!p0 $0x0  }
0xa5: {  	[sflag:s0] =	ssyncadd.s32 @!p0 s1  }
0xa6: {  	[bflag:$0x3] =	sbarrier.arrive $0xFFFF  }
0xa7: {  	_ =	shalt  }

</sc_bundles>
